<compile_context>
chip_gen: v7x
topology: tpu7x:2x2x1
jax: 0.10.2.dev20260603
libtpu: 0.0.44.dev20260713+nightly
codegen_flags: <defaults>
</compile_context>

<pallas_src>
import functools

import jax
import jax.numpy as jnp
from jax import lax
from jax.experimental import pallas as pl
from jax.experimental.pallas import tpu as pltpu
from jax.experimental.pallas import tpu_sc as plsc

NC, NS, L = 2, 16, 16
NW = NC * NS
BT = 512
BS = 512


def _shift_right(a, sh):
    z = jnp.zeros(a.shape[:1] + (sh,) + a.shape[2:], a.dtype)
    return jnp.concatenate([z, a[:, :-sh]], axis=1)


def _router_body(x_ref, gw_ref, sgw_ref, mi_ref, mf_ref, *, T, E, NRT):
    x = x_ref[...]
    lt = lax.dot_general(gw_ref[...], x, (((1,), (1,)), ((), ())),
                         preferred_element_type=jnp.float32)
    ls = lax.dot_general(sgw_ref[...], x, (((1,), (1,)), ((), ())),
                         preferred_element_type=jnp.float32)
    rows_e = lax.broadcasted_iota(jnp.int32, (E, T), 0)

    m = jnp.max(lt, axis=0, keepdims=True)
    p = jnp.exp(lt - m)
    p = p / jnp.sum(p, axis=0, keepdims=True)

    p1 = jnp.max(p, axis=0, keepdims=True)
    a1 = jnp.min(jnp.where(p == p1, rows_e, E), axis=0, keepdims=True)
    p_wo = jnp.where(rows_e == a1, -1.0, p)
    p2 = jnp.max(p_wo, axis=0, keepdims=True)
    a2 = jnp.min(jnp.where(p_wo == p2, rows_e, E), axis=0, keepdims=True)
    wsum = p1 + p2
    w1, w2 = p1 / wsum, p2 / wsum
    g = 1.0 / (1.0 + jnp.exp(-ls))

    m0 = (rows_e == a1)
    m1 = (rows_e == a2)
    mm = (m0 | m1).astype(jnp.int32)
    c = mm
    sh = 1
    while sh < T:
        c = c + _shift_right(c, sh)
        sh *= 2
    counts = c[:, T - 1:T]
    excl = c - mm
    rank0 = jnp.sum(jnp.where(m0, excl, 0), axis=0, keepdims=True)
    rank1 = jnp.sum(jnp.where(m1, excl, 0), axis=0, keepdims=True)

    nt = (counts + (BT - 1)) // BT
    ts = nt
    sh = 1
    while sh < E:
        z = jnp.zeros((sh, 1), jnp.int32)
        ts = ts + jnp.concatenate([z, ts[:-sh]], axis=0)
        sh *= 2
    tile_start = ts - nt
    off = tile_start * BT
    pos0 = jnp.sum(jnp.where(m0, off, 0), axis=0, keepdims=True) + rank0
    pos1 = jnp.sum(jnp.where(m1, off, 0), axis=0, keepdims=True) + rank1

    ti = lax.broadcasted_iota(jnp.int32, (E, NRT), 1)
    ts_b = jnp.broadcast_to(tile_start, (E, NRT))
    nt_b = jnp.broadcast_to(nt, (E, NRT))
    rows8 = lax.broadcasted_iota(jnp.int32, (E, NRT), 0)
    ind = ((ti >= ts_b) & (ti < ts_b + nt_b)).astype(jnp.int32)
    any_ind = jnp.sum(ind, axis=0, keepdims=True)
    te = jnp.sum(ind * rows8, axis=0, keepdims=True) - (1 - any_ind)

    mi_ref[0:1, :] = pos0
    mi_ref[1:2, :] = pos1
    mi_ref[2:3, 0:NRT] = te
    mf_ref[0:1, :] = w1
    mf_ref[1:2, :] = w2
    mf_ref[2:3, :] = g


def _dispatch_body(x_hbm, mi_hbm, xs_hbm, buf, idx0, idx1, sem0, sem1, *, chunk):
    wid = lax.axis_index("s") * NC + lax.axis_index("c")
    base = pl.multiple_of(wid * chunk, 8)
    pltpu.sync_copy(x_hbm.at[pl.ds(base, chunk)], buf)
    pltpu.sync_copy(mi_hbm.at[0, pl.ds(base, chunk)], idx0)
    pltpu.sync_copy(mi_hbm.at[1, pl.ds(base, chunk)], idx1)
    c0 = pltpu.async_copy(buf, xs_hbm.at[idx0], sem0)
    c1 = pltpu.async_copy(buf, xs_hbm.at[idx1], sem1)
    c0.wait()
    c1.wait()


def _shared_body(x_ref, wgu_ref, wd_ref, o_ref, *, I):
    gu = lax.dot_general(x_ref[...], wgu_ref[...], (((1,), (1,)), ((), ())),
                         preferred_element_type=jnp.float32)
    gt = gu[:, :I]
    up = gu[:, I:]
    act = gt * (1.0 / (1.0 + jnp.exp(-gt))) * up
    o_ref[...] = lax.dot_general(act, wd_ref[...], (((1,), (1,)), ((), ())),
                                 preferred_element_type=jnp.float32)


def _ffn_body(te_ref, xs_ref, wgu_ref, wd_ref, o_ref, *, I, H):
    tev = te_ref[pl.program_id(0)]

    @pl.when(tev >= 0)
    def _():
        gu = lax.dot_general(xs_ref[...], wgu_ref[0], (((1,), (1,)), ((), ())),
                             preferred_element_type=jnp.float32)
        gt = gu[:, :I]
        up = gu[:, I:]
        act = gt * (1.0 / (1.0 + jnp.exp(-gt))) * up
        out = lax.dot_general(act, wd_ref[0], (((1,), (1,)), ((), ())),
                              preferred_element_type=jnp.float32)
        u_lo = lax.bitcast_convert_type(out[:, :H // 2], jnp.uint32)
        u_hi = lax.bitcast_convert_type(out[:, H // 2:], jnp.uint32)
        u_lo = u_lo + 0x7FFF + ((u_lo >> 16) & 1)
        u_hi = u_hi + 0x7FFF + ((u_hi >> 16) & 1)
        o_ref[...] = lax.bitcast_convert_type(
            (u_lo >> 16) | (u_hi & jnp.uint32(0xFFFF0000)), jnp.int32)


def _combine_body(orouted_hbm, oshared_hbm, mi_hbm, mf_hbm, out_hbm,
                  a0, a1, b0, b1, s0, s1, s2, w0b, w1b, gb, idx0, idx1,
                  sa0, sa1, sb0, sb1, ss0, ss1, ss2, so0, so1, so2,
                  *, rows, n_rounds, H):
    wid = lax.axis_index("s") * NC + lax.axis_index("c")
    nch = H // L
    chunk = rows * n_rounds
    gbase = pl.multiple_of(wid * chunk, 8)
    a_bufs, sa = (a0, a1), (sa0, sa1)
    b_bufs, sb = (b0, b1), (sb0, sb1)
    s_bufs, ss = (s0, s1, s2), (ss0, ss1, ss2)
    so = (so0, so1, so2)

    pltpu.sync_copy(mi_hbm.at[0, pl.ds(gbase, chunk)], idx0)
    pltpu.sync_copy(mi_hbm.at[1, pl.ds(gbase, chunk)], idx1)
    pltpu.sync_copy(mf_hbm.at[0, pl.ds(gbase, chunk)], w0b)
    pltpu.sync_copy(mf_hbm.at[1, pl.ds(gbase, chunk)], w1b)
    pltpu.sync_copy(mf_hbm.at[2, pl.ds(gbase, chunk)], gb)

    def issue(r):
        i0 = idx0[pl.ds(r * rows, rows)]
        i1 = idx1[pl.ds(r * rows, rows)]
        ca = pltpu.async_copy(orouted_hbm.at[i0], a_bufs[r % 2], sa[r % 2])
        cb = pltpu.async_copy(orouted_hbm.at[i1], b_bufs[r % 2], sb[r % 2])
        cs = pltpu.async_copy(
            oshared_hbm.at[pl.ds(pl.multiple_of(gbase + r * rows, 8), rows)],
            s_bufs[r % 3], ss[r % 3])
        return ca, cb, cs

    pend = {0: issue(0), 1: issue(1)}
    wouts = {}
    for r in range(n_rounds):
        for c in pend.pop(r):
            c.wait()
        a_buf, b_buf, s_buf = a_bufs[r % 2], b_bufs[r % 2], s_bufs[r % 3]

        @plsc.parallel_loop(0, rows)
        def row_body(rr, r=r, a_buf=a_buf, b_buf=b_buf, s_buf=s_buf):
            bidx = jnp.full((L,), r * rows + rr, jnp.int32)
            wv0 = plsc.load_gather(w0b, [bidx])
            wv1 = plsc.load_gather(w1b, [bidx])
            wvg = plsc.load_gather(gb, [bidx])

            @plsc.parallel_loop(0, nch // 2, unroll=8)
            def chunk_body(ci):
                o = pl.ds(pl.multiple_of(ci * L, L), L)
                ohi = pl.ds(pl.multiple_of(H // 2 + ci * L, L), L)
                av = a_buf[rr, o]
                bv = b_buf[rr, o]
                a_lo = plsc.bitcast(av << 16, jnp.float32)
                a_hi = plsc.bitcast(av & jnp.int32(-65536), jnp.float32)
                b_lo = plsc.bitcast(bv << 16, jnp.float32)
                b_hi = plsc.bitcast(bv & jnp.int32(-65536), jnp.float32)
                s_buf[rr, o] = (a_lo * wv0 + b_lo * wv1
                                + s_buf[rr, o] * wvg)
                s_buf[rr, ohi] = (a_hi * wv0 + b_hi * wv1
                                  + s_buf[rr, ohi] * wvg)

        wouts[r] = pltpu.async_copy(
            s_buf, out_hbm.at[pl.ds(pl.multiple_of(gbase + r * rows, 8), rows)],
            so[r % 3])
        if r + 2 < n_rounds:
            if r - 1 >= 0:
                wouts.pop(r - 1).wait()
            pend[r + 2] = issue(r + 2)
    for r in sorted(wouts):
        wouts[r].wait()


def kernel(hidden_states, gate_w, expert_gate_up_w, expert_down_w,
           shared_gate_up_w, shared_down_w, shared_expert_gate_w):
    T, H = hidden_states.shape
    E = gate_w.shape[0]
    I2 = expert_gate_up_w.shape[1]
    I = I2 // 2
    K = 2
    NRT = (T * K) // BT + E
    NRS = NRT * BT
    x = hidden_states.reshape(T, H)

    meta_i, meta_f = pl.pallas_call(
        functools.partial(_router_body, T=T, E=E, NRT=NRT),
        out_shape=(jax.ShapeDtypeStruct((8, T), jnp.int32),
                   jax.ShapeDtypeStruct((8, T), jnp.float32)),
    )(x, gate_w, shared_expert_gate_w)
    te = meta_i[2, :NRT]

    chunk = T // NW
    x_sorted = pl.kernel(
        functools.partial(_dispatch_body, chunk=chunk),
        out_type=jax.ShapeDtypeStruct((NRS, H), jnp.float32),
        mesh=plsc.VectorSubcoreMesh(core_axis_name="c", subcore_axis_name="s"),
        scratch_types=[
            pltpu.VMEM((chunk, H), jnp.float32),
            pltpu.VMEM((chunk,), jnp.int32),
            pltpu.VMEM((chunk,), jnp.int32),
            pltpu.SemaphoreType.DMA,
            pltpu.SemaphoreType.DMA,
        ],
    )(x, meta_i)

    out_shared = pl.pallas_call(
        functools.partial(_shared_body, I=I),
        grid=(T // BS,),
        in_specs=[
            pl.BlockSpec((BS, H), lambda i: (i, 0)),
            pl.BlockSpec((I2, H), lambda i: (0, 0)),
            pl.BlockSpec((H, I), lambda i: (0, 0)),
        ],
        out_specs=pl.BlockSpec((BS, H), lambda i: (i, 0)),
        out_shape=jax.ShapeDtypeStruct((T, H), jnp.float32),
    )(x, shared_gate_up_w, shared_down_w)

    out_routed = pl.pallas_call(
        functools.partial(_ffn_body, I=I, H=H),
        compiler_params=pltpu.CompilerParams(
            vmem_limit_bytes=100 * 1024 * 1024),
        grid_spec=pltpu.PrefetchScalarGridSpec(
            num_scalar_prefetch=1,
            grid=(NRT,),
            in_specs=[
                pl.BlockSpec((BT, H), lambda i, s: (i, 0)),
                pl.BlockSpec((1, I2, H),
                             lambda i, s, E=E: (jnp.where(s[i] < 0, E - 1, s[i]), 0, 0)),
                pl.BlockSpec((1, H, I),
                             lambda i, s, E=E: (jnp.where(s[i] < 0, E - 1, s[i]), 0, 0)),
            ],
            out_specs=pl.BlockSpec((BT, H // 2), lambda i, s: (i, 0)),
        ),
        out_shape=jax.ShapeDtypeStruct((NRS, H // 2), jnp.int32),
    )(te, x_sorted, expert_gate_up_w, expert_down_w)

    rows = 16
    n_rounds = chunk // rows
    final = pl.kernel(
        functools.partial(_combine_body, rows=rows, n_rounds=n_rounds, H=H),
        out_type=jax.ShapeDtypeStruct((T, H), jnp.float32),
        mesh=plsc.VectorSubcoreMesh(core_axis_name="c", subcore_axis_name="s"),
        compiler_params=pltpu.CompilerParams(needs_layout_passes=False),
        scratch_types=(
            [pltpu.VMEM((rows, H // 2), jnp.int32)] * 4
            + [pltpu.VMEM((rows, H), jnp.float32)] * 3
            + [pltpu.VMEM((chunk,), jnp.float32)] * 3
            + [pltpu.VMEM((chunk,), jnp.int32)] * 2
            + [pltpu.SemaphoreType.DMA] * 10
        ),
    )(out_routed, out_shared, meta_i, meta_f)

    return final.reshape(hidden_states.shape)

# --- scband reference (transcript-rebuilt; emitter-appended) ---
"""Pipeline reference for scband-qwen3-5-moe-sparse-moe-block-58600533787444 (READ-ONLY COPY).

The authoritative reference and input builder live on the scoring server;
editing this copy changes nothing except your own understanding.
"""

import jax, jax.numpy as jnp
import numpy as np

T, H, I, E, K = 2048, 1024, 512, 8, 2


def silu_and_mul(gu):
    g, u = jnp.split(gu, 2, axis=-1)
    return jax.nn.silu(g) * u


def setup_inputs(seed: int = 0) -> dict:
    key = jax.random.key(seed)
    ks = jax.random.split(key, 7)
    return {
        "hidden_states": jax.random.normal(ks[0], (T, H), dtype=jnp.float32),
        "gate_w": jax.random.normal(ks[1], (E, H), dtype=jnp.float32) * 0.02,
        "expert_gate_up_w": jax.random.normal(ks[2], (E, 2 * I, H), dtype=jnp.float32) * 0.02,
        "expert_down_w": jax.random.normal(ks[3], (E, H, I), dtype=jnp.float32) * 0.02,
        "shared_gate_up_w": jax.random.normal(ks[4], (2 * I, H), dtype=jnp.float32) * 0.02,
        "shared_down_w": jax.random.normal(ks[5], (H, I), dtype=jnp.float32) * 0.02,
        "shared_expert_gate_w": jax.random.normal(ks[6], (1, H), dtype=jnp.float32) * 0.02,
    }


def reference(hidden_states, gate_w, expert_gate_up_w, expert_down_w, shared_gate_up_w, shared_down_w, shared_expert_gate_w):
    x = hidden_states.reshape(-1, H)

    # shared expert (SwiGLU) with sigmoid gate
    shared_gu = x @ shared_gate_up_w.T                      # [T, 2I]
    shared_act = silu_and_mul(shared_gu)                    # [T, I]
    shared_out = shared_act @ shared_down_w.T               # [T, H]
    shared_gate = jax.nn.sigmoid(x @ shared_expert_gate_w.T)  # [T, 1]
    shared_out = shared_out * shared_gate

    # router: softmax -> top-k -> renormalize
    router_logits = x @ gate_w.T                            # [T, E]
    routing_weights = jax.nn.softmax(router_logits.astype(jnp.float32), axis=-1)
    topk_w, topk_idx = jax.lax.top_k(routing_weights, K)    # [T, K]
    topk_w = topk_w / jnp.sum(topk_w, axis=-1, keepdims=True)
    topk_w = topk_w.astype(x.dtype)

    # dense combine weights [T, E]
    combine = jnp.sum(topk_w[..., None] * jax.nn.one_hot(topk_idx, E, dtype=x.dtype), axis=1)

    # routed experts (dense masked formulation, faithful math)
    gu_all = jnp.einsum('th,eoh->teo', x, expert_gate_up_w)  # [T, E, 2I]
    act_all = silu_and_mul(gu_all)                           # [T, E, I]
    expert_out = jnp.einsum('tei,ehi->teh', act_all, expert_down_w)  # [T, E, H]
    routed = jnp.sum(combine[:, :, None] * expert_out, axis=1)       # [T, H]

    final = routed + shared_out
    return final.reshape(hidden_states.shape)

if __name__ == "__main__":
    import jax
    _d = setup_inputs()
    print(jax.jit(kernel)(*tuple(_d.values())))

</pallas_src>

<mosaic_0001>
#map = affine_map<(d0, d1) -> (0, 0)>
module attributes {stable_mosaic.version = 14 : i64} {
  func.func @_combine_body(%arg0: i32, %arg1: i32, %arg2: memref<8192x512xi32, #tpu.memory_space<hbm>>, %arg3: memref<2048x1024xf32, #tpu.memory_space<hbm>>, %arg4: memref<8x2048xi32, #tpu.memory_space<hbm>>, %arg5: memref<8x2048xf32, #tpu.memory_space<hbm>>, %arg6: memref<2048x1024xf32, #tpu.memory_space<hbm>>, %arg7: memref<16x512xi32, #tpu.memory_space<vmem>>, %arg8: memref<16x512xi32, #tpu.memory_space<vmem>>, %arg9: memref<16x512xi32, #tpu.memory_space<vmem>>, %arg10: memref<16x512xi32, #tpu.memory_space<vmem>>, %arg11: memref<16x1024xf32, #tpu.memory_space<vmem>>, %arg12: memref<16x1024xf32, #tpu.memory_space<vmem>>, %arg13: memref<16x1024xf32, #tpu.memory_space<vmem>>, %arg14: memref<64xf32, #tpu.memory_space<vmem>>, %arg15: memref<64xf32, #tpu.memory_space<vmem>>, %arg16: memref<64xf32, #tpu.memory_space<vmem>>, %arg17: memref<64xi32, #tpu.memory_space<vmem>>, %arg18: memref<64xi32, #tpu.memory_space<vmem>>, %arg19: memref<!tpu.dma_semaphore, #tpu.memory_space<semaphore_mem>>, %arg20: memref<!tpu.dma_semaphore, #tpu.memory_space<semaphore_mem>>, %arg21: memref<!tpu.dma_semaphore, #tpu.memory_space<semaphore_mem>>, %arg22: memref<!tpu.dma_semaphore, #tpu.memory_space<semaphore_mem>>, %arg23: memref<!tpu.dma_semaphore, #tpu.memory_space<semaphore_mem>>, %arg24: memref<!tpu.dma_semaphore, #tpu.memory_space<semaphore_mem>>, %arg25: memref<!tpu.dma_semaphore, #tpu.memory_space<semaphore_mem>>, %arg26: memref<!tpu.dma_semaphore, #tpu.memory_space<semaphore_mem>>, %arg27: memref<!tpu.dma_semaphore, #tpu.memory_space<semaphore_mem>>, %arg28: memref<!tpu.dma_semaphore, #tpu.memory_space<semaphore_mem>>) attributes {dimension_semantics = [#tpu.dimension_semantics<core_parallel>, #tpu.dimension_semantics<subcore_parallel>], iteration_bounds = array<i64: 2, 16>, scalar_prefetch = 0 : i64, scratch_operands = 22 : i64, tpu.core_type = #tpu.core_type<sc_vector_subcore>, window_params = [{transform_indices = #map}, {transform_indices = #map}, {transform_indices = #map}, {transform_indices = #map}, {transform_indices = #map}]} {
    %mul3A = arith.constant 2 : i32
    %mul3A_0 = arith.muli %arg1, %mul3A : i32
    %add3A = arith.addi %mul3A_0, %arg0 : i32
    %mul3A_1 = arith.constant 64 : i32
    %mul3A_2 = arith.muli %add3A, %mul3A_1 : i32
    %multiple_of3A = tpu.assume_multiple %mul3A_2, 8 : i32
    %run_scoped3A = arith.constant 0 : i32
    "tpu.region"() ({
      %run_scoped3A_167 = tpu.sem_alloc : memref<!tpu.dma_semaphore, #tpu.memory_space<semaphore_mem>>
      %dma_start3A_168 = tpu.memref_slice %arg4[%run_scoped3A, %multiple_of3A] : memref<8x2048xi32, #tpu.memory_space<hbm>> -> memref<1x64xi32, #tpu.memory_space<hbm>>
      %dma_start3A_169 = tpu.memref_squeeze %dma_start3A_168 : memref<1x64xi32, #tpu.memory_space<hbm>> -> memref<64xi32, #tpu.memory_space<hbm>>
      %dma_start3A_170 = tpu.memref_slice %arg4[%run_scoped3A, %multiple_of3A] : memref<8x2048xi32, #tpu.memory_space<hbm>> -> memref<1x64xi32, #tpu.memory_space<hbm>>
      %dma_start3A_171 = tpu.memref_squeeze %dma_start3A_170 : memref<1x64xi32, #tpu.memory_space<hbm>> -> memref<64xi32, #tpu.memory_space<hbm>>
      tpu.enqueue_dma source(%dma_start3A_171 : memref<64xi32, #tpu.memory_space<hbm>>) target(%arg17 : memref<64xi32, #tpu.memory_space<vmem>>) target_semaphore(%run_scoped3A_167 : memref<!tpu.dma_semaphore, #tpu.memory_space<semaphore_mem>>)
      %dma_wait3A_172 = tpu.memref_slice %arg4[%run_scoped3A, %multiple_of3A] : memref<8x2048xi32, #tpu.memory_space<hbm>> -> memref<1x64xi32, #tpu.memory_space<hbm>>
      %dma_wait3A_173 = tpu.memref_squeeze %dma_wait3A_172 : memref<1x64xi32, #tpu.memory_space<hbm>> -> memref<64xi32, #tpu.memory_space<hbm>>
      %dma_wait3A_174 = tpu.memref_slice %arg4[%run_scoped3A, %multiple_of3A] : memref<8x2048xi32, #tpu.memory_space<hbm>> -> memref<1x64xi32, #tpu.memory_space<hbm>>
      %dma_wait3A_175 = tpu.memref_squeeze %dma_wait3A_174 : memref<1x64xi32, #tpu.memory_space<hbm>> -> memref<64xi32, #tpu.memory_space<hbm>>
      tpu.wait_dma2 semaphore(%run_scoped3A_167 : memref<!tpu.dma_semaphore, #tpu.memory_space<semaphore_mem>>) src(%dma_wait3A_175 : memref<64xi32, #tpu.memory_space<hbm>>) dst(%arg17 : memref<64xi32, #tpu.memory_space<vmem>>)
      tpu.yield
    }) : () -> ()
    %run_scoped3A_3 = arith.constant 1 : i32
    "tpu.region"() ({
      %run_scoped3A_167 = tpu.sem_alloc : memref<!tpu.dma_semaphore, #tpu.memory_space<semaphore_mem>>
      %dma_start3A_168 = tpu.memref_slice %arg4[%run_scoped3A_3, %multiple_of3A] : memref<8x2048xi32, #tpu.memory_space<hbm>> -> memref<1x64xi32, #tpu.memory_space<hbm>>
      %dma_start3A_169 = tpu.memref_squeeze %dma_start3A_168 : memref<1x64xi32, #tpu.memory_space<hbm>> -> memref<64xi32, #tpu.memory_space<hbm>>
      %dma_start3A_170 = tpu.memref_slice %arg4[%run_scoped3A_3, %multiple_of3A] : memref<8x2048xi32, #tpu.memory_space<hbm>> -> memref<1x64xi32, #tpu.memory_space<hbm>>
      %dma_start3A_171 = tpu.memref_squeeze %dma_start3A_170 : memref<1x64xi32, #tpu.memory_space<hbm>> -> memref<64xi32, #tpu.memory_space<hbm>>
      tpu.enqueue_dma source(%dma_start3A_171 : memref<64xi32, #tpu.memory_space<hbm>>) target(%arg18 : memref<64xi32, #tpu.memory_space<vmem>>) target_semaphore(%run_scoped3A_167 : memref<!tpu.dma_semaphore, #tpu.memory_space<semaphore_mem>>)
      %dma_wait3A_172 = tpu.memref_slice %arg4[%run_scoped3A_3, %multiple_of3A] : memref<8x2048xi32, #tpu.memory_space<hbm>> -> memref<1x64xi32, #tpu.memory_space<hbm>>
      %dma_wait3A_173 = tpu.memref_squeeze %dma_wait3A_172 : memref<1x64xi32, #tpu.memory_space<hbm>> -> memref<64xi32, #tpu.memory_space<hbm>>
      %dma_wait3A_174 = tpu.memref_slice %arg4[%run_scoped3A_3, %multiple_of3A] : memref<8x2048xi32, #tpu.memory_space<hbm>> -> memref<1x64xi32, #tpu.memory_space<hbm>>
      %dma_wait3A_175 = tpu.memref_squeeze %dma_wait3A_174 : memref<1x64xi32, #tpu.memory_space<hbm>> -> memref<64xi32, #tpu.memory_space<hbm>>
      tpu.wait_dma2 semaphore(%run_scoped3A_167 : memref<!tpu.dma_semaphore, #tpu.memory_space<semaphore_mem>>) src(%dma_wait3A_175 : memref<64xi32, #tpu.memory_space<hbm>>) dst(%arg18 : memref<64xi32, #tpu.memory_space<vmem>>)
      tpu.yield
    }) : () -> ()
    %run_scoped3A_4 = arith.constant 0 : i32
    "tpu.region"() ({
      %run_scoped3A_167 = tpu.sem_alloc : memref<!tpu.dma_semaphore, #tpu.memory_space<semaphore_mem>>
      %dma_start3A_168 = tpu.memref_slice %arg5[%run_scoped3A_4, %multiple_of3A] : memref<8x2048xf32, #tpu.memory_space<hbm>> -> memref<1x64xf32, #tpu.memory_space<hbm>>
      %dma_start3A_169 = tpu.memref_squeeze %dma_start3A_168 : memref<1x64xf32, #tpu.memory_space<hbm>> -> memref<64xf32, #tpu.memory_space<hbm>>
      %dma_start3A_170 = tpu.memref_slice %arg5[%run_scoped3A_4, %multiple_of3A] : memref<8x2048xf32, #tpu.memory_space<hbm>> -> memref<1x64xf32, #tpu.memory_space<hbm>>
      %dma_start3A_171 = tpu.memref_squeeze %dma_start3A_170 : memref<1x64xf32, #tpu.memory_space<hbm>> -> memref<64xf32, #tpu.memory_space<hbm>>
      tpu.enqueue_dma source(%dma_start3A_171 : memref<64xf32, #tpu.memory_space<hbm>>) target(%arg14 : memref<64xf32, #tpu.memory_space<vmem>>) target_semaphore(%run_scoped3A_167 : memref<!tpu.dma_semaphore, #tpu.memory_space<semaphore_mem>>)
      %dma_wait3A_172 = tpu.memref_slice %arg5[%run_scoped3A_4, %multiple_of3A] : memref<8x2048xf32, #tpu.memory_space<hbm>> -> memref<1x64xf32, #tpu.memory_space<hbm>>
      %dma_wait3A_173 = tpu.memref_squeeze %dma_wait3A_172 : memref<1x64xf32, #tpu.memory_space<hbm>> -> memref<64xf32, #tpu.memory_space<hbm>>
      %dma_wait3A_174 = tpu.memref_slice %arg5[%run_scoped3A_4, %multiple_of3A] : memref<8x2048xf32, #tpu.memory_space<hbm>> -> memref<1x64xf32, #tpu.memory_space<hbm>>
      %dma_wait3A_175 = tpu.memref_squeeze %dma_wait3A_174 : memref<1x64xf32, #tpu.memory_space<hbm>> -> memref<64xf32, #tpu.memory_space<hbm>>
      tpu.wait_dma2 semaphore(%run_scoped3A_167 : memref<!tpu.dma_semaphore, #tpu.memory_space<semaphore_mem>>) src(%dma_wait3A_175 : memref<64xf32, #tpu.memory_space<hbm>>) dst(%arg14 : memref<64xf32, #tpu.memory_space<vmem>>)
      tpu.yield
    }) : () -> ()
    %run_scoped3A_5 = arith.constant 1 : i32
    "tpu.region"() ({
      %run_scoped3A_167 = tpu.sem_alloc : memref<!tpu.dma_semaphore, #tpu.memory_space<semaphore_mem>>
      %dma_start3A_168 = tpu.memref_slice %arg5[%run_scoped3A_5, %multiple_of3A] : memref<8x2048xf32, #tpu.memory_space<hbm>> -> memref<1x64xf32, #tpu.memory_space<hbm>>
      %dma_start3A_169 = tpu.memref_squeeze %dma_start3A_168 : memref<1x64xf32, #tpu.memory_space<hbm>> -> memref<64xf32, #tpu.memory_space<hbm>>
      %dma_start3A_170 = tpu.memref_slice %arg5[%run_scoped3A_5, %multiple_of3A] : memref<8x2048xf32, #tpu.memory_space<hbm>> -> memref<1x64xf32, #tpu.memory_space<hbm>>
      %dma_start3A_171 = tpu.memref_squeeze %dma_start3A_170 : memref<1x64xf32, #tpu.memory_space<hbm>> -> memref<64xf32, #tpu.memory_space<hbm>>
      tpu.enqueue_dma source(%dma_start3A_171 : memref<64xf32, #tpu.memory_space<hbm>>) target(%arg15 : memref<64xf32, #tpu.memory_space<vmem>>) target_semaphore(%run_scoped3A_167 : memref<!tpu.dma_semaphore, #tpu.memory_space<semaphore_mem>>)
      %dma_wait3A_172 = tpu.memref_slice %arg5[%run_scoped3A_5, %multiple_of3A] : memref<8x2048xf32, #tpu.memory_space<hbm>> -> memref<1x64xf32, #tpu.memory_space<hbm>>
      %dma_wait3A_173 = tpu.memref_squeeze %dma_wait3A_172 : memref<1x64xf32, #tpu.memory_space<hbm>> -> memref<64xf32, #tpu.memory_space<hbm>>
      %dma_wait3A_174 = tpu.memref_slice %arg5[%run_scoped3A_5, %multiple_of3A] : memref<8x2048xf32, #tpu.memory_space<hbm>> -> memref<1x64xf32, #tpu.memory_space<hbm>>
      %dma_wait3A_175 = tpu.memref_squeeze %dma_wait3A_174 : memref<1x64xf32, #tpu.memory_space<hbm>> -> memref<64xf32, #tpu.memory_space<hbm>>
      tpu.wait_dma2 semaphore(%run_scoped3A_167 : memref<!tpu.dma_semaphore, #tpu.memory_space<semaphore_mem>>) src(%dma_wait3A_175 : memref<64xf32, #tpu.memory_space<hbm>>) dst(%arg15 : memref<64xf32, #tpu.memory_space<vmem>>)
      tpu.yield
    }) : () -> ()
    %run_scoped3A_6 = arith.constant 2 : i32
    "tpu.region"() ({
      %run_scoped3A_167 = tpu.sem_alloc : memref<!tpu.dma_semaphore, #tpu.memory_space<semaphore_mem>>
      %dma_start3A_168 = tpu.memref_slice %arg5[%run_scoped3A_6, %multiple_of3A] : memref<8x2048xf32, #tpu.memory_space<hbm>> -> memref<1x64xf32, #tpu.memory_space<hbm>>
      %dma_start3A_169 = tpu.memref_squeeze %dma_start3A_168 : memref<1x64xf32, #tpu.memory_space<hbm>> -> memref<64xf32, #tpu.memory_space<hbm>>
      %dma_start3A_170 = tpu.memref_slice %arg5[%run_scoped3A_6, %multiple_of3A] : memref<8x2048xf32, #tpu.memory_space<hbm>> -> memref<1x64xf32, #tpu.memory_space<hbm>>
      %dma_start3A_171 = tpu.memref_squeeze %dma_start3A_170 : memref<1x64xf32, #tpu.memory_space<hbm>> -> memref<64xf32, #tpu.memory_space<hbm>>
      tpu.enqueue_dma source(%dma_start3A_171 : memref<64xf32, #tpu.memory_space<hbm>>) target(%arg16 : memref<64xf32, #tpu.memory_space<vmem>>) target_semaphore(%run_scoped3A_167 : memref<!tpu.dma_semaphore, #tpu.memory_space<semaphore_mem>>)
      %dma_wait3A_172 = tpu.memref_slice %arg5[%run_scoped3A_6, %multiple_of3A] : memref<8x2048xf32, #tpu.memory_space<hbm>> -> memref<1x64xf32, #tpu.memory_space<hbm>>
      %dma_wait3A_173 = tpu.memref_squeeze %dma_wait3A_172 : memref<1x64xf32, #tpu.memory_space<hbm>> -> memref<64xf32, #tpu.memory_space<hbm>>
      %dma_wait3A_174 = tpu.memref_slice %arg5[%run_scoped3A_6, %multiple_of3A] : memref<8x2048xf32, #tpu.memory_space<hbm>> -> memref<1x64xf32, #tpu.memory_space<hbm>>
      %dma_wait3A_175 = tpu.memref_squeeze %dma_wait3A_174 : memref<1x64xf32, #tpu.memory_space<hbm>> -> memref<64xf32, #tpu.memory_space<hbm>>
      tpu.wait_dma2 semaphore(%run_scoped3A_167 : memref<!tpu.dma_semaphore, #tpu.memory_space<semaphore_mem>>) src(%dma_wait3A_175 : memref<64xf32, #tpu.memory_space<hbm>>) dst(%arg16 : memref<64xf32, #tpu.memory_space<vmem>>)
      tpu.yield
    }) : () -> ()
    %get3A = arith.constant 0 : index
    %get3A_7 = tpu.vector_load %arg17[%get3A] {strides = array<i32>} : memref<64xi32, #tpu.memory_space<vmem>>, vector<16xi32>,
    %get3A_8 = arith.constant 0 : index
    %get3A_9 = tpu.vector_load %arg18[%get3A_8] {strides = array<i32>} : memref<64xi32, #tpu.memory_space<vmem>>, vector<16xi32>,
    %dma_start3A = arith.constant 0 : i32
    %dma_start3A_10 = arith.constant 0 : i32
    %dma_start3A_11 = tpu.memref_slice %arg2[%dma_start3A, %dma_start3A_10] : memref<8192x512xi32, #tpu.memory_space<hbm>> -> memref<8192x512xi32, #tpu.memory_space<hbm>>
    tpu.enqueue_indirect_dma source(%dma_start3A_11 : memref<8192x512xi32, #tpu.memory_space<hbm>>) target(%arg7 : memref<16x512xi32, #tpu.memory_space<vmem>>) offsets(%get3A_7 : vector<16xi32>) semaphore(%arg19 : memref<!tpu.dma_semaphore, #tpu.memory_space<semaphore_mem>>)
    %dma_start3A_12 = arith.constant 0 : i32
    %dma_start3A_13 = arith.constant 0 : i32
    %dma_start3A_14 = tpu.memref_slice %arg2[%dma_start3A_12, %dma_start3A_13] : memref<8192x512xi32, #tpu.memory_space<hbm>> -> memref<8192x512xi32, #tpu.memory_space<hbm>>
    tpu.enqueue_indirect_dma source(%dma_start3A_14 : memref<8192x512xi32, #tpu.memory_space<hbm>>) target(%arg9 : memref<16x512xi32, #tpu.memory_space<vmem>>) offsets(%get3A_9 : vector<16xi32>) semaphore(%arg21 : memref<!tpu.dma_semaphore, #tpu.memory_space<semaphore_mem>>)
    %add3A_15 = arith.constant 0 : i32
    %add3A_16 = arith.addi %multiple_of3A, %add3A_15 : i32
    %multiple_of3A_17 = tpu.assume_multiple %add3A_16, 8 : i32
    %dma_start3A_18 = arith.constant 0 : i32
    %dma_start3A_19 = tpu.memref_slice %arg3[%multiple_of3A_17, %dma_start3A_18] : memref<2048x1024xf32, #tpu.memory_space<hbm>> -> memref<16x1024xf32, #tpu.memory_space<hbm>>
    %dma_start3A_20 = arith.constant 0 : i32
    %dma_start3A_21 = tpu.memref_slice %arg3[%multiple_of3A_17, %dma_start3A_20] : memref<2048x1024xf32, #tpu.memory_space<hbm>> -> memref<16x1024xf32, #tpu.memory_space<hbm>>
    tpu.enqueue_dma source(%dma_start3A_21 : memref<16x1024xf32, #tpu.memory_space<hbm>>) target(%arg11 : memref<16x1024xf32, #tpu.memory_space<vmem>>) target_semaphore(%arg23 : memref<!tpu.dma_semaphore, #tpu.memory_space<semaphore_mem>>)
    %get3A_22 = arith.constant 16 : index
    %get3A_23 = tpu.vector_load %arg17[%get3A_22] {strides = array<i32>} : memref<64xi32, #tpu.memory_space<vmem>>, vector<16xi32>,
    %get3A_24 = arith.constant 16 : index
    %get3A_25 = tpu.vector_load %arg18[%get3A_24] {strides = array<i32>} : memref<64xi32, #tpu.memory_space<vmem>>, vector<16xi32>,
    %dma_start3A_26 = arith.constant 0 : i32
    %dma_start3A_27 = arith.constant 0 : i32
    %dma_start3A_28 = tpu.memref_slice %arg2[%dma_start3A_26, %dma_start3A_27] : memref<8192x512xi32, #tpu.memory_space<hbm>> -> memref<8192x512xi32, #tpu.memory_space<hbm>>
    tpu.enqueue_indirect_dma source(%dma_start3A_28 : memref<8192x512xi32, #tpu.memory_space<hbm>>) target(%arg8 : memref<16x512xi32, #tpu.memory_space<vmem>>) offsets(%get3A_23 : vector<16xi32>) semaphore(%arg20 : memref<!tpu.dma_semaphore, #tpu.memory_space<semaphore_mem>>)
    %dma_start3A_29 = arith.constant 0 : i32
    %dma_start3A_30 = arith.constant 0 : i32
    %dma_start3A_31 = tpu.memref_slice %arg2[%dma_start3A_29, %dma_start3A_30] : memref<8192x512xi32, #tpu.memory_space<hbm>> -> memref<8192x512xi32, #tpu.memory_space<hbm>>
    tpu.enqueue_indirect_dma source(%dma_start3A_31 : memref<8192x512xi32, #tpu.memory_space<hbm>>) target(%arg10 : memref<16x512xi32, #tpu.memory_space<vmem>>) offsets(%get3A_25 : vector<16xi32>) semaphore(%arg22 : memref<!tpu.dma_semaphore, #tpu.memory_space<semaphore_mem>>)
    %add3A_32 = arith.constant 16 : i32
    %add3A_33 = arith.addi %multiple_of3A, %add3A_32 : i32
    %multiple_of3A_34 = tpu.assume_multiple %add3A_33, 8 : i32
    %dma_start3A_35 = arith.constant 0 : i32
    %dma_start3A_36 = tpu.memref_slice %arg3[%multiple_of3A_34, %dma_start3A_35] : memref<2048x1024xf32, #tpu.memory_space<hbm>> -> memref<16x1024xf32, #tpu.memory_space<hbm>>
    %dma_start3A_37 = arith.constant 0 : i32
    %dma_start3A_38 = tpu.memref_slice %arg3[%multiple_of3A_34, %dma_start3A_37] : memref<2048x1024xf32, #tpu.memory_space<hbm>> -> memref<16x1024xf32, #tpu.memory_space<hbm>>
    tpu.enqueue_dma source(%dma_start3A_38 : memref<16x1024xf32, #tpu.memory_space<hbm>>) target(%arg12 : memref<16x1024xf32, #tpu.memory_space<vmem>>) target_semaphore(%arg24 : memref<!tpu.dma_semaphore, #tpu.memory_space<semaphore_mem>>)
    %dma_wait3A = arith.constant 0 : i32
    %dma_wait3A_39 = arith.constant 0 : i32
    %dma_wait3A_40 = tpu.memref_slice %arg2[%dma_wait3A, %dma_wait3A_39] : memref<8192x512xi32, #tpu.memory_space<hbm>> -> memref<8192x512xi32, #tpu.memory_space<hbm>>
    tpu.wait_indirect_dma semaphore(%arg19 : memref<!tpu.dma_semaphore, #tpu.memory_space<semaphore_mem>>) src(%dma_wait3A_40 : memref<8192x512xi32, #tpu.memory_space<hbm>>) dst(%arg7 : memref<16x512xi32, #tpu.memory_space<vmem>>)
    %dma_wait3A_41 = arith.constant 0 : i32
    %dma_wait3A_42 = arith.constant 0 : i32
    %dma_wait3A_43 = tpu.memref_slice %arg2[%dma_wait3A_41, %dma_wait3A_42] : memref<8192x512xi32, #tpu.memory_space<hbm>> -> memref<8192x512xi32, #tpu.memory_space<hbm>>
    tpu.wait_indirect_dma semaphore(%arg21 : memref<!tpu.dma_semaphore, #tpu.memory_space<semaphore_mem>>) src(%dma_wait3A_43 : memref<8192x512xi32, #tpu.memory_space<hbm>>) dst(%arg9 : memref<16x512xi32, #tpu.memory_space<vmem>>)
    %dma_wait3A_44 = arith.constant 0 : i32
    %dma_wait3A_45 = tpu.memref_slice %arg3[%multiple_of3A_17, %dma_wait3A_44] : memref<2048x1024xf32, #tpu.memory_space<hbm>> -> memref<16x1024xf32, #tpu.memory_space<hbm>>
    %dma_wait3A_46 = arith.constant 0 : i32
    %dma_wait3A_47 = tpu.memref_slice %arg3[%multiple_of3A_17, %dma_wait3A_46] : memref<2048x1024xf32, #tpu.memory_space<hbm>> -> memref<16x1024xf32, #tpu.memory_space<hbm>>
    tpu.wait_dma2 semaphore(%arg23 : memref<!tpu.dma_semaphore, #tpu.memory_space<semaphore_mem>>) src(%dma_wait3A_47 : memref<16x1024xf32, #tpu.memory_space<hbm>>) dst(%arg11 : memref<16x1024xf32, #tpu.memory_space<vmem>>)
    %parallel_loop3A = arith.constant 0 : i32
    %parallel_loop3A_48 = arith.constant 16 : i32
    %parallel_loop3A_49 = arith.constant 1 : i32
    scf.for %parallel_loop3A_167 = %parallel_loop3A to %parallel_loop3A_48 step %parallel_loop3A_49  : i32 {
      %parallel_loop3A_168 = arith.constant 0 : i32
      %parallel_loop3A_169 = arith.addi %parallel_loop3A_168, %parallel_loop3A_167 : i32
      %parallel_loop3A_170 = vector.broadcast %parallel_loop3A_169 : i32 to vector<16xi32>
      %parallel_loop3A_171 = tpu.vector_load_idx %arg14[%parallel_loop3A_170] : memref<64xf32, #tpu.memory_space<vmem>>[vector<16xi32>], vector<16xf32>,
      %parallel_loop3A_172 = tpu.vector_load_idx %arg15[%parallel_loop3A_170] : memref<64xf32, #tpu.memory_space<vmem>>[vector<16xi32>], vector<16xf32>,
      %parallel_loop3A_173 = tpu.vector_load_idx %arg16[%parallel_loop3A_170] : memref<64xf32, #tpu.memory_space<vmem>>[vector<16xi32>], vector<16xf32>,
      %parallel_loop3A_174 = arith.constant 0 : i32
      %parallel_loop3A_175 = arith.constant 32 : i32
      %parallel_loop3A_176 = arith.constant 1 : i32
      scf.for %parallel_loop3A_177 = %parallel_loop3A_174 to %parallel_loop3A_175 step %parallel_loop3A_176  : i32 {
        %parallel_loop3A_178 = arith.constant 16 : i32
        %parallel_loop3A_179 = arith.muli %parallel_loop3A_177, %parallel_loop3A_178 : i32
        %parallel_loop3A_180 = tpu.assume_multiple %parallel_loop3A_179, 16 : i32
        %parallel_loop3A_181 = arith.constant 16 : i32
        %parallel_loop3A_182 = arith.muli %parallel_loop3A_177, %parallel_loop3A_181 : i32
        %parallel_loop3A_183 = arith.constant 512 : i32
        %parallel_loop3A_184 = arith.addi %parallel_loop3A_183, %parallel_loop3A_182 : i32
        %parallel_loop3A_185 = tpu.assume_multiple %parallel_loop3A_184, 16 : i32
        %parallel_loop3A_186 = arith.index_cast %parallel_loop3A_167 : i32 to index
        %parallel_loop3A_187 = arith.index_cast %parallel_loop3A_180 : i32 to index
        %parallel_loop3A_188 = tpu.vector_load %arg7[%parallel_loop3A_186, %parallel_loop3A_187] {strides = array<i32>} : memref<16x512xi32, #tpu.memory_space<vmem>>, vector<16xi32>,
        %parallel_loop3A_189 = arith.index_cast %parallel_loop3A_167 : i32 to index
        %parallel_loop3A_190 = arith.index_cast %parallel_loop3A_180 : i32 to index
        %parallel_loop3A_191 = tpu.vector_load %arg9[%parallel_loop3A_189, %parallel_loop3A_190] {strides = array<i32>} : memref<16x512xi32, #tpu.memory_space<vmem>>, vector<16xi32>,
        %parallel_loop3A_192 = arith.constant 16 : i32
        %parallel_loop3A_193 = vector.broadcast %parallel_loop3A_192 : i32 to vector<16xi32>
        %parallel_loop3A_194 = arith.shli %parallel_loop3A_188, %parallel_loop3A_193 : vector<16xi32>
        %parallel_loop3A_195 = vector.bitcast %parallel_loop3A_194 : vector<16xi32> to vector<16xf32>
        %parallel_loop3A_196 = arith.constant -65536 : i32
        %parallel_loop3A_197 = vector.broadcast %parallel_loop3A_196 : i32 to vector<16xi32>
        %parallel_loop3A_198 = arith.andi %parallel_loop3A_188, %parallel_loop3A_197 : vector<16xi32>
        %parallel_loop3A_199 = vector.bitcast %parallel_loop3A_198 : vector<16xi32> to vector<16xf32>
        %parallel_loop3A_200 = arith.constant 16 : i32
        %parallel_loop3A_201 = vector.broadcast %parallel_loop3A_200 : i32 to vector<16xi32>
        %parallel_loop3A_202 = arith.shli %parallel_loop3A_191, %parallel_loop3A_201 : vector<16xi32>
        %parallel_loop3A_203 = vector.bitcast %parallel_loop3A_202 : vector<16xi32> to vector<16xf32>
        %parallel_loop3A_204 = arith.constant -65536 : i32
        %parallel_loop3A_205 = vector.broadcast %parallel_loop3A_204 : i32 to vector<16xi32>
        %parallel_loop3A_206 = arith.andi %parallel_loop3A_191, %parallel_loop3A_205 : vector<16xi32>
        %parallel_loop3A_207 = vector.bitcast %parallel_loop3A_206 : vector<16xi32> to vector<16xf32>
        %parallel_loop3A_208 = arith.mulf %parallel_loop3A_195, %parallel_loop3A_171 : vector<16xf32>
        %parallel_loop3A_209 = arith.mulf %parallel_loop3A_203, %parallel_loop3A_172 : vector<16xf32>
        %parallel_loop3A_210 = arith.addf %parallel_loop3A_208, %parallel_loop3A_209 : vector<16xf32>
        %parallel_loop3A_211 = arith.index_cast %parallel_loop3A_167 : i32 to index
        %parallel_loop3A_212 = arith.index_cast %parallel_loop3A_180 : i32 to index
        %parallel_loop3A_213 = tpu.vector_load %arg11[%parallel_loop3A_211, %parallel_loop3A_212] {strides = array<i32>} : memref<16x1024xf32, #tpu.memory_space<vmem>>, vector<16xf32>,
        %parallel_loop3A_214 = arith.mulf %parallel_loop3A_213, %parallel_loop3A_173 : vector<16xf32>
        %parallel_loop3A_215 = arith.addf %parallel_loop3A_210, %parallel_loop3A_214 : vector<16xf32>
        %parallel_loop3A_216 = arith.index_cast %parallel_loop3A_167 : i32 to index
        %parallel_loop3A_217 = arith.index_cast %parallel_loop3A_180 : i32 to index
        %parallel_loop3A_218 = tpu.vector_load %arg11[%parallel_loop3A_216, %parallel_loop3A_217] {strides = array<i32>} : memref<16x1024xf32, #tpu.memory_space<vmem>>, vector<16xf32>,
        tpu.vector_store %arg11[%parallel_loop3A_216, %parallel_loop3A_217], %parallel_loop3A_215 {strides = array<i32>} : memref<16x1024xf32, #tpu.memory_space<vmem>>, vector<16xf32>,
        %parallel_loop3A_219 = arith.mulf %parallel_loop3A_199, %parallel_loop3A_171 : vector<16xf32>
        %parallel_loop3A_220 = arith.mulf %parallel_loop3A_207, %parallel_loop3A_172 : vector<16xf32>
        %parallel_loop3A_221 = arith.addf %parallel_loop3A_219, %parallel_loop3A_220 : vector<16xf32>
        %parallel_loop3A_222 = arith.index_cast %parallel_loop3A_167 : i32 to index
        %parallel_loop3A_223 = arith.index_cast %parallel_loop3A_185 : i32 to index
        %parallel_loop3A_224 = tpu.vector_load %arg11[%parallel_loop3A_222, %parallel_loop3A_223] {strides = array<i32>} : memref<16x1024xf32, #tpu.memory_space<vmem>>, vector<16xf32>,
        %parallel_loop3A_225 = arith.mulf %parallel_loop3A_224, %parallel_loop3A_173 : vector<16xf32>
        %parallel_loop3A_226 = arith.addf %parallel_loop3A_221, %parallel_loop3A_225 : vector<16xf32>
        %parallel_loop3A_227 = arith.index_cast %parallel_loop3A_167 : i32 to index
        %parallel_loop3A_228 = arith.index_cast %parallel_loop3A_185 : i32 to index
        %parallel_loop3A_229 = tpu.vector_load %arg11[%parallel_loop3A_227, %parallel_loop3A_228] {strides = array<i32>} : memref<16x1024xf32, #tpu.memory_space<vmem>>, vector<16xf32>,
        tpu.vector_store %arg11[%parallel_loop3A_227, %parallel_loop3A_228], %parallel_loop3A_226 {strides = array<i32>} : memref<16x1024xf32, #tpu.memory_space<vmem>>, vector<16xf32>,
      } {sc.loop_unroll_factor = 8 : i64, sc.parallel_access}
    } {sc.loop_unroll_factor = 1 : i64, sc.parallel_access}
    %add3A_50 = arith.constant 0 : i32
    %add3A_51 = arith.addi %multiple_of3A, %add3A_50 : i32
    %multiple_of3A_52 = tpu.assume_multiple %add3A_51, 8 : i32
    %dma_start3A_53 = arith.constant 0 : i32
    %dma_start3A_54 = tpu.memref_slice %arg6[%multiple_of3A_52, %dma_start3A_53] : memref<2048x1024xf32, #tpu.memory_space<hbm>> -> memref<16x1024xf32, #tpu.memory_space<hbm>>
    %dma_start3A_55 = arith.constant 0 : i32
    %dma_start3A_56 = tpu.memref_slice %arg6[%multiple_of3A_52, %dma_start3A_55] : memref<2048x1024xf32, #tpu.memory_space<hbm>> -> memref<16x1024xf32, #tpu.memory_space<hbm>>
    tpu.enqueue_dma source(%arg11 : memref<16x1024xf32, #tpu.memory_space<vmem>>) target(%dma_start3A_56 : memref<16x1024xf32, #tpu.memory_space<hbm>>) target_semaphore(%arg26 : memref<!tpu.dma_semaphore, #tpu.memory_space<semaphore_mem>>)
    %get3A_57 = arith.constant 32 : index
    %get3A_58 = tpu.vector_load %arg17[%get3A_57] {strides = array<i32>} : memref<64xi32, #tpu.memory_space<vmem>>, vector<16xi32>,
    %get3A_59 = arith.constant 32 : index
    %get3A_60 = tpu.vector_load %arg18[%get3A_59] {strides = array<i32>} : memref<64xi32, #tpu.memory_space<vmem>>, vector<16xi32>,
    %dma_start3A_61 = arith.constant 0 : i32
    %dma_start3A_62 = arith.constant 0 : i32
    %dma_start3A_63 = tpu.memref_slice %arg2[%dma_start3A_61, %dma_start3A_62] : memref<8192x512xi32, #tpu.memory_space<hbm>> -> memref<8192x512xi32, #tpu.memory_space<hbm>>
    tpu.enqueue_indirect_dma source(%dma_start3A_63 : memref<8192x512xi32, #tpu.memory_space<hbm>>) target(%arg7 : memref<16x512xi32, #tpu.memory_space<vmem>>) offsets(%get3A_58 : vector<16xi32>) semaphore(%arg19 : memref<!tpu.dma_semaphore, #tpu.memory_space<semaphore_mem>>)
    %dma_start3A_64 = arith.constant 0 : i32
    %dma_start3A_65 = arith.constant 0 : i32
    %dma_start3A_66 = tpu.memref_slice %arg2[%dma_start3A_64, %dma_start3A_65] : memref<8192x512xi32, #tpu.memory_space<hbm>> -> memref<8192x512xi32, #tpu.memory_space<hbm>>
    tpu.enqueue_indirect_dma source(%dma_start3A_66 : memref<8192x512xi32, #tpu.memory_space<hbm>>) target(%arg9 : memref<16x512xi32, #tpu.memory_space<vmem>>) offsets(%get3A_60 : vector<16xi32>) semaphore(%arg21 : memref<!tpu.dma_semaphore, #tpu.memory_space<semaphore_mem>>)
    %add3A_67 = arith.constant 32 : i32
    %add3A_68 = arith.addi %multiple_of3A, %add3A_67 : i32
    %multiple_of3A_69 = tpu.assume_multiple %add3A_68, 8 : i32
    %dma_start3A_70 = arith.constant 0 : i32
    %dma_start3A_71 = tpu.memref_slice %arg3[%multiple_of3A_69, %dma_start3A_70] : memref<2048x1024xf32, #tpu.memory_space<hbm>> -> memref<16x1024xf32, #tpu.memory_space<hbm>>
    %dma_start3A_72 = arith.constant 0 : i32
    %dma_start3A_73 = tpu.memref_slice %arg3[%multiple_of3A_69, %dma_start3A_72] : memref<2048x1024xf32, #tpu.memory_space<hbm>> -> memref<16x1024xf32, #tpu.memory_space<hbm>>
    tpu.enqueue_dma source(%dma_start3A_73 : memref<16x1024xf32, #tpu.memory_space<hbm>>) target(%arg13 : memref<16x1024xf32, #tpu.memory_space<vmem>>) target_semaphore(%arg25 : memref<!tpu.dma_semaphore, #tpu.memory_space<semaphore_mem>>)
    %dma_wait3A_74 = arith.constant 0 : i32
    %dma_wait3A_75 = arith.constant 0 : i32
    %dma_wait3A_76 = tpu.memref_slice %arg2[%dma_wait3A_74, %dma_wait3A_75] : memref<8192x512xi32, #tpu.memory_space<hbm>> -> memref<8192x512xi32, #tpu.memory_space<hbm>>
    tpu.wait_indirect_dma semaphore(%arg20 : memref<!tpu.dma_semaphore, #tpu.memory_space<semaphore_mem>>) src(%dma_wait3A_76 : memref<8192x512xi32, #tpu.memory_space<hbm>>) dst(%arg8 : memref<16x512xi32, #tpu.memory_space<vmem>>)
    %dma_wait3A_77 = arith.constant 0 : i32
    %dma_wait3A_78 = arith.constant 0 : i32
    %dma_wait3A_79 = tpu.memref_slice %arg2[%dma_wait3A_77, %dma_wait3A_78] : memref<8192x512xi32, #tpu.memory_space<hbm>> -> memref<8192x512xi32, #tpu.memory_space<hbm>>
    tpu.wait_indirect_dma semaphore(%arg22 : memref<!tpu.dma_semaphore, #tpu.memory_space<semaphore_mem>>) src(%dma_wait3A_79 : memref<8192x512xi32, #tpu.memory_space<hbm>>) dst(%arg10 : memref<16x512xi32, #tpu.memory_space<vmem>>)
    %dma_wait3A_80 = arith.constant 0 : i32
    %dma_wait3A_81 = tpu.memref_slice %arg3[%multiple_of3A_34, %dma_wait3A_80] : memref<2048x1024xf32, #tpu.memory_space<hbm>> -> memref<16x1024xf32, #tpu.memory_space<hbm>>
    %dma_wait3A_82 = arith.constant 0 : i32
    %dma_wait3A_83 = tpu.memref_slice %arg3[%multiple_of3A_34, %dma_wait3A_82] : memref<2048x1024xf32, #tpu.memory_space<hbm>> -> memref<16x1024xf32, #tpu.memory_space<hbm>>
    tpu.wait_dma2 semaphore(%arg24 : memref<!tpu.dma_semaphore, #tpu.memory_space<semaphore_mem>>) src(%dma_wait3A_83 : memref<16x1024xf32, #tpu.memory_space<hbm>>) dst(%arg12 : memref<16x1024xf32, #tpu.memory_space<vmem>>)
    %parallel_loop3A_84 = arith.constant 0 : i32
    %parallel_loop3A_85 = arith.constant 16 : i32
    %parallel_loop3A_86 = arith.constant 1 : i32
    scf.for %parallel_loop3A_167 = %parallel_loop3A_84 to %parallel_loop3A_85 step %parallel_loop3A_86  : i32 {
      %parallel_loop3A_168 = arith.constant 16 : i32
      %parallel_loop3A_169 = arith.addi %parallel_loop3A_168, %parallel_loop3A_167 : i32
      %parallel_loop3A_170 = vector.broadcast %parallel_loop3A_169 : i32 to vector<16xi32>
      %parallel_loop3A_171 = tpu.vector_load_idx %arg14[%parallel_loop3A_170] : memref<64xf32, #tpu.memory_space<vmem>>[vector<16xi32>], vector<16xf32>,
      %parallel_loop3A_172 = tpu.vector_load_idx %arg15[%parallel_loop3A_170] : memref<64xf32, #tpu.memory_space<vmem>>[vector<16xi32>], vector<16xf32>,
      %parallel_loop3A_173 = tpu.vector_load_idx %arg16[%parallel_loop3A_170] : memref<64xf32, #tpu.memory_space<vmem>>[vector<16xi32>], vector<16xf32>,
      %parallel_loop3A_174 = arith.constant 0 : i32
      %parallel_loop3A_175 = arith.constant 32 : i32
      %parallel_loop3A_176 = arith.constant 1 : i32
      scf.for %parallel_loop3A_177 = %parallel_loop3A_174 to %parallel_loop3A_175 step %parallel_loop3A_176  : i32 {
        %parallel_loop3A_178 = arith.constant 16 : i32
        %parallel_loop3A_179 = arith.muli %parallel_loop3A_177, %parallel_loop3A_178 : i32
        %parallel_loop3A_180 = tpu.assume_multiple %parallel_loop3A_179, 16 : i32
        %parallel_loop3A_181 = arith.constant 16 : i32
        %parallel_loop3A_182 = arith.muli %parallel_loop3A_177, %parallel_loop3A_181 : i32
        %parallel_loop3A_183 = arith.constant 512 : i32
        %parallel_loop3A_184 = arith.addi %parallel_loop3A_183, %parallel_loop3A_182 : i32
        %parallel_loop3A_185 = tpu.assume_multiple %parallel_loop3A_184, 16 : i32
        %parallel_loop3A_186 = arith.index_cast %parallel_loop3A_167 : i32 to index
        %parallel_loop3A_187 = arith.index_cast %parallel_loop3A_180 : i32 to index
        %parallel_loop3A_188 = tpu.vector_load %arg8[%parallel_loop3A_186, %parallel_loop3A_187] {strides = array<i32>} : memref<16x512xi32, #tpu.memory_space<vmem>>, vector<16xi32>,
        %parallel_loop3A_189 = arith.index_cast %parallel_loop3A_167 : i32 to index
        %parallel_loop3A_190 = arith.index_cast %parallel_loop3A_180 : i32 to index
        %parallel_loop3A_191 = tpu.vector_load %arg10[%parallel_loop3A_189, %parallel_loop3A_190] {strides = array<i32>} : memref<16x512xi32, #tpu.memory_space<vmem>>, vector<16xi32>,
        %parallel_loop3A_192 = arith.constant 16 : i32
        %parallel_loop3A_193 = vector.broadcast %parallel_loop3A_192 : i32 to vector<16xi32>
        %parallel_loop3A_194 = arith.shli %parallel_loop3A_188, %parallel_loop3A_193 : vector<16xi32>
        %parallel_loop3A_195 = vector.bitcast %parallel_loop3A_194 : vector<16xi32> to vector<16xf32>
        %parallel_loop3A_196 = arith.constant -65536 : i32
        %parallel_loop3A_197 = vector.broadcast %parallel_loop3A_196 : i32 to vector<16xi32>
        %parallel_loop3A_198 = arith.andi %parallel_loop3A_188, %parallel_loop3A_197 : vector<16xi32>
        %parallel_loop3A_199 = vector.bitcast %parallel_loop3A_198 : vector<16xi32> to vector<16xf32>
        %parallel_loop3A_200 = arith.constant 16 : i32
        %parallel_loop3A_201 = vector.broadcast %parallel_loop3A_200 : i32 to vector<16xi32>
        %parallel_loop3A_202 = arith.shli %parallel_loop3A_191, %parallel_loop3A_201 : vector<16xi32>
        %parallel_loop3A_203 = vector.bitcast %parallel_loop3A_202 : vector<16xi32> to vector<16xf32>
        %parallel_loop3A_204 = arith.constant -65536 : i32
        %parallel_loop3A_205 = vector.broadcast %parallel_loop3A_204 : i32 to vector<16xi32>
        %parallel_loop3A_206 = arith.andi %parallel_loop3A_191, %parallel_loop3A_205 : vector<16xi32>
        %parallel_loop3A_207 = vector.bitcast %parallel_loop3A_206 : vector<16xi32> to vector<16xf32>
        %parallel_loop3A_208 = arith.mulf %parallel_loop3A_195, %parallel_loop3A_171 : vector<16xf32>
        %parallel_loop3A_209 = arith.mulf %parallel_loop3A_203, %parallel_loop3A_172 : vector<16xf32>
        %parallel_loop3A_210 = arith.addf %parallel_loop3A_208, %parallel_loop3A_209 : vector<16xf32>
        %parallel_loop3A_211 = arith.index_cast %parallel_loop3A_167 : i32 to index
        %parallel_loop3A_212 = arith.index_cast %parallel_loop3A_180 : i32 to index
        %parallel_loop3A_213 = tpu.vector_load %arg12[%parallel_loop3A_211, %parallel_loop3A_212] {strides = array<i32>} : memref<16x1024xf32, #tpu.memory_space<vmem>>, vector<16xf32>,
        %parallel_loop3A_214 = arith.mulf %parallel_loop3A_213, %parallel_loop3A_173 : vector<16xf32>
        %parallel_loop3A_215 = arith.addf %parallel_loop3A_210, %parallel_loop3A_214 : vector<16xf32>
        %parallel_loop3A_216 = arith.index_cast %parallel_loop3A_167 : i32 to index
        %parallel_loop3A_217 = arith.index_cast %parallel_loop3A_180 : i32 to index
        %parallel_loop3A_218 = tpu.vector_load %arg12[%parallel_loop3A_216, %parallel_loop3A_217] {strides = array<i32>} : memref<16x1024xf32, #tpu.memory_space<vmem>>, vector<16xf32>,
        tpu.vector_store %arg12[%parallel_loop3A_216, %parallel_loop3A_217], %parallel_loop3A_215 {strides = array<i32>} : memref<16x1024xf32, #tpu.memory_space<vmem>>, vector<16xf32>,
        %parallel_loop3A_219 = arith.mulf %parallel_loop3A_199, %parallel_loop3A_171 : vector<16xf32>
        %parallel_loop3A_220 = arith.mulf %parallel_loop3A_207, %parallel_loop3A_172 : vector<16xf32>
        %parallel_loop3A_221 = arith.addf %parallel_loop3A_219, %parallel_loop3A_220 : vector<16xf32>
        %parallel_loop3A_222 = arith.index_cast %parallel_loop3A_167 : i32 to index
        %parallel_loop3A_223 = arith.index_cast %parallel_loop3A_185 : i32 to index
        %parallel_loop3A_224 = tpu.vector_load %arg12[%parallel_loop3A_222, %parallel_loop3A_223] {strides = array<i32>} : memref<16x1024xf32, #tpu.memory_space<vmem>>, vector<16xf32>,
        %parallel_loop3A_225 = arith.mulf %parallel_loop3A_224, %parallel_loop3A_173 : vector<16xf32>
        %parallel_loop3A_226 = arith.addf %parallel_loop3A_221, %parallel_loop3A_225 : vector<16xf32>
        %parallel_loop3A_227 = arith.index_cast %parallel_loop3A_167 : i32 to index
        %parallel_loop3A_228 = arith.index_cast %parallel_loop3A_185 : i32 to index
        %parallel_loop3A_229 = tpu.vector_load %arg12[%parallel_loop3A_227, %parallel_loop3A_228] {strides = array<i32>} : memref<16x1024xf32, #tpu.memory_space<vmem>>, vector<16xf32>,
        tpu.vector_store %arg12[%parallel_loop3A_227, %parallel_loop3A_228], %parallel_loop3A_226 {strides = array<i32>} : memref<16x1024xf32, #tpu.memory_space<vmem>>, vector<16xf32>,
      } {sc.loop_unroll_factor = 8 : i64, sc.parallel_access}
    } {sc.loop_unroll_factor = 1 : i64, sc.parallel_access}
    %add3A_87 = arith.constant 16 : i32
    %add3A_88 = arith.addi %multiple_of3A, %add3A_87 : i32
    %multiple_of3A_89 = tpu.assume_multiple %add3A_88, 8 : i32
    %dma_start3A_90 = arith.constant 0 : i32
    %dma_start3A_91 = tpu.memref_slice %arg6[%multiple_of3A_89, %dma_start3A_90] : memref<2048x1024xf32, #tpu.memory_space<hbm>> -> memref<16x1024xf32, #tpu.memory_space<hbm>>
    %dma_start3A_92 = arith.constant 0 : i32
    %dma_start3A_93 = tpu.memref_slice %arg6[%multiple_of3A_89, %dma_start3A_92] : memref<2048x1024xf32, #tpu.memory_space<hbm>> -> memref<16x1024xf32, #tpu.memory_space<hbm>>
    tpu.enqueue_dma source(%arg12 : memref<16x1024xf32, #tpu.memory_space<vmem>>) target(%dma_start3A_93 : memref<16x1024xf32, #tpu.memory_space<hbm>>) target_semaphore(%arg27 : memref<!tpu.dma_semaphore, #tpu.memory_space<semaphore_mem>>)
    %dma_wait3A_94 = arith.constant 0 : i32
    %dma_wait3A_95 = tpu.memref_slice %arg6[%multiple_of3A_52, %dma_wait3A_94] : memref<2048x1024xf32, #tpu.memory_space<hbm>> -> memref<16x1024xf32, #tpu.memory_space<hbm>>
    %dma_wait3A_96 = arith.constant 0 : i32
    %dma_wait3A_97 = tpu.memref_slice %arg6[%multiple_of3A_52, %dma_wait3A_96] : memref<2048x1024xf32, #tpu.memory_space<hbm>> -> memref<16x1024xf32, #tpu.memory_space<hbm>>
    tpu.wait_dma2 semaphore(%arg26 : memref<!tpu.dma_semaphore, #tpu.memory_space<semaphore_mem>>) src(%arg11 : memref<16x1024xf32, #tpu.memory_space<vmem>>) dst(%dma_wait3A_97 : memref<16x1024xf32, #tpu.memory_space<hbm>>)
    %get3A_98 = arith.constant 48 : index
    %get3A_99 = tpu.vector_load %arg17[%get3A_98] {strides = array<i32>} : memref<64xi32, #tpu.memory_space<vmem>>, vector<16xi32>,
    %get3A_100 = arith.constant 48 : index
    %get3A_101 = tpu.vector_load %arg18[%get3A_100] {strides = array<i32>} : memref<64xi32, #tpu.memory_space<vmem>>, vector<16xi32>,
    %dma_start3A_102 = arith.constant 0 : i32
    %dma_start3A_103 = arith.constant 0 : i32
    %dma_start3A_104 = tpu.memref_slice %arg2[%dma_start3A_102, %dma_start3A_103] : memref<8192x512xi32, #tpu.memory_space<hbm>> -> memref<8192x512xi32, #tpu.memory_space<hbm>>
    tpu.enqueue_indirect_dma source(%dma_start3A_104 : memref<8192x512xi32, #tpu.memory_space<hbm>>) target(%arg8 : memref<16x512xi32, #tpu.memory_space<vmem>>) offsets(%get3A_99 : vector<16xi32>) semaphore(%arg20 : memref<!tpu.dma_semaphore, #tpu.memory_space<semaphore_mem>>)
    %dma_start3A_105 = arith.constant 0 : i32
    %dma_start3A_106 = arith.constant 0 : i32
    %dma_start3A_107 = tpu.memref_slice %arg2[%dma_start3A_105, %dma_start3A_106] : memref<8192x512xi32, #tpu.memory_space<hbm>> -> memref<8192x512xi32, #tpu.memory_space<hbm>>
    tpu.enqueue_indirect_dma source(%dma_start3A_107 : memref<8192x512xi32, #tpu.memory_space<hbm>>) target(%arg10 : memref<16x512xi32, #tpu.memory_space<vmem>>) offsets(%get3A_101 : vector<16xi32>) semaphore(%arg22 : memref<!tpu.dma_semaphore, #tpu.memory_space<semaphore_mem>>)
    %add3A_108 = arith.constant 48 : i32
    %add3A_109 = arith.addi %multiple_of3A, %add3A_108 : i32
    %multiple_of3A_110 = tpu.assume_multiple %add3A_109, 8 : i32
    %dma_start3A_111 = arith.constant 0 : i32
    %dma_start3A_112 = tpu.memref_slice %arg3[%multiple_of3A_110, %dma_start3A_111] : memref<2048x1024xf32, #tpu.memory_space<hbm>> -> memref<16x1024xf32, #tpu.memory_space<hbm>>
    %dma_start3A_113 = arith.constant 0 : i32
    %dma_start3A_114 = tpu.memref_slice %arg3[%multiple_of3A_110, %dma_start3A_113] : memref<2048x1024xf32, #tpu.memory_space<hbm>> -> memref<16x1024xf32, #tpu.memory_space<hbm>>
    tpu.enqueue_dma source(%dma_start3A_114 : memref<16x1024xf32, #tpu.memory_space<hbm>>) target(%arg11 : memref<16x1024xf32, #tpu.memory_space<vmem>>) target_semaphore(%arg23 : memref<!tpu.dma_semaphore, #tpu.memory_space<semaphore_mem>>)
    %dma_wait3A_115 = arith.constant 0 : i32
    %dma_wait3A_116 = arith.constant 0 : i32
    %dma_wait3A_117 = tpu.memref_slice %arg2[%dma_wait3A_115, %dma_wait3A_116] : memref<8192x512xi32, #tpu.memory_space<hbm>> -> memref<8192x512xi32, #tpu.memory_space<hbm>>
    tpu.wait_indirect_dma semaphore(%arg19 : memref<!tpu.dma_semaphore, #tpu.memory_space<semaphore_mem>>) src(%dma_wait3A_117 : memref<8192x512xi32, #tpu.memory_space<hbm>>) dst(%arg7 : memref<16x512xi32, #tpu.memory_space<vmem>>)
    %dma_wait3A_118 = arith.constant 0 : i32
    %dma_wait3A_119 = arith.constant 0 : i32
    %dma_wait3A_120 = tpu.memref_slice %arg2[%dma_wait3A_118, %dma_wait3A_119] : memref<8192x512xi32, #tpu.memory_space<hbm>> -> memref<8192x512xi32, #tpu.memory_space<hbm>>
    tpu.wait_indirect_dma semaphore(%arg21 : memref<!tpu.dma_semaphore, #tpu.memory_space<semaphore_mem>>) src(%dma_wait3A_120 : memref<8192x512xi32, #tpu.memory_space<hbm>>) dst(%arg9 : memref<16x512xi32, #tpu.memory_space<vmem>>)
    %dma_wait3A_121 = arith.constant 0 : i32
    %dma_wait3A_122 = tpu.memref_slice %arg3[%multiple_of3A_69, %dma_wait3A_121] : memref<2048x1024xf32, #tpu.memory_space<hbm>> -> memref<16x1024xf32, #tpu.memory_space<hbm>>
    %dma_wait3A_123 = arith.constant 0 : i32
    %dma_wait3A_124 = tpu.memref_slice %arg3[%multiple_of3A_69, %dma_wait3A_123] : memref<2048x1024xf32, #tpu.memory_space<hbm>> -> memref<16x1024xf32, #tpu.memory_space<hbm>>
    tpu.wait_dma2 semaphore(%arg25 : memref<!tpu.dma_semaphore, #tpu.memory_space<semaphore_mem>>) src(%dma_wait3A_124 : memref<16x1024xf32, #tpu.memory_space<hbm>>) dst(%arg13 : memref<16x1024xf32, #tpu.memory_space<vmem>>)
    %parallel_loop3A_125 = arith.constant 0 : i32
    %parallel_loop3A_126 = arith.constant 16 : i32
    %parallel_loop3A_127 = arith.constant 1 : i32
    scf.for %parallel_loop3A_167 = %parallel_loop3A_125 to %parallel_loop3A_126 step %parallel_loop3A_127  : i32 {
      %parallel_loop3A_168 = arith.constant 32 : i32
      %parallel_loop3A_169 = arith.addi %parallel_loop3A_168, %parallel_loop3A_167 : i32
      %parallel_loop3A_170 = vector.broadcast %parallel_loop3A_169 : i32 to vector<16xi32>
      %parallel_loop3A_171 = tpu.vector_load_idx %arg14[%parallel_loop3A_170] : memref<64xf32, #tpu.memory_space<vmem>>[vector<16xi32>], vector<16xf32>,
      %parallel_loop3A_172 = tpu.vector_load_idx %arg15[%parallel_loop3A_170] : memref<64xf32, #tpu.memory_space<vmem>>[vector<16xi32>], vector<16xf32>,
      %parallel_loop3A_173 = tpu.vector_load_idx %arg16[%parallel_loop3A_170] : memref<64xf32, #tpu.memory_space<vmem>>[vector<16xi32>], vector<16xf32>,
      %parallel_loop3A_174 = arith.constant 0 : i32
      %parallel_loop3A_175 = arith.constant 32 : i32
      %parallel_loop3A_176 = arith.constant 1 : i32
      scf.for %parallel_loop3A_177 = %parallel_loop3A_174 to %parallel_loop3A_175 step %parallel_loop3A_176  : i32 {
        %parallel_loop3A_178 = arith.constant 16 : i32
        %parallel_loop3A_179 = arith.muli %parallel_loop3A_177, %parallel_loop3A_178 : i32
        %parallel_loop3A_180 = tpu.assume_multiple %parallel_loop3A_179, 16 : i32
        %parallel_loop3A_181 = arith.constant 16 : i32
        %parallel_loop3A_182 = arith.muli %parallel_loop3A_177, %parallel_loop3A_181 : i32
        %parallel_loop3A_183 = arith.constant 512 : i32
        %parallel_loop3A_184 = arith.addi %parallel_loop3A_183, %parallel_loop3A_182 : i32
        %parallel_loop3A_185 = tpu.assume_multiple %parallel_loop3A_184, 16 : i32
        %parallel_loop3A_186 = arith.index_cast %parallel_loop3A_167 : i32 to index
        %parallel_loop3A_187 = arith.index_cast %parallel_loop3A_180 : i32 to index
        %parallel_loop3A_188 = tpu.vector_load %arg7[%parallel_loop3A_186, %parallel_loop3A_187] {strides = array<i32>} : memref<16x512xi32, #tpu.memory_space<vmem>>, vector<16xi32>,
        %parallel_loop3A_189 = arith.index_cast %parallel_loop3A_167 : i32 to index
        %parallel_loop3A_190 = arith.index_cast %parallel_loop3A_180 : i32 to index
        %parallel_loop3A_191 = tpu.vector_load %arg9[%parallel_loop3A_189, %parallel_loop3A_190] {strides = array<i32>} : memref<16x512xi32, #tpu.memory_space<vmem>>, vector<16xi32>,
        %parallel_loop3A_192 = arith.constant 16 : i32
        %parallel_loop3A_193 = vector.broadcast %parallel_loop3A_192 : i32 to vector<16xi32>
        %parallel_loop3A_194 = arith.shli %parallel_loop3A_188, %parallel_loop3A_193 : vector<16xi32>
        %parallel_loop3A_195 = vector.bitcast %parallel_loop3A_194 : vector<16xi32> to vector<16xf32>
        %parallel_loop3A_196 = arith.constant -65536 : i32
        %parallel_loop3A_197 = vector.broadcast %parallel_loop3A_196 : i32 to vector<16xi32>
        %parallel_loop3A_198 = arith.andi %parallel_loop3A_188, %parallel_loop3A_197 : vector<16xi32>
        %parallel_loop3A_199 = vector.bitcast %parallel_loop3A_198 : vector<16xi32> to vector<16xf32>
        %parallel_loop3A_200 = arith.constant 16 : i32
        %parallel_loop3A_201 = vector.broadcast %parallel_loop3A_200 : i32 to vector<16xi32>
        %parallel_loop3A_202 = arith.shli %parallel_loop3A_191, %parallel_loop3A_201 : vector<16xi32>
        %parallel_loop3A_203 = vector.bitcast %parallel_loop3A_202 : vector<16xi32> to vector<16xf32>
        %parallel_loop3A_204 = arith.constant -65536 : i32
        %parallel_loop3A_205 = vector.broadcast %parallel_loop3A_204 : i32 to vector<16xi32>
        %parallel_loop3A_206 = arith.andi %parallel_loop3A_191, %parallel_loop3A_205 : vector<16xi32>
        %parallel_loop3A_207 = vector.bitcast %parallel_loop3A_206 : vector<16xi32> to vector<16xf32>
        %parallel_loop3A_208 = arith.mulf %parallel_loop3A_195, %parallel_loop3A_171 : vector<16xf32>
        %parallel_loop3A_209 = arith.mulf %parallel_loop3A_203, %parallel_loop3A_172 : vector<16xf32>
        %parallel_loop3A_210 = arith.addf %parallel_loop3A_208, %parallel_loop3A_209 : vector<16xf32>
        %parallel_loop3A_211 = arith.index_cast %parallel_loop3A_167 : i32 to index
        %parallel_loop3A_212 = arith.index_cast %parallel_loop3A_180 : i32 to index
        %parallel_loop3A_213 = tpu.vector_load %arg13[%parallel_loop3A_211, %parallel_loop3A_212] {strides = array<i32>} : memref<16x1024xf32, #tpu.memory_space<vmem>>, vector<16xf32>,
        %parallel_loop3A_214 = arith.mulf %parallel_loop3A_213, %parallel_loop3A_173 : vector<16xf32>
        %parallel_loop3A_215 = arith.addf %parallel_loop3A_210, %parallel_loop3A_214 : vector<16xf32>
        %parallel_loop3A_216 = arith.index_cast %parallel_loop3A_167 : i32 to index
        %parallel_loop3A_217 = arith.index_cast %parallel_loop3A_180 : i32 to index
        %parallel_loop3A_218 = tpu.vector_load %arg13[%parallel_loop3A_216, %parallel_loop3A_217] {strides = array<i32>} : memref<16x1024xf32, #tpu.memory_space<vmem>>, vector<16xf32>,
        tpu.vector_store %arg13[%parallel_loop3A_216, %parallel_loop3A_217], %parallel_loop3A_215 {strides = array<i32>} : memref<16x1024xf32, #tpu.memory_space<vmem>>, vector<16xf32>,
        %parallel_loop3A_219 = arith.mulf %parallel_loop3A_199, %parallel_loop3A_171 : vector<16xf32>
        %parallel_loop3A_220 = arith.mulf %parallel_loop3A_207, %parallel_loop3A_172 : vector<16xf32>
        %parallel_loop3A_221 = arith.addf %parallel_loop3A_219, %parallel_loop3A_220 : vector<16xf32>
        %parallel_loop3A_222 = arith.index_cast %parallel_loop3A_167 : i32 to index
        %parallel_loop3A_223 = arith.index_cast %parallel_loop3A_185 : i32 to index
        %parallel_loop3A_224 = tpu.vector_load %arg13[%parallel_loop3A_222, %parallel_loop3A_223] {strides = array<i32>} : memref<16x1024xf32, #tpu.memory_space<vmem>>, vector<16xf32>,
        %parallel_loop3A_225 = arith.mulf %parallel_loop3A_224, %parallel_loop3A_173 : vector<16xf32>
        %parallel_loop3A_226 = arith.addf %parallel_loop3A_221, %parallel_loop3A_225 : vector<16xf32>
        %parallel_loop3A_227 = arith.index_cast %parallel_loop3A_167 : i32 to index
        %parallel_loop3A_228 = arith.index_cast %parallel_loop3A_185 : i32 to index
        %parallel_loop3A_229 = tpu.vector_load %arg13[%parallel_loop3A_227, %parallel_loop3A_228] {strides = array<i32>} : memref<16x1024xf32, #tpu.memory_space<vmem>>, vector<16xf32>,
        tpu.vector_store %arg13[%parallel_loop3A_227, %parallel_loop3A_228], %parallel_loop3A_226 {strides = array<i32>} : memref<16x1024xf32, #tpu.memory_space<vmem>>, vector<16xf32>,
      } {sc.loop_unroll_factor = 8 : i64, sc.parallel_access}
    } {sc.loop_unroll_factor = 1 : i64, sc.parallel_access}
    %add3A_128 = arith.constant 32 : i32
    %add3A_129 = arith.addi %multiple_of3A, %add3A_128 : i32
    %multiple_of3A_130 = tpu.assume_multiple %add3A_129, 8 : i32
    %dma_start3A_131 = arith.constant 0 : i32
    %dma_start3A_132 = tpu.memref_slice %arg6[%multiple_of3A_130, %dma_start3A_131] : memref<2048x1024xf32, #tpu.memory_space<hbm>> -> memref<16x1024xf32, #tpu.memory_space<hbm>>
    %dma_start3A_133 = arith.constant 0 : i32
    %dma_start3A_134 = tpu.memref_slice %arg6[%multiple_of3A_130, %dma_start3A_133] : memref<2048x1024xf32, #tpu.memory_space<hbm>> -> memref<16x1024xf32, #tpu.memory_space<hbm>>
    tpu.enqueue_dma source(%arg13 : memref<16x1024xf32, #tpu.memory_space<vmem>>) target(%dma_start3A_134 : memref<16x1024xf32, #tpu.memory_space<hbm>>) target_semaphore(%arg28 : memref<!tpu.dma_semaphore, #tpu.memory_space<semaphore_mem>>)
    %dma_wait3A_135 = arith.constant 0 : i32
    %dma_wait3A_136 = arith.constant 0 : i32
    %dma_wait3A_137 = tpu.memref_slice %arg2[%dma_wait3A_135, %dma_wait3A_136] : memref<8192x512xi32, #tpu.memory_space<hbm>> -> memref<8192x512xi32, #tpu.memory_space<hbm>>
    tpu.wait_indirect_dma semaphore(%arg20 : memref<!tpu.dma_semaphore, #tpu.memory_space<semaphore_mem>>) src(%dma_wait3A_137 : memref<8192x512xi32, #tpu.memory_space<hbm>>) dst(%arg8 : memref<16x512xi32, #tpu.memory_space<vmem>>)
    %dma_wait3A_138 = arith.constant 0 : i32
    %dma_wait3A_139 = arith.constant 0 : i32
    %dma_wait3A_140 = tpu.memref_slice %arg2[%dma_wait3A_138, %dma_wait3A_139] : memref<8192x512xi32, #tpu.memory_space<hbm>> -> memref<8192x512xi32, #tpu.memory_space<hbm>>
    tpu.wait_indirect_dma semaphore(%arg22 : memref<!tpu.dma_semaphore, #tpu.memory_space<semaphore_mem>>) src(%dma_wait3A_140 : memref<8192x512xi32, #tpu.memory_space<hbm>>) dst(%arg10 : memref<16x512xi32, #tpu.memory_space<vmem>>)
    %dma_wait3A_141 = arith.constant 0 : i32
    %dma_wait3A_142 = tpu.memref_slice %arg3[%multiple_of3A_110, %dma_wait3A_141] : memref<2048x1024xf32, #tpu.memory_space<hbm>> -> memref<16x1024xf32, #tpu.memory_space<hbm>>
    %dma_wait3A_143 = arith.constant 0 : i32
    %dma_wait3A_144 = tpu.memref_slice %arg3[%multiple_of3A_110, %dma_wait3A_143] : memref<2048x1024xf32, #tpu.memory_space<hbm>> -> memref<16x1024xf32, #tpu.memory_space<hbm>>
    tpu.wait_dma2 semaphore(%arg23 : memref<!tpu.dma_semaphore, #tpu.memory_space<semaphore_mem>>) src(%dma_wait3A_144 : memref<16x1024xf32, #tpu.memory_space<hbm>>) dst(%arg11 : memref<16x1024xf32, #tpu.memory_space<vmem>>)
    %parallel_loop3A_145 = arith.constant 0 : i32
    %parallel_loop3A_146 = arith.constant 16 : i32
    %parallel_loop3A_147 = arith.constant 1 : i32
    scf.for %parallel_loop3A_167 = %parallel_loop3A_145 to %parallel_loop3A_146 step %parallel_loop3A_147  : i32 {
      %parallel_loop3A_168 = arith.constant 48 : i32
      %parallel_loop3A_169 = arith.addi %parallel_loop3A_168, %parallel_loop3A_167 : i32
      %parallel_loop3A_170 = vector.broadcast %parallel_loop3A_169 : i32 to vector<16xi32>
      %parallel_loop3A_171 = tpu.vector_load_idx %arg14[%parallel_loop3A_170] : memref<64xf32, #tpu.memory_space<vmem>>[vector<16xi32>], vector<16xf32>,
      %parallel_loop3A_172 = tpu.vector_load_idx %arg15[%parallel_loop3A_170] : memref<64xf32, #tpu.memory_space<vmem>>[vector<16xi32>], vector<16xf32>,
      %parallel_loop3A_173 = tpu.vector_load_idx %arg16[%parallel_loop3A_170] : memref<64xf32, #tpu.memory_space<vmem>>[vector<16xi32>], vector<16xf32>,
      %parallel_loop3A_174 = arith.constant 0 : i32
      %parallel_loop3A_175 = arith.constant 32 : i32
      %parallel_loop3A_176 = arith.constant 1 : i32
      scf.for %parallel_loop3A_177 = %parallel_loop3A_174 to %parallel_loop3A_175 step %parallel_loop3A_176  : i32 {
        %parallel_loop3A_178 = arith.constant 16 : i32
        %parallel_loop3A_179 = arith.muli %parallel_loop3A_177, %parallel_loop3A_178 : i32
        %parallel_loop3A_180 = tpu.assume_multiple %parallel_loop3A_179, 16 : i32
        %parallel_loop3A_181 = arith.constant 16 : i32
        %parallel_loop3A_182 = arith.muli %parallel_loop3A_177, %parallel_loop3A_181 : i32
        %parallel_loop3A_183 = arith.constant 512 : i32
        %parallel_loop3A_184 = arith.addi %parallel_loop3A_183, %parallel_loop3A_182 : i32
        %parallel_loop3A_185 = tpu.assume_multiple %parallel_loop3A_184, 16 : i32
        %parallel_loop3A_186 = arith.index_cast %parallel_loop3A_167 : i32 to index
        %parallel_loop3A_187 = arith.index_cast %parallel_loop3A_180 : i32 to index
        %parallel_loop3A_188 = tpu.vector_load %arg8[%parallel_loop3A_186, %parallel_loop3A_187] {strides = array<i32>} : memref<16x512xi32, #tpu.memory_space<vmem>>, vector<16xi32>,
        %parallel_loop3A_189 = arith.index_cast %parallel_loop3A_167 : i32 to index
        %parallel_loop3A_190 = arith.index_cast %parallel_loop3A_180 : i32 to index
        %parallel_loop3A_191 = tpu.vector_load %arg10[%parallel_loop3A_189, %parallel_loop3A_190] {strides = array<i32>} : memref<16x512xi32, #tpu.memory_space<vmem>>, vector<16xi32>,
        %parallel_loop3A_192 = arith.constant 16 : i32
        %parallel_loop3A_193 = vector.broadcast %parallel_loop3A_192 : i32 to vector<16xi32>
        %parallel_loop3A_194 = arith.shli %parallel_loop3A_188, %parallel_loop3A_193 : vector<16xi32>
        %parallel_loop3A_195 = vector.bitcast %parallel_loop3A_194 : vector<16xi32> to vector<16xf32>
        %parallel_loop3A_196 = arith.constant -65536 : i32
        %parallel_loop3A_197 = vector.broadcast %parallel_loop3A_196 : i32 to vector<16xi32>
        %parallel_loop3A_198 = arith.andi %parallel_loop3A_188, %parallel_loop3A_197 : vector<16xi32>
        %parallel_loop3A_199 = vector.bitcast %parallel_loop3A_198 : vector<16xi32> to vector<16xf32>
        %parallel_loop3A_200 = arith.constant 16 : i32
        %parallel_loop3A_201 = vector.broadcast %parallel_loop3A_200 : i32 to vector<16xi32>
        %parallel_loop3A_202 = arith.shli %parallel_loop3A_191, %parallel_loop3A_201 : vector<16xi32>
        %parallel_loop3A_203 = vector.bitcast %parallel_loop3A_202 : vector<16xi32> to vector<16xf32>
        %parallel_loop3A_204 = arith.constant -65536 : i32
        %parallel_loop3A_205 = vector.broadcast %parallel_loop3A_204 : i32 to vector<16xi32>
        %parallel_loop3A_206 = arith.andi %parallel_loop3A_191, %parallel_loop3A_205 : vector<16xi32>
        %parallel_loop3A_207 = vector.bitcast %parallel_loop3A_206 : vector<16xi32> to vector<16xf32>
        %parallel_loop3A_208 = arith.mulf %parallel_loop3A_195, %parallel_loop3A_171 : vector<16xf32>
        %parallel_loop3A_209 = arith.mulf %parallel_loop3A_203, %parallel_loop3A_172 : vector<16xf32>
        %parallel_loop3A_210 = arith.addf %parallel_loop3A_208, %parallel_loop3A_209 : vector<16xf32>
        %parallel_loop3A_211 = arith.index_cast %parallel_loop3A_167 : i32 to index
        %parallel_loop3A_212 = arith.index_cast %parallel_loop3A_180 : i32 to index
        %parallel_loop3A_213 = tpu.vector_load %arg11[%parallel_loop3A_211, %parallel_loop3A_212] {strides = array<i32>} : memref<16x1024xf32, #tpu.memory_space<vmem>>, vector<16xf32>,
        %parallel_loop3A_214 = arith.mulf %parallel_loop3A_213, %parallel_loop3A_173 : vector<16xf32>
        %parallel_loop3A_215 = arith.addf %parallel_loop3A_210, %parallel_loop3A_214 : vector<16xf32>
        %parallel_loop3A_216 = arith.index_cast %parallel_loop3A_167 : i32 to index
        %parallel_loop3A_217 = arith.index_cast %parallel_loop3A_180 : i32 to index
        %parallel_loop3A_218 = tpu.vector_load %arg11[%parallel_loop3A_216, %parallel_loop3A_217] {strides = array<i32>} : memref<16x1024xf32, #tpu.memory_space<vmem>>, vector<16xf32>,
        tpu.vector_store %arg11[%parallel_loop3A_216, %parallel_loop3A_217], %parallel_loop3A_215 {strides = array<i32>} : memref<16x1024xf32, #tpu.memory_space<vmem>>, vector<16xf32>,
        %parallel_loop3A_219 = arith.mulf %parallel_loop3A_199, %parallel_loop3A_171 : vector<16xf32>
        %parallel_loop3A_220 = arith.mulf %parallel_loop3A_207, %parallel_loop3A_172 : vector<16xf32>
        %parallel_loop3A_221 = arith.addf %parallel_loop3A_219, %parallel_loop3A_220 : vector<16xf32>
        %parallel_loop3A_222 = arith.index_cast %parallel_loop3A_167 : i32 to index
        %parallel_loop3A_223 = arith.index_cast %parallel_loop3A_185 : i32 to index
        %parallel_loop3A_224 = tpu.vector_load %arg11[%parallel_loop3A_222, %parallel_loop3A_223] {strides = array<i32>} : memref<16x1024xf32, #tpu.memory_space<vmem>>, vector<16xf32>,
        %parallel_loop3A_225 = arith.mulf %parallel_loop3A_224, %parallel_loop3A_173 : vector<16xf32>
        %parallel_loop3A_226 = arith.addf %parallel_loop3A_221, %parallel_loop3A_225 : vector<16xf32>
        %parallel_loop3A_227 = arith.index_cast %parallel_loop3A_167 : i32 to index
        %parallel_loop3A_228 = arith.index_cast %parallel_loop3A_185 : i32 to index
        %parallel_loop3A_229 = tpu.vector_load %arg11[%parallel_loop3A_227, %parallel_loop3A_228] {strides = array<i32>} : memref<16x1024xf32, #tpu.memory_space<vmem>>, vector<16xf32>,
        tpu.vector_store %arg11[%parallel_loop3A_227, %parallel_loop3A_228], %parallel_loop3A_226 {strides = array<i32>} : memref<16x1024xf32, #tpu.memory_space<vmem>>, vector<16xf32>,
      } {sc.loop_unroll_factor = 8 : i64, sc.parallel_access}
    } {sc.loop_unroll_factor = 1 : i64, sc.parallel_access}
    %add3A_148 = arith.constant 48 : i32
    %add3A_149 = arith.addi %multiple_of3A, %add3A_148 : i32
    %multiple_of3A_150 = tpu.assume_multiple %add3A_149, 8 : i32
    %dma_start3A_151 = arith.constant 0 : i32
    %dma_start3A_152 = tpu.memref_slice %arg6[%multiple_of3A_150, %dma_start3A_151] : memref<2048x1024xf32, #tpu.memory_space<hbm>> -> memref<16x1024xf32, #tpu.memory_space<hbm>>
    %dma_start3A_153 = arith.constant 0 : i32
    %dma_start3A_154 = tpu.memref_slice %arg6[%multiple_of3A_150, %dma_start3A_153] : memref<2048x1024xf32, #tpu.memory_space<hbm>> -> memref<16x1024xf32, #tpu.memory_space<hbm>>
    tpu.enqueue_dma source(%arg11 : memref<16x1024xf32, #tpu.memory_space<vmem>>) target(%dma_start3A_154 : memref<16x1024xf32, #tpu.memory_space<hbm>>) target_semaphore(%arg26 : memref<!tpu.dma_semaphore, #tpu.memory_space<semaphore_mem>>)
    %dma_wait3A_155 = arith.constant 0 : i32
    %dma_wait3A_156 = tpu.memref_slice %arg6[%multiple_of3A_89, %dma_wait3A_155] : memref<2048x1024xf32, #tpu.memory_space<hbm>> -> memref<16x1024xf32, #tpu.memory_space<hbm>>
    %dma_wait3A_157 = arith.constant 0 : i32
    %dma_wait3A_158 = tpu.memref_slice %arg6[%multiple_of3A_89, %dma_wait3A_157] : memref<2048x1024xf32, #tpu.memory_space<hbm>> -> memref<16x1024xf32, #tpu.memory_space<hbm>>
    tpu.wait_dma2 semaphore(%arg27 : memref<!tpu.dma_semaphore, #tpu.memory_space<semaphore_mem>>) src(%arg12 : memref<16x1024xf32, #tpu.memory_space<vmem>>) dst(%dma_wait3A_158 : memref<16x1024xf32, #tpu.memory_space<hbm>>)
    %dma_wait3A_159 = arith.constant 0 : i32
    %dma_wait3A_160 = tpu.memref_slice %arg6[%multiple_of3A_130, %dma_wait3A_159] : memref<2048x1024xf32, #tpu.memory_space<hbm>> -> memref<16x1024xf32, #tpu.memory_space<hbm>>
    %dma_wait3A_161 = arith.constant 0 : i32
    %dma_wait3A_162 = tpu.memref_slice %arg6[%multiple_of3A_130, %dma_wait3A_161] : memref<2048x1024xf32, #tpu.memory_space<hbm>> -> memref<16x1024xf32, #tpu.memory_space<hbm>>
    tpu.wait_dma2 semaphore(%arg28 : memref<!tpu.dma_semaphore, #tpu.memory_space<semaphore_mem>>) src(%arg13 : memref<16x1024xf32, #tpu.memory_space<vmem>>) dst(%dma_wait3A_162 : memref<16x1024xf32, #tpu.memory_space<hbm>>)
    %dma_wait3A_163 = arith.constant 0 : i32
    %dma_wait3A_164 = tpu.memref_slice %arg6[%multiple_of3A_150, %dma_wait3A_163] : memref<2048x1024xf32, #tpu.memory_space<hbm>> -> memref<16x1024xf32, #tpu.memory_space<hbm>>
    %dma_wait3A_165 = arith.constant 0 : i32
    %dma_wait3A_166 = tpu.memref_slice %arg6[%multiple_of3A_150, %dma_wait3A_165] : memref<2048x1024xf32, #tpu.memory_space<hbm>> -> memref<16x1024xf32, #tpu.memory_space<hbm>>
    tpu.wait_dma2 semaphore(%arg26 : memref<!tpu.dma_semaphore, #tpu.memory_space<semaphore_mem>>) src(%arg11 : memref<16x1024xf32, #tpu.memory_space<vmem>>) dst(%dma_wait3A_166 : memref<16x1024xf32, #tpu.memory_space<hbm>>)
    return
  }
}

#map = affine_map<(d0, d1) -> (0, 0)>
module attributes {stable_mosaic.version = 14 : i64} {
  func.func @_dispatch_body(%arg0: i32, %arg1: i32, %arg2: memref<2048x1024xf32, #tpu.memory_space<hbm>>, %arg3: memref<8x2048xi32, #tpu.memory_space<hbm>>, %arg4: memref<8192x1024xf32, #tpu.memory_space<hbm>>, %arg5: memref<64x1024xf32, #tpu.memory_space<vmem>>, %arg6: memref<64xi32, #tpu.memory_space<vmem>>, %arg7: memref<64xi32, #tpu.memory_space<vmem>>, %arg8: memref<!tpu.dma_semaphore, #tpu.memory_space<semaphore_mem>>, %arg9: memref<!tpu.dma_semaphore, #tpu.memory_space<semaphore_mem>>) attributes {dimension_semantics = [#tpu.dimension_semantics<core_parallel>, #tpu.dimension_semantics<subcore_parallel>], iteration_bounds = array<i64: 2, 16>, scalar_prefetch = 0 : i64, scratch_operands = 5 : i64, tpu.core_type = #tpu.core_type<sc_vector_subcore>, window_params = [{transform_indices = #map}, {transform_indices = #map}, {transform_indices = #map}]} {
    %mul3A = arith.constant 2 : i32
    %mul3A_0 = arith.muli %arg1, %mul3A : i32
    %add3A = arith.addi %mul3A_0, %arg0 : i32
    %mul3A_1 = arith.constant 64 : i32
    %mul3A_2 = arith.muli %add3A, %mul3A_1 : i32
    %multiple_of3A = tpu.assume_multiple %mul3A_2, 8 : i32
    "tpu.region"() ({
      %run_scoped3A_14 = tpu.sem_alloc : memref<!tpu.dma_semaphore, #tpu.memory_space<semaphore_mem>>
      %dma_start3A_15 = arith.constant 0 : i32
      %dma_start3A_16 = tpu.memref_slice %arg2[%multiple_of3A, %dma_start3A_15] : memref<2048x1024xf32, #tpu.memory_space<hbm>> -> memref<64x1024xf32, #tpu.memory_space<hbm>>
      %dma_start3A_17 = arith.constant 0 : i32
      %dma_start3A_18 = tpu.memref_slice %arg2[%multiple_of3A, %dma_start3A_17] : memref<2048x1024xf32, #tpu.memory_space<hbm>> -> memref<64x1024xf32, #tpu.memory_space<hbm>>
      tpu.enqueue_dma source(%dma_start3A_18 : memref<64x1024xf32, #tpu.memory_space<hbm>>) target(%arg5 : memref<64x1024xf32, #tpu.memory_space<vmem>>) target_semaphore(%run_scoped3A_14 : memref<!tpu.dma_semaphore, #tpu.memory_space<semaphore_mem>>)
      %dma_wait3A_19 = arith.constant 0 : i32
      %dma_wait3A_20 = tpu.memref_slice %arg2[%multiple_of3A, %dma_wait3A_19] : memref<2048x1024xf32, #tpu.memory_space<hbm>> -> memref<64x1024xf32, #tpu.memory_space<hbm>>
      %dma_wait3A_21 = arith.constant 0 : i32
      %dma_wait3A_22 = tpu.memref_slice %arg2[%multiple_of3A, %dma_wait3A_21] : memref<2048x1024xf32, #tpu.memory_space<hbm>> -> memref<64x1024xf32, #tpu.memory_space<hbm>>
      tpu.wait_dma2 semaphore(%run_scoped3A_14 : memref<!tpu.dma_semaphore, #tpu.memory_space<semaphore_mem>>) src(%dma_wait3A_22 : memref<64x1024xf32, #tpu.memory_space<hbm>>) dst(%arg5 : memref<64x1024xf32, #tpu.memory_space<vmem>>)
      tpu.yield
    }) : () -> ()
    %run_scoped3A = arith.constant 0 : i32
    "tpu.region"() ({
      %run_scoped3A_14 = tpu.sem_alloc : memref<!tpu.dma_semaphore, #tpu.memory_space<semaphore_mem>>
      %dma_start3A_15 = tpu.memref_slice %arg3[%run_scoped3A, %multiple_of3A] : memref<8x2048xi32, #tpu.memory_space<hbm>> -> memref<1x64xi32, #tpu.memory_space<hbm>>
      %dma_start3A_16 = tpu.memref_squeeze %dma_start3A_15 : memref<1x64xi32, #tpu.memory_space<hbm>> -> memref<64xi32, #tpu.memory_space<hbm>>
      %dma_start3A_17 = tpu.memref_slice %arg3[%run_scoped3A, %multiple_of3A] : memref<8x2048xi32, #tpu.memory_space<hbm>> -> memref<1x64xi32, #tpu.memory_space<hbm>>
      %dma_start3A_18 = tpu.memref_squeeze %dma_start3A_17 : memref<1x64xi32, #tpu.memory_space<hbm>> -> memref<64xi32, #tpu.memory_space<hbm>>
      tpu.enqueue_dma source(%dma_start3A_18 : memref<64xi32, #tpu.memory_space<hbm>>) target(%arg6 : memref<64xi32, #tpu.memory_space<vmem>>) target_semaphore(%run_scoped3A_14 : memref<!tpu.dma_semaphore, #tpu.memory_space<semaphore_mem>>)
      %dma_wait3A_19 = tpu.memref_slice %arg3[%run_scoped3A, %multiple_of3A] : memref<8x2048xi32, #tpu.memory_space<hbm>> -> memref<1x64xi32, #tpu.memory_space<hbm>>
      %dma_wait3A_20 = tpu.memref_squeeze %dma_wait3A_19 : memref<1x64xi32, #tpu.memory_space<hbm>> -> memref<64xi32, #tpu.memory_space<hbm>>
      %dma_wait3A_21 = tpu.memref_slice %arg3[%run_scoped3A, %multiple_of3A] : memref<8x2048xi32, #tpu.memory_space<hbm>> -> memref<1x64xi32, #tpu.memory_space<hbm>>
      %dma_wait3A_22 = tpu.memref_squeeze %dma_wait3A_21 : memref<1x64xi32, #tpu.memory_space<hbm>> -> memref<64xi32, #tpu.memory_space<hbm>>
      tpu.wait_dma2 semaphore(%run_scoped3A_14 : memref<!tpu.dma_semaphore, #tpu.memory_space<semaphore_mem>>) src(%dma_wait3A_22 : memref<64xi32, #tpu.memory_space<hbm>>) dst(%arg6 : memref<64xi32, #tpu.memory_space<vmem>>)
      tpu.yield
    }) : () -> ()
    %run_scoped3A_3 = arith.constant 1 : i32
    "tpu.region"() ({
      %run_scoped3A_14 = tpu.sem_alloc : memref<!tpu.dma_semaphore, #tpu.memory_space<semaphore_mem>>
      %dma_start3A_15 = tpu.memref_slice %arg3[%run_scoped3A_3, %multiple_of3A] : memref<8x2048xi32, #tpu.memory_space<hbm>> -> memref<1x64xi32, #tpu.memory_space<hbm>>
      %dma_start3A_16 = tpu.memref_squeeze %dma_start3A_15 : memref<1x64xi32, #tpu.memory_space<hbm>> -> memref<64xi32, #tpu.memory_space<hbm>>
      %dma_start3A_17 = tpu.memref_slice %arg3[%run_scoped3A_3, %multiple_of3A] : memref<8x2048xi32, #tpu.memory_space<hbm>> -> memref<1x64xi32, #tpu.memory_space<hbm>>
      %dma_start3A_18 = tpu.memref_squeeze %dma_start3A_17 : memref<1x64xi32, #tpu.memory_space<hbm>> -> memref<64xi32, #tpu.memory_space<hbm>>
      tpu.enqueue_dma source(%dma_start3A_18 : memref<64xi32, #tpu.memory_space<hbm>>) target(%arg7 : memref<64xi32, #tpu.memory_space<vmem>>) target_semaphore(%run_scoped3A_14 : memref<!tpu.dma_semaphore, #tpu.memory_space<semaphore_mem>>)
      %dma_wait3A_19 = tpu.memref_slice %arg3[%run_scoped3A_3, %multiple_of3A] : memref<8x2048xi32, #tpu.memory_space<hbm>> -> memref<1x64xi32, #tpu.memory_space<hbm>>
      %dma_wait3A_20 = tpu.memref_squeeze %dma_wait3A_19 : memref<1x64xi32, #tpu.memory_space<hbm>> -> memref<64xi32, #tpu.memory_space<hbm>>
      %dma_wait3A_21 = tpu.memref_slice %arg3[%run_scoped3A_3, %multiple_of3A] : memref<8x2048xi32, #tpu.memory_space<hbm>> -> memref<1x64xi32, #tpu.memory_space<hbm>>
      %dma_wait3A_22 = tpu.memref_squeeze %dma_wait3A_21 : memref<1x64xi32, #tpu.memory_space<hbm>> -> memref<64xi32, #tpu.memory_space<hbm>>
      tpu.wait_dma2 semaphore(%run_scoped3A_14 : memref<!tpu.dma_semaphore, #tpu.memory_space<semaphore_mem>>) src(%dma_wait3A_22 : memref<64xi32, #tpu.memory_space<hbm>>) dst(%arg7 : memref<64xi32, #tpu.memory_space<vmem>>)
      tpu.yield
    }) : () -> ()
    %dma_start3A = arith.constant 0 : i32
    %dma_start3A_4 = arith.constant 0 : i32
    %dma_start3A_5 = tpu.memref_slice %arg4[%dma_start3A, %dma_start3A_4] : memref<8192x1024xf32, #tpu.memory_space<hbm>> -> memref<8192x1024xf32, #tpu.memory_space<hbm>>
    tpu.enqueue_indirect_dma source(%arg5 : memref<64x1024xf32, #tpu.memory_space<vmem>>) target(%dma_start3A_5 : memref<8192x1024xf32, #tpu.memory_space<hbm>>) offsets(%arg6 : memref<64xi32, #tpu.memory_space<vmem>>) semaphore(%arg8 : memref<!tpu.dma_semaphore, #tpu.memory_space<semaphore_mem>>)
    %dma_start3A_6 = arith.constant 0 : i32
    %dma_start3A_7 = arith.constant 0 : i32
    %dma_start3A_8 = tpu.memref_slice %arg4[%dma_start3A_6, %dma_start3A_7] : memref<8192x1024xf32, #tpu.memory_space<hbm>> -> memref<8192x1024xf32, #tpu.memory_space<hbm>>
    tpu.enqueue_indirect_dma source(%arg5 : memref<64x1024xf32, #tpu.memory_space<vmem>>) target(%dma_start3A_8 : memref<8192x1024xf32, #tpu.memory_space<hbm>>) offsets(%arg7 : memref<64xi32, #tpu.memory_space<vmem>>) semaphore(%arg9 : memref<!tpu.dma_semaphore, #tpu.memory_space<semaphore_mem>>)
    %dma_wait3A = arith.constant 0 : i32
    %dma_wait3A_9 = arith.constant 0 : i32
    %dma_wait3A_10 = tpu.memref_slice %arg4[%dma_wait3A, %dma_wait3A_9] : memref<8192x1024xf32, #tpu.memory_space<hbm>> -> memref<8192x1024xf32, #tpu.memory_space<hbm>>
    tpu.wait_indirect_dma semaphore(%arg8 : memref<!tpu.dma_semaphore, #tpu.memory_space<semaphore_mem>>) src(%arg5 : memref<64x1024xf32, #tpu.memory_space<vmem>>) dst(%dma_wait3A_10 : memref<8192x1024xf32, #tpu.memory_space<hbm>>)
    %dma_wait3A_11 = arith.constant 0 : i32
    %dma_wait3A_12 = arith.constant 0 : i32
    %dma_wait3A_13 = tpu.memref_slice %arg4[%dma_wait3A_11, %dma_wait3A_12] : memref<8192x1024xf32, #tpu.memory_space<hbm>> -> memref<8192x1024xf32, #tpu.memory_space<hbm>>
    tpu.wait_indirect_dma semaphore(%arg9 : memref<!tpu.dma_semaphore, #tpu.memory_space<semaphore_mem>>) src(%arg5 : memref<64x1024xf32, #tpu.memory_space<vmem>>) dst(%dma_wait3A_13 : memref<8192x1024xf32, #tpu.memory_space<hbm>>)
    return
  }
}

module attributes {stable_mosaic.version = 14 : i64} {
  func.func @_ffn_body(%arg0: i32, %arg1: memref<16xi32, #tpu.memory_space<smem>>, %arg2: memref<512x1024xf32, #tpu.memory_space<vmem>>, %arg3: memref<1x1024x1024xf32, #tpu.memory_space<vmem>>, %arg4: memref<1x1024x512xf32, #tpu.memory_space<vmem>>, %arg5: memref<512x512xi32, #tpu.memory_space<vmem>>) attributes {dimension_semantics = [#tpu.dimension_semantics<arbitrary>], iteration_bounds = array<i64: 16>, scalar_prefetch = 1 : i64, scratch_operands = 0 : i64, tpu.core_type = #tpu.core_type<tc>, window_params = [{transform_indices = @transform_0, window_bounds = array<i64: 512, 1024>}, {transform_indices = @transform_1, window_bounds = array<i64: 1, 1024, 1024>}, {transform_indices = @transform_2, window_bounds = array<i64: 1, 1024, 512>}, {transform_indices = @transform_3, window_bounds = array<i64: 512, 512>}]} {
    %get3A = arith.index_cast %arg0 : i32 to index
    %get3A_0 = memref.load %arg1[%get3A] : memref<16xi32, #tpu.memory_space<smem>>
    %ge3A = arith.constant 0 : i32
    %ge3A_1 = arith.cmpi sge, %get3A_0, %ge3A : i32
    %convert_element_type3A = arith.extui %ge3A_1 : i1 to i32
    %cond3A = arith.constant 0 : i32
    %cond3A_2 = arith.cmpi ne, %convert_element_type3A, %cond3A : i32
    scf.if %cond3A_2 {
      %get3A_3 = arith.constant 0 : index
      %get3A_4 = arith.constant 0 : index
      %get3A_5 = vector.load %arg2[%get3A_3, %get3A_4] : memref<512x1024xf32, #tpu.memory_space<vmem>>, vector<512x1024xf32>
      %get3A_6 = arith.constant 0 : index
      %get3A_7 = arith.constant 0 : index
      %get3A_8 = arith.constant 0 : index
      %get3A_9 = vector.load %arg3[%get3A_6, %get3A_7, %get3A_8] : memref<1x1024x1024xf32, #tpu.memory_space<vmem>>, vector<1x1024x1024xf32>
      %get3A_10 = vector.shape_cast %get3A_9 : vector<1x1024x1024xf32> to vector<1024x1024xf32>
      %dot_general3A = arith.constant dense<0.000000e+00> : vector<512x1024xf32>
      %dot_general3A_11 = tpu.matmul %get3A_5, %get3A_10, %dot_general3A {dimension_numbers = #tpu.dot_dimension_numbers<[1], [1], [0], [0], [0, 0, 1, 0], [], []>, transpose_lhs_hint = false} : vector<512x1024xf32>, vector<1024x1024xf32>, vector<512x1024xf32> -> vector<512x1024xf32>
      %slice3A = vector.extract_strided_slice %dot_general3A_11 {offsets = [0, 0], sizes = [512, 512], strides = [1, 1]} : vector<512x1024xf32> to vector<512x512xf32>
      %slice3A_12 = vector.extract_strided_slice %dot_general3A_11 {offsets = [0, 512], sizes = [512, 512], strides = [1, 1]} : vector<512x1024xf32> to vector<512x512xf32>
      %neg3A = arith.constant 0.000000e+00 : f32
      %neg3A_13 = vector.broadcast %neg3A : f32 to vector<512x512xf32>
      %neg3A_14 = arith.subf %neg3A_13, %slice3A : vector<512x512xf32>
      %exp3A = math.exp %neg3A_14 : vector<512x512xf32>
      %add3A = arith.constant 1.000000e+00 : f32
      %add3A_15 = vector.broadcast %add3A : f32 to vector<512x512xf32>
      %add3A_16 = arith.addf %add3A_15, %exp3A : vector<512x512xf32>
      %div3A = arith.constant 1.000000e+00 : f32
      %div3A_17 = vector.broadcast %div3A : f32 to vector<512x512xf32>
      %div3A_18 = arith.divf %div3A_17, %add3A_16 : vector<512x512xf32>
      %mul3A = arith.mulf %slice3A, %div3A_18 : vector<512x512xf32>
      %mul3A_19 = arith.mulf %mul3A, %slice3A_12 : vector<512x512xf32>
      %get3A_20 = arith.constant 0 : index
      %get3A_21 = arith.constant 0 : index
      %get3A_22 = arith.constant 0 : index
      %get3A_23 = vector.load %arg4[%get3A_20, %get3A_21, %get3A_22] : memref<1x1024x512xf32, #tpu.memory_space<vmem>>, vector<1x1024x512xf32>
      %get3A_24 = vector.shape_cast %get3A_23 : vector<1x1024x512xf32> to vector<1024x512xf32>
      %dot_general3A_25 = arith.constant dense<0.000000e+00> : vector<512x1024xf32>
      %dot_general3A_26 = tpu.matmul %mul3A_19, %get3A_24, %dot_general3A_25 {dimension_numbers = #tpu.dot_dimension_numbers<[1], [1], [0], [0], [0, 0, 1, 0], [], []>, transpose_lhs_hint = false} : vector<512x512xf32>, vector<1024x512xf32>, vector<512x1024xf32> -> vector<512x1024xf32>
      %slice3A_27 = vector.extract_strided_slice %dot_general3A_26 {offsets = [0, 0], sizes = [512, 512], strides = [1, 1]} : vector<512x1024xf32> to vector<512x512xf32>
      %bitcast_convert_type3A = tpu.bitcast %slice3A_27 : vector<512x512xf32> -> vector<512x512xi32>
      %slice3A_28 = vector.extract_strided_slice %dot_general3A_26 {offsets = [0, 512], sizes = [512, 512], strides = [1, 1]} : vector<512x1024xf32> to vector<512x512xf32>
      %bitcast_convert_type3A_29 = tpu.bitcast %slice3A_28 : vector<512x512xf32> -> vector<512x512xi32>
      %add3A_30 = arith.constant 32767 : i32
      %add3A_31 = vector.broadcast %add3A_30 : i32 to vector<512x512xi32>
      %add3A_32 = arith.addi %bitcast_convert_type3A, %add3A_31 : vector<512x512xi32>
      %shift_right_logical3A = arith.constant 16 : i32
      %shift_right_logical3A_33 = vector.broadcast %shift_right_logical3A : i32 to vector<512x512xi32>
      %shift_right_logical3A_34 = arith.shrui %bitcast_convert_type3A, %shift_right_logical3A_33 : vector<512x512xi32>
      %and3A = arith.constant 1 : i32
      %and3A_35 = vector.broadcast %and3A : i32 to vector<512x512xi32>
      %and3A_36 = arith.andi %shift_right_logical3A_34, %and3A_35 : vector<512x512xi32>
      %add3A_37 = arith.addi %add3A_32, %and3A_36 : vector<512x512xi32>
      %add3A_38 = arith.constant 32767 : i32
      %add3A_39 = vector.broadcast %add3A_38 : i32 to vector<512x512xi32>
      %add3A_40 = arith.addi %bitcast_convert_type3A_29, %add3A_39 : vector<512x512xi32>
      %shift_right_logical3A_41 = arith.constant 16 : i32
      %shift_right_logical3A_42 = vector.broadcast %shift_right_logical3A_41 : i32 to vector<512x512xi32>
      %shift_right_logical3A_43 = arith.shrui %bitcast_convert_type3A_29, %shift_right_logical3A_42 : vector<512x512xi32>
      %and3A_44 = arith.constant 1 : i32
      %and3A_45 = vector.broadcast %and3A_44 : i32 to vector<512x512xi32>
      %and3A_46 = arith.andi %shift_right_logical3A_43, %and3A_45 : vector<512x512xi32>
      %add3A_47 = arith.addi %add3A_40, %and3A_46 : vector<512x512xi32>
      %shift_right_logical3A_48 = arith.constant 16 : i32
      %shift_right_logical3A_49 = vector.broadcast %shift_right_logical3A_48 : i32 to vector<512x512xi32>
      %shift_right_logical3A_50 = arith.shrui %add3A_37, %shift_right_logical3A_49 : vector<512x512xi32>
      %and3A_51 = arith.constant -65536 : i32
      %and3A_52 = vector.broadcast %and3A_51 : i32 to vector<512x512xi32>
      %and3A_53 = arith.andi %add3A_47, %and3A_52 : vector<512x512xi32>
      %or3A = arith.ori %shift_right_logical3A_50, %and3A_53 : vector<512x512xi32>
      %bitcast_convert_type3A_54 = tpu.bitcast %or3A : vector<512x512xi32> -> vector<512x512xi32>
      %swap3A = arith.constant 0 : index
      %swap3A_55 = arith.constant 0 : index
      %swap3A_56 = vector.load %arg5[%swap3A, %swap3A_55] : memref<512x512xi32, #tpu.memory_space<vmem>>, vector<512x512xi32>
      tpu.vector_store %arg5[%swap3A, %swap3A_55], %bitcast_convert_type3A_54 {strides = array<i32>} : memref<512x512xi32, #tpu.memory_space<vmem>>, vector<512x512xi32>,
    } else {
    }
    return
  }
  func.func @transform_0(%arg0: i32, %arg1: memref<16xi32, #tpu.memory_space<smem>>) -> (i32, i32) {
    %c0_i32 = arith.constant 0 : i32
    %c0_i32_0 = arith.constant 0 : i32
    return %arg0, %c0_i32 : i32, i32
  }
  func.func @transform_1(%arg0: i32, %arg1: memref<16xi32, #tpu.memory_space<smem>>) -> (i32, i32, i32) {
    %get3A = arith.index_cast %arg0 : i32 to index
    %get3A_0 = memref.load %arg1[%get3A] : memref<16xi32, #tpu.memory_space<smem>>
    %lt3A = arith.constant 0 : i32
    %lt3A_1 = arith.cmpi slt, %get3A_0, %lt3A : i32
    %get3A_2 = arith.index_cast %arg0 : i32 to index
    %get3A_3 = memref.load %arg1[%get3A_2] : memref<16xi32, #tpu.memory_space<smem>>
    %jit3A = arith.constant 7 : i32
    %select_n3A = arith.select %lt3A_1, %jit3A, %get3A_3 : i32
    %c0_i32 = arith.constant 0 : i32
    %c0_i32_4 = arith.constant 0 : i32
    %c0_i32_5 = arith.constant 0 : i32
    return %select_n3A, %c0_i32, %c0_i32_4 : i32, i32, i32
  }
  func.func @transform_2(%arg0: i32, %arg1: memref<16xi32, #tpu.memory_space<smem>>) -> (i32, i32, i32) {
    %get3A = arith.index_cast %arg0 : i32 to index
    %get3A_0 = memref.load %arg1[%get3A] : memref<16xi32, #tpu.memory_space<smem>>
    %lt3A = arith.constant 0 : i32
    %lt3A_1 = arith.cmpi slt, %get3A_0, %lt3A : i32
    %get3A_2 = arith.index_cast %arg0 : i32 to index
    %get3A_3 = memref.load %arg1[%get3A_2] : memref<16xi32, #tpu.memory_space<smem>>
    %jit3A = arith.constant 7 : i32
    %select_n3A = arith.select %lt3A_1, %jit3A, %get3A_3 : i32
    %c0_i32 = arith.constant 0 : i32
    %c0_i32_4 = arith.constant 0 : i32
    %c0_i32_5 = arith.constant 0 : i32
    return %select_n3A, %c0_i32, %c0_i32_4 : i32, i32, i32
  }
  func.func @transform_3(%arg0: i32, %arg1: memref<16xi32, #tpu.memory_space<smem>>) -> (i32, i32) {
    %c0_i32 = arith.constant 0 : i32
    %c0_i32_0 = arith.constant 0 : i32
    return %arg0, %c0_i32 : i32, i32
  }
}

module attributes {stable_mosaic.version = 14 : i64} {
  func.func @_shared_body(%arg0: i32, %arg1: memref<512x1024xf32, #tpu.memory_space<vmem>>, %arg2: memref<1024x1024xf32, #tpu.memory_space<vmem>>, %arg3: memref<1024x512xf32, #tpu.memory_space<vmem>>, %arg4: memref<512x1024xf32, #tpu.memory_space<vmem>>) attributes {dimension_semantics = [#tpu.dimension_semantics<arbitrary>], iteration_bounds = array<i64: 4>, scalar_prefetch = 0 : i64, scratch_operands = 0 : i64, tpu.core_type = #tpu.core_type<tc>, window_params = [{transform_indices = @transform_0, window_bounds = array<i64: 512, 1024>}, {pipeline_mode = #tpu.pipeline_mode<synchronous>, transform_indices = @transform_1, window_bounds = array<i64: 1024, 1024>}, {pipeline_mode = #tpu.pipeline_mode<synchronous>, transform_indices = @transform_2, window_bounds = array<i64: 1024, 512>}, {transform_indices = @transform_3, window_bounds = array<i64: 512, 1024>}]} {
    %get3A = arith.constant 0 : index
    %get3A_0 = arith.constant 0 : index
    %get3A_1 = vector.load %arg1[%get3A, %get3A_0] : memref<512x1024xf32, #tpu.memory_space<vmem>>, vector<512x1024xf32>
    %get3A_2 = arith.constant 0 : index
    %get3A_3 = arith.constant 0 : index
    %get3A_4 = vector.load %arg2[%get3A_2, %get3A_3] : memref<1024x1024xf32, #tpu.memory_space<vmem>>, vector<1024x1024xf32>
    %dot_general3A = arith.constant dense<0.000000e+00> : vector<512x1024xf32>
    %dot_general3A_5 = tpu.matmul %get3A_1, %get3A_4, %dot_general3A {dimension_numbers = #tpu.dot_dimension_numbers<[1], [1], [0], [0], [0, 0, 1, 0], [], []>, transpose_lhs_hint = false} : vector<512x1024xf32>, vector<1024x1024xf32>, vector<512x1024xf32> -> vector<512x1024xf32>
    %slice3A = vector.extract_strided_slice %dot_general3A_5 {offsets = [0, 0], sizes = [512, 512], strides = [1, 1]} : vector<512x1024xf32> to vector<512x512xf32>
    %slice3A_6 = vector.extract_strided_slice %dot_general3A_5 {offsets = [0, 512], sizes = [512, 512], strides = [1, 1]} : vector<512x1024xf32> to vector<512x512xf32>
    %neg3A = arith.constant 0.000000e+00 : f32
    %neg3A_7 = vector.broadcast %neg3A : f32 to vector<512x512xf32>
    %neg3A_8 = arith.subf %neg3A_7, %slice3A : vector<512x512xf32>
    %exp3A = math.exp %neg3A_8 : vector<512x512xf32>
    %add3A = arith.constant 1.000000e+00 : f32
    %add3A_9 = vector.broadcast %add3A : f32 to vector<512x512xf32>
    %add3A_10 = arith.addf %add3A_9, %exp3A : vector<512x512xf32>
    %div3A = arith.constant 1.000000e+00 : f32
    %div3A_11 = vector.broadcast %div3A : f32 to vector<512x512xf32>
    %div3A_12 = arith.divf %div3A_11, %add3A_10 : vector<512x512xf32>
    %mul3A = arith.mulf %slice3A, %div3A_12 : vector<512x512xf32>
    %mul3A_13 = arith.mulf %mul3A, %slice3A_6 : vector<512x512xf32>
    %get3A_14 = arith.constant 0 : index
    %get3A_15 = arith.constant 0 : index
    %get3A_16 = vector.load %arg3[%get3A_14, %get3A_15] : memref<1024x512xf32, #tpu.memory_space<vmem>>, vector<1024x512xf32>
    %dot_general3A_17 = arith.constant dense<0.000000e+00> : vector<512x1024xf32>
    %dot_general3A_18 = tpu.matmul %mul3A_13, %get3A_16, %dot_general3A_17 {dimension_numbers = #tpu.dot_dimension_numbers<[1], [1], [0], [0], [0, 0, 1, 0], [], []>, transpose_lhs_hint = false} : vector<512x512xf32>, vector<1024x512xf32>, vector<512x1024xf32> -> vector<512x1024xf32>
    %swap3A = arith.constant 0 : index
    %swap3A_19 = arith.constant 0 : index
    %swap3A_20 = vector.load %arg4[%swap3A, %swap3A_19] : memref<512x1024xf32, #tpu.memory_space<vmem>>, vector<512x1024xf32>
    tpu.vector_store %arg4[%swap3A, %swap3A_19], %dot_general3A_18 {strides = array<i32>} : memref<512x1024xf32, #tpu.memory_space<vmem>>, vector<512x1024xf32>,
    return
  }
  func.func @transform_0(%arg0: i32) -> (i32, i32) {
    %c0_i32 = arith.constant 0 : i32
    %c0_i32_0 = arith.constant 0 : i32
    return %arg0, %c0_i32 : i32, i32
  }
  func.func @transform_1(%arg0: i32) -> (i32, i32) {
    %c0_i32 = arith.constant 0 : i32
    %c0_i32_0 = arith.constant 0 : i32
    %c0_i32_1 = arith.constant 0 : i32
    return %c0_i32, %c0_i32_0 : i32, i32
  }
  func.func @transform_2(%arg0: i32) -> (i32, i32) {
    %c0_i32 = arith.constant 0 : i32
    %c0_i32_0 = arith.constant 0 : i32
    %c0_i32_1 = arith.constant 0 : i32
    return %c0_i32, %c0_i32_0 : i32, i32
  }
  func.func @transform_3(%arg0: i32) -> (i32, i32) {
    %c0_i32 = arith.constant 0 : i32
    %c0_i32_0 = arith.constant 0 : i32
    return %arg0, %c0_i32 : i32, i32
  }
}

module attributes {stable_mosaic.version = 14 : i64} {
  func.func @_router_body(%arg0: memref<2048x1024xf32, #tpu.memory_space<vmem>>, %arg1: memref<8x1024xf32, #tpu.memory_space<vmem>>, %arg2: memref<1x1024xf32, #tpu.memory_space<vmem>>, %arg3: memref<8x2048xi32, #tpu.memory_space<vmem>>, %arg4: memref<8x2048xf32, #tpu.memory_space<vmem>>) attributes {dimension_semantics = [], scalar_prefetch = 0 : i64, scratch_operands = 0 : i64, tpu.core_type = #tpu.core_type<tc>} {
    %get3A = arith.constant 0 : index
    %get3A_0 = arith.constant 0 : index
    %get3A_1 = vector.load %arg0[%get3A, %get3A_0] : memref<2048x1024xf32, #tpu.memory_space<vmem>>, vector<2048x1024xf32>
    %get3A_2 = arith.constant 0 : index
    %get3A_3 = arith.constant 0 : index
    %get3A_4 = vector.load %arg1[%get3A_2, %get3A_3] : memref<8x1024xf32, #tpu.memory_space<vmem>>, vector<8x1024xf32>
    %dot_general3A = arith.constant dense<0.000000e+00> : vector<8x2048xf32>
    %dot_general3A_5 = tpu.matmul %get3A_4, %get3A_1, %dot_general3A {dimension_numbers = #tpu.dot_dimension_numbers<[1], [1], [0], [0], [0, 0, 1, 0], [], []>, transpose_lhs_hint = false} : vector<8x1024xf32>, vector<2048x1024xf32>, vector<8x2048xf32> -> vector<8x2048xf32>
    %get3A_6 = arith.constant 0 : index
    %get3A_7 = arith.constant 0 : index
    %get3A_8 = vector.load %arg2[%get3A_6, %get3A_7] : memref<1x1024xf32, #tpu.memory_space<vmem>>, vector<1x1024xf32>
    %dot_general3A_9 = arith.constant dense<0.000000e+00> : vector<1x2048xf32>
    %dot_general3A_10 = tpu.matmul %get3A_8, %get3A_1, %dot_general3A_9 {dimension_numbers = #tpu.dot_dimension_numbers<[1], [1], [0], [0], [0, 0, 1, 0], [], []>, transpose_lhs_hint = false} : vector<1x1024xf32>, vector<2048x1024xf32>, vector<1x2048xf32> -> vector<1x2048xf32>
    %iota3A = tpu.iota {dimensions = array<i32: 0>} : vector<8x2048xi32>
    %reduce_max3A = arith.constant dense<0xFF800000> : vector<2048xf32>
    %reduce_max3A_11 = vector.multi_reduction <maximumf>, %dot_general3A_5, %reduce_max3A [0] : vector<8x2048xf32> to vector<2048xf32>
    %broadcast_in_dim3A = vector.shape_cast %reduce_max3A_11 : vector<2048xf32> to vector<1x2048xf32>
    %sub3A = vector.broadcast %broadcast_in_dim3A : vector<1x2048xf32> to vector<8x2048xf32>
    %sub3A_12 = arith.subf %dot_general3A_5, %sub3A : vector<8x2048xf32>
    %exp3A = math.exp %sub3A_12 : vector<8x2048xf32>
    %reduce_sum3A = arith.constant dense<0.000000e+00> : vector<2048xf32>
    %reduce_sum3A_13 = vector.multi_reduction <add>, %exp3A, %reduce_sum3A [0] : vector<8x2048xf32> to vector<2048xf32>
    %broadcast_in_dim3A_14 = vector.shape_cast %reduce_sum3A_13 : vector<2048xf32> to vector<1x2048xf32>
    %div3A = vector.broadcast %broadcast_in_dim3A_14 : vector<1x2048xf32> to vector<8x2048xf32>
    %div3A_15 = arith.divf %exp3A, %div3A : vector<8x2048xf32>
    %reduce_max3A_16 = arith.constant dense<0xFF800000> : vector<2048xf32>
    %reduce_max3A_17 = vector.multi_reduction <maximumf>, %div3A_15, %reduce_max3A_16 [0] : vector<8x2048xf32> to vector<2048xf32>
    %broadcast_in_dim3A_18 = vector.shape_cast %reduce_max3A_17 : vector<2048xf32> to vector<1x2048xf32>
    %eq3A = vector.broadcast %broadcast_in_dim3A_18 : vector<1x2048xf32> to vector<8x2048xf32>
    %eq3A_19 = arith.cmpf oeq, %div3A_15, %eq3A : vector<8x2048xf32>
    %jit3A = arith.constant 8 : i32
    %broadcast_in_dim3A_20 = vector.broadcast %jit3A : i32 to vector<8x2048xi32>
    %select_n3A = arith.select %eq3A_19, %iota3A, %broadcast_in_dim3A_20 : vector<8x2048xi1>, vector<8x2048xi32>
    %reduce_min3A = arith.constant dense<2147483647> : vector<2048xi32>
    %reduce_min3A_21 = vector.multi_reduction <minsi>, %select_n3A, %reduce_min3A [0] : vector<8x2048xi32> to vector<2048xi32>
    %broadcast_in_dim3A_22 = vector.shape_cast %reduce_min3A_21 : vector<2048xi32> to vector<1x2048xi32>
    %eq3A_23 = vector.broadcast %broadcast_in_dim3A_22 : vector<1x2048xi32> to vector<8x2048xi32>
    %eq3A_24 = arith.cmpi eq, %iota3A, %eq3A_23 : vector<8x2048xi32>
    %jit3A_25 = arith.constant -1.000000e+00 : f32
    %broadcast_in_dim3A_26 = vector.broadcast %jit3A_25 : f32 to vector<8x2048xf32>
    %select_n3A_27 = arith.select %eq3A_24, %broadcast_in_dim3A_26, %div3A_15 : vector<8x2048xi1>, vector<8x2048xf32>
    %reduce_max3A_28 = arith.constant dense<0xFF800000> : vector<2048xf32>
    %reduce_max3A_29 = vector.multi_reduction <maximumf>, %select_n3A_27, %reduce_max3A_28 [0] : vector<8x2048xf32> to vector<2048xf32>
    %broadcast_in_dim3A_30 = vector.shape_cast %reduce_max3A_29 : vector<2048xf32> to vector<1x2048xf32>
    %eq3A_31 = vector.broadcast %broadcast_in_dim3A_30 : vector<1x2048xf32> to vector<8x2048xf32>
    %eq3A_32 = arith.cmpf oeq, %select_n3A_27, %eq3A_31 : vector<8x2048xf32>
    %jit3A_33 = arith.constant 8 : i32
    %broadcast_in_dim3A_34 = vector.broadcast %jit3A_33 : i32 to vector<8x2048xi32>
    %select_n3A_35 = arith.select %eq3A_32, %iota3A, %broadcast_in_dim3A_34 : vector<8x2048xi1>, vector<8x2048xi32>
    %reduce_min3A_36 = arith.constant dense<2147483647> : vector<2048xi32>
    %reduce_min3A_37 = vector.multi_reduction <minsi>, %select_n3A_35, %reduce_min3A_36 [0] : vector<8x2048xi32> to vector<2048xi32>
    %broadcast_in_dim3A_38 = vector.shape_cast %reduce_min3A_37 : vector<2048xi32> to vector<1x2048xi32>
    %add3A = arith.addf %broadcast_in_dim3A_18, %broadcast_in_dim3A_30 : vector<1x2048xf32>
    %div3A_39 = arith.divf %broadcast_in_dim3A_18, %add3A : vector<1x2048xf32>
    %div3A_40 = arith.divf %broadcast_in_dim3A_30, %add3A : vector<1x2048xf32>
    %neg3A = arith.constant 0.000000e+00 : f32
    %neg3A_41 = vector.broadcast %neg3A : f32 to vector<1x2048xf32>
    %neg3A_42 = arith.subf %neg3A_41, %dot_general3A_10 : vector<1x2048xf32>
    %exp3A_43 = math.exp %neg3A_42 : vector<1x2048xf32>
    %add3A_44 = arith.constant 1.000000e+00 : f32
    %add3A_45 = vector.broadcast %add3A_44 : f32 to vector<1x2048xf32>
    %add3A_46 = arith.addf %add3A_45, %exp3A_43 : vector<1x2048xf32>
    %div3A_47 = arith.constant 1.000000e+00 : f32
    %div3A_48 = vector.broadcast %div3A_47 : f32 to vector<1x2048xf32>
    %div3A_49 = arith.divf %div3A_48, %add3A_46 : vector<1x2048xf32>
    %eq3A_50 = vector.broadcast %broadcast_in_dim3A_22 : vector<1x2048xi32> to vector<8x2048xi32>
    %eq3A_51 = arith.cmpi eq, %iota3A, %eq3A_50 : vector<8x2048xi32>
    %eq3A_52 = vector.broadcast %broadcast_in_dim3A_38 : vector<1x2048xi32> to vector<8x2048xi32>
    %eq3A_53 = arith.cmpi eq, %iota3A, %eq3A_52 : vector<8x2048xi32>
    %or3A = arith.ori %eq3A_51, %eq3A_53 : vector<8x2048xi1>
    %convert_element_type3A = arith.extui %or3A : vector<8x2048xi1> to vector<8x2048xi32>
    %broadcast_in_dim3A_54 = arith.constant 0 : i32
    %broadcast_in_dim3A_55 = vector.broadcast %broadcast_in_dim3A_54 : i32 to vector<8x1xi32>
    %slice3A = vector.extract_strided_slice %convert_element_type3A {offsets = [0, 0], sizes = [8, 2047], strides = [1, 1]} : vector<8x2048xi32> to vector<8x2047xi32>
    %concatenate3A = tpu.concatenate %broadcast_in_dim3A_55, %slice3A in 1 : vector<8x1xi32>, vector<8x2047xi32> -> vector<8x2048xi32>
    %add3A_56 = arith.addi %convert_element_type3A, %concatenate3A : vector<8x2048xi32>
    %broadcast_in_dim3A_57 = arith.constant 0 : i32
    %broadcast_in_dim3A_58 = vector.broadcast %broadcast_in_dim3A_57 : i32 to vector<8x2xi32>
    %slice3A_59 = vector.extract_strided_slice %add3A_56 {offsets = [0, 0], sizes = [8, 2046], strides = [1, 1]} : vector<8x2048xi32> to vector<8x2046xi32>
    %concatenate3A_60 = tpu.concatenate %broadcast_in_dim3A_58, %slice3A_59 in 1 : vector<8x2xi32>, vector<8x2046xi32> -> vector<8x2048xi32>
    %add3A_61 = arith.addi %add3A_56, %concatenate3A_60 : vector<8x2048xi32>
    %broadcast_in_dim3A_62 = arith.constant 0 : i32
    %broadcast_in_dim3A_63 = vector.broadcast %broadcast_in_dim3A_62 : i32 to vector<8x4xi32>
    %slice3A_64 = vector.extract_strided_slice %add3A_61 {offsets = [0, 0], sizes = [8, 2044], strides = [1, 1]} : vector<8x2048xi32> to vector<8x2044xi32>
    %concatenate3A_65 = tpu.concatenate %broadcast_in_dim3A_63, %slice3A_64 in 1 : vector<8x4xi32>, vector<8x2044xi32> -> vector<8x2048xi32>
    %add3A_66 = arith.addi %add3A_61, %concatenate3A_65 : vector<8x2048xi32>
    %broadcast_in_dim3A_67 = arith.constant 0 : i32
    %broadcast_in_dim3A_68 = vector.broadcast %broadcast_in_dim3A_67 : i32 to vector<8x8xi32>
    %slice3A_69 = vector.extract_strided_slice %add3A_66 {offsets = [0, 0], sizes = [8, 2040], strides = [1, 1]} : vector<8x2048xi32> to vector<8x2040xi32>
    %concatenate3A_70 = tpu.concatenate %broadcast_in_dim3A_68, %slice3A_69 in 1 : vector<8x8xi32>, vector<8x2040xi32> -> vector<8x2048xi32>
    %add3A_71 = arith.addi %add3A_66, %concatenate3A_70 : vector<8x2048xi32>
    %broadcast_in_dim3A_72 = arith.constant 0 : i32
    %broadcast_in_dim3A_73 = vector.broadcast %broadcast_in_dim3A_72 : i32 to vector<8x16xi32>
    %slice3A_74 = vector.extract_strided_slice %add3A_71 {offsets = [0, 0], sizes = [8, 2032], strides = [1, 1]} : vector<8x2048xi32> to vector<8x2032xi32>
    %concatenate3A_75 = tpu.concatenate %broadcast_in_dim3A_73, %slice3A_74 in 1 : vector<8x16xi32>, vector<8x2032xi32> -> vector<8x2048xi32>
    %add3A_76 = arith.addi %add3A_71, %concatenate3A_75 : vector<8x2048xi32>
    %broadcast_in_dim3A_77 = arith.constant 0 : i32
    %broadcast_in_dim3A_78 = vector.broadcast %broadcast_in_dim3A_77 : i32 to vector<8x32xi32>
    %slice3A_79 = vector.extract_strided_slice %add3A_76 {offsets = [0, 0], sizes = [8, 2016], strides = [1, 1]} : vector<8x2048xi32> to vector<8x2016xi32>
    %concatenate3A_80 = tpu.concatenate %broadcast_in_dim3A_78, %slice3A_79 in 1 : vector<8x32xi32>, vector<8x2016xi32> -> vector<8x2048xi32>
    %add3A_81 = arith.addi %add3A_76, %concatenate3A_80 : vector<8x2048xi32>
    %broadcast_in_dim3A_82 = arith.constant 0 : i32
    %broadcast_in_dim3A_83 = vector.broadcast %broadcast_in_dim3A_82 : i32 to vector<8x64xi32>
    %slice3A_84 = vector.extract_strided_slice %add3A_81 {offsets = [0, 0], sizes = [8, 1984], strides = [1, 1]} : vector<8x2048xi32> to vector<8x1984xi32>
    %concatenate3A_85 = tpu.concatenate %broadcast_in_dim3A_83, %slice3A_84 in 1 : vector<8x64xi32>, vector<8x1984xi32> -> vector<8x2048xi32>
    %add3A_86 = arith.addi %add3A_81, %concatenate3A_85 : vector<8x2048xi32>
    %broadcast_in_dim3A_87 = arith.constant 0 : i32
    %broadcast_in_dim3A_88 = vector.broadcast %broadcast_in_dim3A_87 : i32 to vector<8x128xi32>
    %slice3A_89 = vector.extract_strided_slice %add3A_86 {offsets = [0, 0], sizes = [8, 1920], strides = [1, 1]} : vector<8x2048xi32> to vector<8x1920xi32>
    %concatenate3A_90 = tpu.concatenate %broadcast_in_dim3A_88, %slice3A_89 in 1 : vector<8x128xi32>, vector<8x1920xi32> -> vector<8x2048xi32>
    %add3A_91 = arith.addi %add3A_86, %concatenate3A_90 : vector<8x2048xi32>
    %broadcast_in_dim3A_92 = arith.constant 0 : i32
    %broadcast_in_dim3A_93 = vector.broadcast %broadcast_in_dim3A_92 : i32 to vector<8x256xi32>
    %slice3A_94 = vector.extract_strided_slice %add3A_91 {offsets = [0, 0], sizes = [8, 1792], strides = [1, 1]} : vector<8x2048xi32> to vector<8x1792xi32>
    %concatenate3A_95 = tpu.concatenate %broadcast_in_dim3A_93, %slice3A_94 in 1 : vector<8x256xi32>, vector<8x1792xi32> -> vector<8x2048xi32>
    %add3A_96 = arith.addi %add3A_91, %concatenate3A_95 : vector<8x2048xi32>
    %broadcast_in_dim3A_97 = arith.constant 0 : i32
    %broadcast_in_dim3A_98 = vector.broadcast %broadcast_in_dim3A_97 : i32 to vector<8x512xi32>
    %slice3A_99 = vector.extract_strided_slice %add3A_96 {offsets = [0, 0], sizes = [8, 1536], strides = [1, 1]} : vector<8x2048xi32> to vector<8x1536xi32>
    %concatenate3A_100 = tpu.concatenate %broadcast_in_dim3A_98, %slice3A_99 in 1 : vector<8x512xi32>, vector<8x1536xi32> -> vector<8x2048xi32>
    %add3A_101 = arith.addi %add3A_96, %concatenate3A_100 : vector<8x2048xi32>
    %broadcast_in_dim3A_102 = arith.constant 0 : i32
    %broadcast_in_dim3A_103 = vector.broadcast %broadcast_in_dim3A_102 : i32 to vector<8x1024xi32>
    %slice3A_104 = vector.extract_strided_slice %add3A_101 {offsets = [0, 0], sizes = [8, 1024], strides = [1, 1]} : vector<8x2048xi32> to vector<8x1024xi32>
    %concatenate3A_105 = tpu.concatenate %broadcast_in_dim3A_103, %slice3A_104 in 1 : vector<8x1024xi32>, vector<8x1024xi32> -> vector<8x2048xi32>
    %add3A_106 = arith.addi %add3A_101, %concatenate3A_105 : vector<8x2048xi32>
    %slice3A_107 = vector.extract_strided_slice %add3A_106 {offsets = [0, 2047], sizes = [8, 1], strides = [1, 1]} : vector<8x2048xi32> to vector<8x1xi32>
    %sub3A_108 = arith.subi %add3A_106, %convert_element_type3A : vector<8x2048xi32>
    %jit3A_109 = arith.constant 0 : i32
    %broadcast_in_dim3A_110 = vector.broadcast %jit3A_109 : i32 to vector<8x2048xi32>
    %select_n3A_111 = arith.select %eq3A_51, %sub3A_108, %broadcast_in_dim3A_110 : vector<8x2048xi1>, vector<8x2048xi32>
    %reduce_sum3A_112 = arith.constant dense<0> : vector<2048xi32>
    %reduce_sum3A_113 = vector.multi_reduction <add>, %select_n3A_111, %reduce_sum3A_112 [0] : vector<8x2048xi32> to vector<2048xi32>
    %broadcast_in_dim3A_114 = vector.shape_cast %reduce_sum3A_113 : vector<2048xi32> to vector<1x2048xi32>
    %jit3A_115 = arith.constant 0 : i32
    %broadcast_in_dim3A_116 = vector.broadcast %jit3A_115 : i32 to vector<8x2048xi32>
    %select_n3A_117 = arith.select %eq3A_53, %sub3A_108, %broadcast_in_dim3A_116 : vector<8x2048xi1>, vector<8x2048xi32>
    %reduce_sum3A_118 = arith.constant dense<0> : vector<2048xi32>
    %reduce_sum3A_119 = vector.multi_reduction <add>, %select_n3A_117, %reduce_sum3A_118 [0] : vector<8x2048xi32> to vector<2048xi32>
    %broadcast_in_dim3A_120 = vector.shape_cast %reduce_sum3A_119 : vector<2048xi32> to vector<1x2048xi32>
    %add3A_121 = arith.constant 511 : i32
    %add3A_122 = vector.broadcast %add3A_121 : i32 to vector<8x1xi32>
    %add3A_123 = arith.addi %slice3A_107, %add3A_122 : vector<8x1xi32>
    %jit3A_124 = arith.constant 512 : i32
    %div3A_125 = vector.broadcast %jit3A_124 : i32 to vector<8x1xi32>
    %div3A_126 = arith.divsi %add3A_123, %div3A_125 : vector<8x1xi32>
    %sign3A = arith.constant 0 : i32
    %sign3A_127 = vector.broadcast %sign3A : i32 to vector<8x1xi32>
    %sign3A_128 = arith.cmpi sgt, %add3A_123, %sign3A_127 : vector<8x1xi32>
    %sign3A_129 = arith.extui %sign3A_128 : vector<8x1xi1> to vector<8x1xi32>
    %sign3A_130 = arith.constant 0 : i32
    %sign3A_131 = vector.broadcast %sign3A_130 : i32 to vector<8x1xi32>
    %sign3A_132 = arith.cmpi slt, %add3A_123, %sign3A_131 : vector<8x1xi32>
    %sign3A_133 = arith.extui %sign3A_132 : vector<8x1xi1> to vector<8x1xi32>
    %sign3A_134 = arith.subi %sign3A_129, %sign3A_133 : vector<8x1xi32>
    %sign3A_135 = arith.constant 0 : i32
    %sign3A_136 = arith.cmpi sgt, %jit3A_124, %sign3A_135 : i32
    %sign3A_137 = arith.extui %sign3A_136 : i1 to i32
    %sign3A_138 = arith.constant 0 : i32
    %sign3A_139 = arith.cmpi slt, %jit3A_124, %sign3A_138 : i32
    %sign3A_140 = arith.extui %sign3A_139 : i1 to i32
    %sign3A_141 = arith.subi %sign3A_137, %sign3A_140 : i32
    %ne3A = vector.broadcast %sign3A_141 : i32 to vector<8x1xi32>
    %ne3A_142 = arith.cmpi ne, %sign3A_134, %ne3A : vector<8x1xi32>
    %rem3A = vector.broadcast %jit3A_124 : i32 to vector<8x1xi32>
    %rem3A_143 = arith.remsi %add3A_123, %rem3A : vector<8x1xi32>
    %ne3A_144 = arith.constant 0 : i32
    %ne3A_145 = vector.broadcast %ne3A_144 : i32 to vector<8x1xi32>
    %ne3A_146 = arith.cmpi ne, %rem3A_143, %ne3A_145 : vector<8x1xi32>
    %and3A = arith.andi %ne3A_142, %ne3A_146 : vector<8x1xi1>
    %sub3A_147 = arith.constant 1 : i32
    %sub3A_148 = vector.broadcast %sub3A_147 : i32 to vector<8x1xi32>
    %sub3A_149 = arith.subi %div3A_126, %sub3A_148 : vector<8x1xi32>
    %select_n3A_150 = arith.select %and3A, %sub3A_149, %div3A_126 : vector<8x1xi1>, vector<8x1xi32>
    %broadcast_in_dim3A_151 = arith.constant 0 : i32
    %broadcast_in_dim3A_152 = vector.broadcast %broadcast_in_dim3A_151 : i32 to vector<1x1xi32>
    %slice3A_153 = vector.extract_strided_slice %select_n3A_150 {offsets = [0, 0], sizes = [7, 1], strides = [1, 1]} : vector<8x1xi32> to vector<7x1xi32>
    %concatenate3A_154 = tpu.concatenate %broadcast_in_dim3A_152, %slice3A_153 in 0 : vector<1x1xi32>, vector<7x1xi32> -> vector<8x1xi32>
    %add3A_155 = arith.addi %select_n3A_150, %concatenate3A_154 : vector<8x1xi32>
    %broadcast_in_dim3A_156 = arith.constant 0 : i32
    %broadcast_in_dim3A_157 = vector.broadcast %broadcast_in_dim3A_156 : i32 to vector<2x1xi32>
    %slice3A_158 = vector.extract_strided_slice %add3A_155 {offsets = [0, 0], sizes = [6, 1], strides = [1, 1]} : vector<8x1xi32> to vector<6x1xi32>
    %concatenate3A_159 = tpu.concatenate %broadcast_in_dim3A_157, %slice3A_158 in 0 : vector<2x1xi32>, vector<6x1xi32> -> vector<8x1xi32>
    %add3A_160 = arith.addi %add3A_155, %concatenate3A_159 : vector<8x1xi32>
    %broadcast_in_dim3A_161 = arith.constant 0 : i32
    %broadcast_in_dim3A_162 = vector.broadcast %broadcast_in_dim3A_161 : i32 to vector<4x1xi32>
    %slice3A_163 = vector.extract_strided_slice %add3A_160 {offsets = [0, 0], sizes = [4, 1], strides = [1, 1]} : vector<8x1xi32> to vector<4x1xi32>
    %concatenate3A_164 = tpu.concatenate %broadcast_in_dim3A_162, %slice3A_163 in 0 : vector<4x1xi32>, vector<4x1xi32> -> vector<8x1xi32>
    %add3A_165 = arith.addi %add3A_160, %concatenate3A_164 : vector<8x1xi32>
    %sub3A_166 = arith.subi %add3A_165, %select_n3A_150 : vector<8x1xi32>
    %mul3A = arith.constant 512 : i32
    %mul3A_167 = vector.broadcast %mul3A : i32 to vector<8x1xi32>
    %mul3A_168 = arith.muli %sub3A_166, %mul3A_167 : vector<8x1xi32>
    %jit3A_169 = arith.constant 0 : i32
    %broadcast_in_dim3A_170 = vector.shape_cast %mul3A_168 : vector<8x1xi32> to vector<8x1xi32>
    %broadcast_in_dim3A_171 = vector.broadcast %broadcast_in_dim3A_170 : vector<8x1xi32> to vector<8x2048xi32>
    %broadcast_in_dim3A_172 = vector.broadcast %jit3A_169 : i32 to vector<8x2048xi32>
    %select_n3A_173 = arith.select %eq3A_51, %broadcast_in_dim3A_171, %broadcast_in_dim3A_172 : vector<8x2048xi1>, vector<8x2048xi32>
    %reduce_sum3A_174 = arith.constant dense<0> : vector<2048xi32>
    %reduce_sum3A_175 = vector.multi_reduction <add>, %select_n3A_173, %reduce_sum3A_174 [0] : vector<8x2048xi32> to vector<2048xi32>
    %broadcast_in_dim3A_176 = vector.shape_cast %reduce_sum3A_175 : vector<2048xi32> to vector<1x2048xi32>
    %add3A_177 = arith.addi %broadcast_in_dim3A_176, %broadcast_in_dim3A_114 : vector<1x2048xi32>
    %jit3A_178 = arith.constant 0 : i32
    %broadcast_in_dim3A_179 = vector.shape_cast %mul3A_168 : vector<8x1xi32> to vector<8x1xi32>
    %broadcast_in_dim3A_180 = vector.broadcast %broadcast_in_dim3A_179 : vector<8x1xi32> to vector<8x2048xi32>
    %broadcast_in_dim3A_181 = vector.broadcast %jit3A_178 : i32 to vector<8x2048xi32>
    %select_n3A_182 = arith.select %eq3A_53, %broadcast_in_dim3A_180, %broadcast_in_dim3A_181 : vector<8x2048xi1>, vector<8x2048xi32>
    %reduce_sum3A_183 = arith.constant dense<0> : vector<2048xi32>
    %reduce_sum3A_184 = vector.multi_reduction <add>, %select_n3A_182, %reduce_sum3A_183 [0] : vector<8x2048xi32> to vector<2048xi32>
    %broadcast_in_dim3A_185 = vector.shape_cast %reduce_sum3A_184 : vector<2048xi32> to vector<1x2048xi32>
    %add3A_186 = arith.addi %broadcast_in_dim3A_185, %broadcast_in_dim3A_120 : vector<1x2048xi32>
    %iota3A_187 = tpu.iota {dimensions = array<i32: 1>} : vector<8x16xi32>
    %broadcast_in_dim3A_188 = vector.shape_cast %sub3A_166 : vector<8x1xi32> to vector<8x1xi32>
    %broadcast_in_dim3A_189 = vector.broadcast %broadcast_in_dim3A_188 : vector<8x1xi32> to vector<8x16xi32>
    %broadcast_in_dim3A_190 = vector.shape_cast %select_n3A_150 : vector<8x1xi32> to vector<8x1xi32>
    %broadcast_in_dim3A_191 = vector.broadcast %broadcast_in_dim3A_190 : vector<8x1xi32> to vector<8x16xi32>
    %iota3A_192 = tpu.iota {dimensions = array<i32: 0>} : vector<8x16xi32>
    %ge3A = arith.cmpi sge, %iota3A_187, %broadcast_in_dim3A_189 : vector<8x16xi32>
    %add3A_193 = arith.addi %broadcast_in_dim3A_189, %broadcast_in_dim3A_191 : vector<8x16xi32>
    %lt3A = arith.cmpi slt, %iota3A_187, %add3A_193 : vector<8x16xi32>
    %and3A_194 = arith.andi %ge3A, %lt3A : vector<8x16xi1>
    %convert_element_type3A_195 = arith.extui %and3A_194 : vector<8x16xi1> to vector<8x16xi32>
    %reduce_sum3A_196 = arith.constant dense<0> : vector<16xi32>
    %reduce_sum3A_197 = vector.multi_reduction <add>, %convert_element_type3A_195, %reduce_sum3A_196 [0] : vector<8x16xi32> to vector<16xi32>
    %broadcast_in_dim3A_198 = vector.shape_cast %reduce_sum3A_197 : vector<16xi32> to vector<1x16xi32>
    %mul3A_199 = arith.muli %convert_element_type3A_195, %iota3A_192 : vector<8x16xi32>
    %reduce_sum3A_200 = arith.constant dense<0> : vector<16xi32>
    %reduce_sum3A_201 = vector.multi_reduction <add>, %mul3A_199, %reduce_sum3A_200 [0] : vector<8x16xi32> to vector<16xi32>
    %broadcast_in_dim3A_202 = vector.shape_cast %reduce_sum3A_201 : vector<16xi32> to vector<1x16xi32>
    %sub3A_203 = arith.constant 1 : i32
    %sub3A_204 = vector.broadcast %sub3A_203 : i32 to vector<1x16xi32>
    %sub3A_205 = arith.subi %sub3A_204, %broadcast_in_dim3A_198 : vector<1x16xi32>
    %sub3A_206 = arith.subi %broadcast_in_dim3A_202, %sub3A_205 : vector<1x16xi32>
    %swap3A = arith.constant 0 : index
    %swap3A_207 = arith.constant 0 : index
    %swap3A_208 = vector.load %arg3[%swap3A, %swap3A_207] : memref<8x2048xi32, #tpu.memory_space<vmem>>, vector<1x2048xi32>
    tpu.vector_store %arg3[%swap3A, %swap3A_207], %add3A_177 {strides = array<i32>} : memref<8x2048xi32, #tpu.memory_space<vmem>>, vector<1x2048xi32>,
    %swap3A_209 = arith.constant 1 : index
    %swap3A_210 = arith.constant 0 : index
    %swap3A_211 = vector.load %arg3[%swap3A_209, %swap3A_210] : memref<8x2048xi32, #tpu.memory_space<vmem>>, vector<1x2048xi32>
    tpu.vector_store %arg3[%swap3A_209, %swap3A_210], %add3A_186 {strides = array<i32>} : memref<8x2048xi32, #tpu.memory_space<vmem>>, vector<1x2048xi32>,
    %swap3A_212 = arith.constant 2 : index
    %swap3A_213 = arith.constant 0 : index
    %swap3A_214 = vector.load %arg3[%swap3A_212, %swap3A_213] : memref<8x2048xi32, #tpu.memory_space<vmem>>, vector<1x16xi32>
    tpu.vector_store %arg3[%swap3A_212, %swap3A_213], %sub3A_206 {strides = array<i32>} : memref<8x2048xi32, #tpu.memory_space<vmem>>, vector<1x16xi32>,
    %swap3A_215 = arith.constant 0 : index
    %swap3A_216 = arith.constant 0 : index
    %swap3A_217 = vector.load %arg4[%swap3A_215, %swap3A_216] : memref<8x2048xf32, #tpu.memory_space<vmem>>, vector<1x2048xf32>
    tpu.vector_store %arg4[%swap3A_215, %swap3A_216], %div3A_39 {strides = array<i32>} : memref<8x2048xf32, #tpu.memory_space<vmem>>, vector<1x2048xf32>,
    %swap3A_218 = arith.constant 1 : index
    %swap3A_219 = arith.constant 0 : index
    %swap3A_220 = vector.load %arg4[%swap3A_218, %swap3A_219] : memref<8x2048xf32, #tpu.memory_space<vmem>>, vector<1x2048xf32>
    tpu.vector_store %arg4[%swap3A_218, %swap3A_219], %div3A_40 {strides = array<i32>} : memref<8x2048xf32, #tpu.memory_space<vmem>>, vector<1x2048xf32>,
    %swap3A_221 = arith.constant 2 : index
    %swap3A_222 = arith.constant 0 : index
    %swap3A_223 = vector.load %arg4[%swap3A_221, %swap3A_222] : memref<8x2048xf32, #tpu.memory_space<vmem>>, vector<1x2048xf32>
    tpu.vector_store %arg4[%swap3A_221, %swap3A_222], %div3A_49 {strides = array<i32>} : memref<8x2048xf32, #tpu.memory_space<vmem>>, vector<1x2048xf32>,
    return
  }
}

</mosaic_0001>

<sc_bundles>
// kernel: kernel.10.cloned.1.call-start
scs
__scs_entry_jumppad:
0x0: {  	(pc) =	sbr.rel $0x88, $3  }
0x1: {  	(tag) =	ssettag $0x0;
	lr =	simm.s32 $0x1  }
0x2: {  	[smem:$0x3F9A] =	sst lr;
	_ =	strace $0xD0000000  }
0x3: {  	_ = 	snop  }
0x4: {  	_ = 	snop  }
0x5: {  	_ = 	snop  }
0x6: {  	_ = 	snop  }
0x7: {  	_ = 	snop  }
__scs_overlays_trampoline_lowered:
0x8: {  	[smem:$0x3FA9] =	sst s0  }
0x9: {  	[smem:$0x3FAA] =	sst s1  }
0xa: {  	[smem:$0x3FAB] =	sst s2  }
0xb: {  	[smem:$0x3FAC] =	sst s3  }
0xc: {  	[smem:$0x3FAD] =	sst s4  }
0xd: {  	[smem:$0x3FAE] =	sst s5  }
0xe: {  	[smem:$0x3FAF] =	sst s6  }
0xf: {  	[smem:$0x3FB0] =	sst s7  }
0x10: {  	[smem:$0x3FB1] =	sst s8  }
0x11: {  	[smem:$0x3FB2] =	sst s9;
	s0 =	simm.s32 @!p0 $0x0  }
0x12: {  	s1 =	sld [smem:$0x3F98];
	s0 =	simm.s32 @p0 $0x1  }
0x13: {  	[smem:$0x3FB3] =	sst s0;
	s0 =	simm.s32 @!p1 $0x0  }
0x14: {  	s2 =	sld [smem:$0x3F97];
	s0 =	simm.s32 @p1 $0x1  }
0x15: {  	[smem:$0x3FB4] =	sst s0;
	s0 =	simm.s32 @!p2 $0x0  }
0x16: {  	s3 =	sld [smem:$0x3FDB];
	s0 =	simm.s32 @p2 $0x1  }
0x17: {  	s4 =	simm.s32 $0x1BF5;
	[smem:$0x3FB6] =	sst s0  }
0x18: {  	s0 =	sld [smem:$0x3F99];
	_ =	swait.ge [sflag:s4], $0x0  }
0x19: {  	s7 =	sld [smem:$0x3F9A]  }
0x1a: {  	s8 =	sadd.s32 $0xFFFFE003, lr  }
0x1b: {  	s9 =	sadd.s32 $0xFFFFFEF7, lr;
	s5 =	simm.s32 $0xFFFFFFFF;
	p2 =	slt.u32 s8, $0xFFFFF086  }
0x1c: {  	p1 =	slt.u32 s9, $0xF7A;
	s5 =	simm.s32 @!p2 $0x0  }
0x1d: {  	s5 =	simm.s32 @p1 $0x1;
	p0 =	seq.s32 s7, s2  }
0x1e: {  	s7 =	smul.u32 @!p0 $0xF7A, s2;
	p2 =	seq.s32 @!p0 s5, $0x0  }
0x1f: {  	s9 =	smul.u32 $0xF7A, s1;
	s8 =	simm.s32 @!p0 $0x1BF5;
	p2 =	por !p2, p0  }
0x20: {  	[sflag:s8] =	ssyncset.s32 @!p0 $0xFFFFF086;
	s6 =	sadd.s32 @!p0 s3, s7;
	s7 =	simm.s32 @!p0 $0x108  }
0x21: {  	s3 =	sadd.s32 s3, s9;
	s6 =	sadd.s32 @!p0 $0x88, s6;
	s7 =	simm.s32 @p2 $0x1082  }
0x22: {  	[simem:s7], [sflag:s8] =	dma.local @!p0 [hbm:s6], $0xF7A  }
0x23: {  	s9 =	sor.u32 $0xD0000000, s2;
	s6 =	simm.s32 $0x108;
	_ =	swait.ge @!p0 [sflag:s8], $0x0  }
0x24: {  	s3 =	sadd.s32 $0x88, s3;
	s6 =	simm.s32 @!p1 $0x1082;
	[sflag:s4] =	ssyncset.s32 $0xFFFFF086  }
0x25: {  	[simem:s6], [sflag:s4] =	dma.local [hbm:s3], $0xF7A  }
0x26: {  	[smem:$0x3F9A] =	sst s1;
	(tag) =	ssettag s2;
	_ =	strace s9  }
0x27: {  	s1 =	sld [smem:$0x3FAA]  }
0x28: {  	s2 =	sld [smem:$0x3FAB]  }
0x29: {  	s4 =	sld [smem:$0x3FAD]  }
0x2a: {  	p0 =	seq.s32 s5, $0x0;
	s5 =	sld [smem:$0x3FAE]  }
0x2b: {  	s6 =	sld [smem:$0x3FAF]  }
0x2c: {  	s7 =	sld [smem:$0x3FB0]  }
0x2d: {  	s3 =	simm.s32 $0x108;
	s8 =	sld [smem:$0x3FB1]  }
0x2e: {  	s3 =	simm.s32 @!p0 $0x1082;
	s9 =	sld [smem:$0x3FB2]  }
0x2f: {  	lr =	sadd.s32 s0, s3;
	s0 =	sld [smem:$0x3FA9]  }
0x30: {  	s3 =	sld [smem:$0x3FAC]  }
0x31: {  	[smem:$0x3FB5] =	sst s10  }
0x32: {  	s10 =	sld [smem:$0x3FB3];
	_ =	sdelay $0x3  }
0x33: {  	p0 =	seq.s32 s10, $0x1;
	s10 =	sld [smem:$0x3FB5];
	_ =	sdelay $0x3  }
0x34: {  	[smem:$0x3FB5] =	sst s10  }
0x35: {  	s10 =	sld [smem:$0x3FB4];
	_ =	sdelay $0x3  }
0x36: {  	p1 =	seq.s32 s10, $0x1;
	s10 =	sld [smem:$0x3FB5];
	_ =	sdelay $0x3  }
0x37: {  	[smem:$0x3FB5] =	sst s10  }
0x38: {  	s10 =	sld [smem:$0x3FB6]  }
0x39: {  	_ = 	snop;
	(pc) =	sbr.ind lr, $3  }
0x3a: {  	_ = 	snop  }
0x3b: {  	_ = 	snop  }
0x3c: {  	p2 =	seq.s32 s10, $0x1;
	s10 =	sld [smem:$0x3FB5]  }
0x3d: {  	_ =	shalt  }
0x3e: {  	_ =	shalt  }
0x3f: {  	_ =	shalt  }
0x40: {  	_ =	shalt  }
0x41: {  	_ =	shalt  }
0x42: {  	_ =	shalt  }
0x43: {  	_ =	shalt  }
0x44: {  	_ =	shalt  }
0x45: {  	_ =	shalt  }
0x46: {  	_ =	shalt  }
0x47: {  	_ =	shalt  }
0x48: {  	_ =	shalt  }
0x49: {  	_ =	shalt  }
0x4a: {  	_ =	shalt  }
0x4b: {  	_ =	shalt  }
0x4c: {  	_ =	shalt  }
0x4d: {  	_ =	shalt  }
0x4e: {  	_ =	shalt  }
0x4f: {  	_ =	shalt  }
0x50: {  	_ =	shalt  }
0x51: {  	_ =	shalt  }
0x52: {  	_ =	shalt  }
0x53: {  	_ =	shalt  }
0x54: {  	_ =	shalt  }
0x55: {  	_ =	shalt  }
0x56: {  	_ =	shalt  }
0x57: {  	_ =	shalt  }
0x58: {  	_ =	shalt  }
0x59: {  	_ =	shalt  }
0x5a: {  	_ =	shalt  }
0x5b: {  	_ =	shalt  }
0x5c: {  	_ =	shalt  }
0x5d: {  	_ =	shalt  }
0x5e: {  	_ =	shalt  }
0x5f: {  	_ =	shalt  }
0x60: {  	_ =	shalt  }
0x61: {  	_ =	shalt  }
0x62: {  	_ =	shalt  }
0x63: {  	_ =	shalt  }
0x64: {  	_ =	shalt  }
0x65: {  	_ =	shalt  }
0x66: {  	_ =	shalt  }
0x67: {  	_ =	shalt  }
0x68: {  	_ =	shalt  }
0x69: {  	_ =	shalt  }
0x6a: {  	_ =	shalt  }
0x6b: {  	_ =	shalt  }
0x6c: {  	_ =	shalt  }
0x6d: {  	_ =	shalt  }
0x6e: {  	_ =	shalt  }
0x6f: {  	_ =	shalt  }
0x70: {  	_ =	shalt  }
0x71: {  	_ =	shalt  }
0x72: {  	_ =	shalt  }
0x73: {  	_ =	shalt  }
0x74: {  	_ =	shalt  }
0x75: {  	_ =	shalt  }
0x76: {  	_ =	shalt  }
0x77: {  	_ =	shalt  }
0x78: {  	_ =	shalt  }
0x79: {  	_ =	shalt  }
0x7a: {  	_ =	shalt  }
0x7b: {  	_ =	shalt  }
0x7c: {  	_ =	shalt  }
0x7d: {  	_ =	shalt  }
0x7e: {  	_ =	shalt  }
0x7f: {  	_ =	shalt  }
0x80: {  	_ =	shalt  }
0x81: {  	_ =	shalt  }
0x82: {  	_ =	shalt  }
0x83: {  	_ =	shalt  }
0x84: {  	_ =	shalt  }
0x85: {  	_ =	shalt  }
0x86: {  	_ =	shalt  }
0x87: {  	_ =	shalt  }
.Lfunc_end0:
.L_simem_size_0:
called_computation.1_lowered:
.L_overlay_start_0:
0x88: {  	s2 =	sld [smem:$0x3FD9]  }
0x89: {  	s3 =	sld [smem:$0x3FFE];
	_ =	sdelay $0x1  }
0x8a: {  	s1 =	srdreg.scid  }
0x8b: {  	s0 =	sand.u32 $0x1, s1  }
0x8c: {  	s17 =	sshll.u32 s0, $0xA;
	s2 =	sadd.s32 s3, s2  }
0x8d: {  	s2 =	sadd.s32 s2, s17  }
0x8e: {  	[smem:$0x3FC1] =	sst s2  }
0x8f: {  	_ = 	snop  }
0x90: {  	s2 =	sld [smem:$0x3FD0];
	(tm) =	ssettm $0x1  }
0x91: {  	s18 =	sld [smem:$0x3FFB];
	_ =	sdelay $0x3  }
0x92: {  	_ =	strace s18  }
0x93: {  	s3 =	sld [smem:$0x3FFC];
	_ =	sdelay $0x3  }
0x94: {  	_ =	strace s3  }
0x95: {  	s3 =	sld [smem:$0x3FFD];
	_ =	sdelay $0x3  }
0x96: {  	_ =	strace s3  }
0x97: {  	_ =	strace $0x8FFFFFFF  }
0x98: {  	s19 =	sld [smem:$0x3FDB];
	_ =	sdelay $0x1  }
0x99: {  	s4 =	simm.s32 $_scs_section_size  }
0x9a: {  	s5 =	simm.s32 $_size__tile_overlayer_lowered;
	s6 =	simm.s32 $_tile_overlayer_lowered  }
0x9b: {  	s22 =	simm.s32 $0x1BFF;
	s21 =	sshll.u32 s6, $0x1;
	s3 =	sadd.s32 s4, s19  }
0x9c: {  	s7 =	simm.s32 $0x0;
	s20 =	sshll.u32 s5, $0x1;
	s5 =	sadd.s32 s21, s3  }
0x9d: {  	[timem:s7], [sflag:s22] =	dma.local [hbm:s5], s20  }
0x9e: {  	_ =	swait.ge [sflag:s22], s20  }
0x9f: {  	s4 =	ssub.s32 $0x0, s20;
	[sflag:s22] =	ssyncset.done $0x0  }
0xa0: {  	[sflag:s22] =	ssyncadd.s32 s4;
	_ =	sdelay $0x1  }
0xa1: {  	s23 =	simm.s32 $0x1B8B  }
0xa2: {  	_ =	swait.ge [sflag:s23], $0x1  }
0xa3: {  	[sflag:s23] =	ssyncset.done $0x0  }
0xa4: {  	s25 =	simm.s32 $0x1B8E;
	s24 =	sld [smem:$0x3FFE];
	[sflag:s23] =	ssyncadd.s32 $0xFFFFFFFF  }
0xa5: {  	s26 =	simm.s32 $execute0_lowered;
	[smem:$0x3FD2] =	sst s25  }
0xa6: {  	s5 =	sshll.u32 s26, $0x1;
	_ =	strace $0x80000049;
	[dreg:$0x1] =	wrdreg $0xFFFFFFFF  }
0xa7: {  	s28 =	simm.s32 $_size_execute0_lowered;
	s3 =	sadd.s32 s3, s5;
	[dreg:$0x0] =	wrdreg $0x0  }
0xa8: {  	s5 =	sshll.u32 s28, $0x1;
	[dreg:$0x2] =	wrdreg s3  }
0xa9: {  	[dreg:$0x3] =	wrdreg s5  }
0xaa: {  	[dreg:$0x4] =	wrdreg $0xC0  }
0xab: {  	_ =	task [dreg:s7], $0x5FFFF  }
0xac: {  	[dreg:$0x1] =	wrdreg $0xFFFFFFFF  }
0xad: {  	[dreg:$0x0] =	wrdreg $0x60  }
0xae: {  	[dreg:$0x2] =	wrdreg s24  }
0xaf: {  	[dreg:$0x3] =	wrdreg s2  }
0xb0: {  	[dreg:$0x4] =	wrdreg $0x9  }
0xb1: {  	_ =	task.clear_ibuf [dreg:s7], $0x5FFFF;
	_ =	strace $0x90000049  }
0xb2: {  	s29 =	simm.s32 $0x9;
	_ =	strace $0x8000004B  }
0xb3: {  	_ =	swait.ge [sflag:s29], $0x1  }
0xb4: {  	[sflag:s29] =	ssyncadd.s32 $0xFFFFFFFF  }
0xb5: {  	_ =	strace $0x9000004B  }
0xb6: {  	_ =	sfence  }
0xb7: {  	s30 =	sld [smem:$0x0];
	_ =	sdelay $0x2  }
0xb8: {  	s31 =	sshll.u32 s1, $0xD;
	s1 =	sshrl.u32 s1, $0x2  }
0xb9: {  	s3 =	sand.u32 $0x4000, s31;
	s1 =	sadd.s32 s1, s30  }
0xba: {  	s0 =	sor.u32 s3, s0;
	s1 =	sshll.u32 s1, $0x11  }
0xbb: {  	s0 =	sor.u32 s1, s0  }
0xbc: {  	s0 =	sadd.s32 $0x8F2B, s0  }
0xbd: {  	[sflag:s0] =	ssyncadd.remote.s32 $0x1  }
0xbe: {  	_ =	sfence.sel $0xFFFF  }
0xbf: {  	[dreg:$0x0] =	wrdreg $0xFFFFFFFF;
	(pc) =	sbr.abs _section_cstart, $3  }
0xc0: {  	[dreg:$0x1] =	wrdreg $0xFFFFFFFF  }
0xc1: {  	_ =	task.clear_ibuf [dreg:s7], $0x2FFFF;
	_ =	strace $0x9FFFFFFF  }
0xc2: {  	(tm) =	ssettm $0x7FFFFFFF  }
0xc3: {  	_ =	shalt  }
tec
execute0_lowered:
.L_overlay_start_1:
0x0: {  	(tag) =	ssettag $0x1  }
0x1: {  	s0 =	rddreg [dreg:$0x0]  }
0x2: {  	s2 =	rddreg [dreg:$0x1];
	s1 =	simm.s32 $0x0;
	s4 =	srdreg.scid  }
0x3: {  	s12 =	stileid.u32;
	s31 =	simm.s32 $0x1;
	s28 =	simm.s32 $0x0  }
0x4: {  	[smem:$0x7FF] =	sst s1;
	s3 =	sadd.s32 $0x142A00, s0;
	s4 =	sand.u32 $0x1, s4  }
0x5: {  	s5 =	sadd.s32 $0x102A00, s0;
	s7 =	sshll.u32 s12, $0x7;
	s8 =	sadd.s32 $0x1A00, s0  }
0x6: {  	s18 =	sadd.s32 $0x2200, s0;
	s20 =	sshll.u32 s12, $0xE;
	_ =	strace $0x8000004A  }
0x7: {  	s6 =	sshll.u32 s4, $0x3;
	s9 =	ssub.s32 $0x2, s4;
	s4 =	sshll.u32 s4, $0xD  }
0x8: {  	s6 =	sor.u32 s6, s7;
	s10 =	sshrl.u32 s9, $0x1;
	s4 =	sor.u32 s4, s20  }
0x9: {  	s20 =	simm.s32 $0xB;
	s11 =	sor.u32 $0x10, s6;
	s10 =	ssub.s32 s9, s10  }
0xa: {  	s19 =	sadd.s32 s8, s6;
	s6 =	sadd.s32 s18, s6;
	s9 =	sadd.s32 $0x142B00, s0  }
0xb: {  	s22 =	sadd.s32 s5, s4;
	s23 =	sor.u32 $0x800, s4;
	s25 =	sadd.s32 s2, s4  }
0xc: {  	s26 =	sor.u32 $0x1000, s4;
	s30 =	sor.u32 $0x1800, s4;
	[dreg:$0x3] =	wrdreg s19  }
0xd: {  	s8 =	sadd.s32 s8, s11;
	s7 =	sadd.s32 s18, s11;
	[dreg:$0x7] =	wrdreg s22  }
0xe: {  	s21 =	sadd.s32 $0x20, s6;
	s24 =	sadd.s32 s5, s23;
	[dreg:$0x9] =	wrdreg s25  }
0xf: {  	s29 =	sadd.s32 s5, s26;
	s0 =	sadd.s32 s2, s23;
	[dreg:$0x4] =	wrdreg s8  }
0x10: {  	s4 =	sadd.s32 s5, s30;
	s16 =	sadd.s32 s2, s26;
	[dreg:$0x5] =	wrdreg s7  }
0x11: {  	s17 =	sadd.s32 s2, s30;
	s18 =	smax.u32 s10, $0x1;
	[dreg:$0x6] =	wrdreg s21  }
0x12: {  	s22 =	simm.s32 $0x14000;
	s23 =	simm.s32 $0x14080;
	[dreg:$0x8] =	wrdreg s24  }
0x13: {  	s2 =	simm.s32 $0x8000;
	s19 =	simm.s32 $0x2;
	[dreg:$0xa] =	wrdreg s29  }
0x14: {  	s25 =	simm.s32 $0x6;
	s10 =	simm.s32 $0x8;
	[dreg:$0xb] =	wrdreg s0  }
0x15: {  	v2 =	vlaneseq.u32;
	s26 =	simm.s32 $0x7;
	s11 =	simm.s32 $0xA;
	[dreg:$0xc] =	wrdreg s4  }
0x16: {  	vm0 =	vmmov $0xffff;
	v1 =	vshrl.u32 v2, $0x3;
	s24 =	simm.s32 $0x14100;
	s0 =	simm.s32 $0x3;
	s7 =	simm.s32 $0x5  }
0x17: {  	v0 =	vand.u32 $0x7, v2;
	v2 =	vor.u32 $0x8, v2;
	v1 =	vmul.u32 $0x8, v1;
	s8 =	simm.s32 $0x10000;
	s21 =	simm.s32 $0x4;
	s4 =	simm.s32 $0x9  }
.LBB2_1:
0x18: {  	s5 =	rddreg [dreg:$0x3];
	s12 =	simm.s32 $0x14180  }
0x19: {  	[tilespmem:s12], [sflag:$0xB] =	stream.linear.gather [hbm4b:s5+s1], $0x40, $0x38;
	[tilespmem:$0x14280] =	vst v63  }
0x1a: {  	_ =	swait.ge [sflag:s20], $0x40  }
0x1b: {  	[sflag:s20] =	ssyncset.done $0x0  }
0x1c: {  	s15 =	simm.s32 $0x14200;
	s14 =	rddreg [dreg:$0x4];
	[sflag:s20] =	ssyncadd.s32 $0xFFFFFFC0  }
0x1d: {  	[tilespmem:s15], [sflag:$0xB] =	stream.linear.gather [hbm4b:s14+s1], $0x40, $0x38;
	[tilespmem:$0x14280] =	vst v63  }
0x1e: {  	_ =	swait.ge [sflag:s20], $0x40  }
0x1f: {  	[sflag:s20] =	ssyncset.done $0x0  }
0x20: {  	[sflag:s20] =	ssyncadd.s32 $0xFFFFFFC0  }
0x21: {  	[tilespmem:s22], [sflag:$0xB] =	stream.linear.gather [hbm4b:s6+s1], $0x40, $0x38;
	[tilespmem:$0x14280] =	vst v63  }
0x22: {  	_ =	swait.ge [sflag:s20], $0x40  }
0x23: {  	[sflag:s20] =	ssyncset.done $0x0  }
0x24: {  	s29 =	rddreg [dreg:$0x5];
	[sflag:s20] =	ssyncadd.s32 $0xFFFFFFC0  }
0x25: {  	[tilespmem:s23], [sflag:$0xB] =	stream.linear.gather [hbm4b:s29+s1], $0x40, $0x38;
	[tilespmem:$0x14280] =	vst v63  }
0x26: {  	_ =	swait.ge [sflag:s20], $0x40  }
0x27: {  	[sflag:s20] =	ssyncset.done $0x0  }
0x28: {  	s30 =	rddreg [dreg:$0x6];
	[sflag:s20] =	ssyncadd.s32 $0xFFFFFFC0  }
0x29: {  	[tilespmem:s24], [sflag:$0xB] =	stream.linear.gather [hbm4b:s30+s1], $0x40, $0x38;
	[tilespmem:$0x14280] =	vst v63  }
0x2a: {  	_ =	swait.ge [sflag:s20], $0x40  }
0x2b: {  	[sflag:s20] =	ssyncset.done $0x0  }
0x2c: {  	[sflag:s20] =	ssyncadd.s32 $0xFFFFFFC0  }
0x2d: {  	v3 =	vld [tilespmem:$0x14180];
	_ =	sdelay $0x4  }
0x2e: {  	v4 =	vshll.u32 v3, $0x2  }
0x2f: {  	v3 =	vand.u32 $0x7, v3;
	v4 =	vand.u32 $0xFFFFFFE0, v4  }
0x30: {  	v3 =	vor.u32 v3, v4  }
0x31: {  	v57 =	vld [tilespmem:$0x14200];
	v5 =	vperm.xlane v3, v0;
	_ =	sdelay $0x1  }
0x32: {  	v5 =	vadd.s32 v1, v5;
	_ =	sdelay $0x1  }
0x33: {  	v3 =	vperm.xlane v3, v2  }
0x34: {  	v6 =	vshll.u32 v57, $0x2  }
0x35: {  	v6 =	vand.u32 $0xFFFFFFE0, v6;
	v4 =	vand.u32 $0x7, v57;
	v3 =	vadd.s32 v1, v3  }
0x36: {  	v4 =	vor.u32 v4, v6;
	[tilespmem:s1], [sflag:$0x1] =	stream.indirect_vreg.gather [hbm4b:s3+s1], $0x80, v5, vm0, $0xb8;
	[tilespmem:$0x14280] =	vst v63  }
0x37: {  	s12 =	simm.s32 $0x800;
	v6 =	vperm.xlane v4, v0  }
0x38: {  	[tilespmem:s12], [sflag:$0x1] =	stream.indirect_vreg.gather [hbm4b:s9+s1], $0x80, v5, vm0, $0xb8;
	[tilespmem:$0x14280] =	vst v63  }
0x39: {  	s13 =	simm.s32 $0x1000;
	v58 =	vadd.s32 v1, v6  }
0x3a: {  	[tilespmem:s13], [sflag:$0x1] =	stream.indirect_vreg.gather [hbm4b:s3+s1], $0x80, v3, vm0, $0xb8;
	[tilespmem:$0x14280] =	vst v63  }
0x3b: {  	s14 =	simm.s32 $0x1800;
	v4 =	vperm.xlane v4, v2  }
0x3c: {  	[tilespmem:s14], [sflag:$0x1] =	stream.indirect_vreg.gather [hbm4b:s9+s1], $0x80, v3, vm0, $0xb8;
	[tilespmem:$0x14280] =	vst v63  }
0x3d: {  	s15 =	simm.s32 $0x4000;
	v3 =	vadd.s32 v1, v4  }
0x3e: {  	[tilespmem:s15], [sflag:$0x3] =	stream.indirect_vreg.gather [hbm4b:s3+s1], $0x80, v58, vm0, $0xb8;
	[tilespmem:$0x14280] =	vst v63  }
0x3f: {  	s29 =	simm.s32 $0x4800  }
0x40: {  	[tilespmem:s29], [sflag:$0x3] =	stream.indirect_vreg.gather [hbm4b:s9+s1], $0x80, v58, vm0, $0xb8;
	[tilespmem:$0x14280] =	vst v63  }
0x41: {  	s30 =	simm.s32 $0x5000  }
0x42: {  	[tilespmem:s30], [sflag:$0x3] =	stream.indirect_vreg.gather [hbm4b:s3+s1], $0x80, v3, vm0, $0xb8;
	[tilespmem:$0x14280] =	vst v63  }
0x43: {  	s12 =	simm.s32 $0x5800  }
0x44: {  	[tilespmem:s12], [sflag:$0x3] =	stream.indirect_vreg.gather [hbm4b:s9+s1], $0x80, v3, vm0, $0xb8;
	[tilespmem:$0x14280] =	vst v63  }
0x45: {  	s13 =	rddreg [dreg:$0x7]  }
0x46: {  	[tilespmem:s2], [sflag:$0x5] =	stream.linear.gather [hbm4b:s13+s1], $0x4000, $0x38;
	[tilespmem:$0x14280] =	vst v63  }
0x47: {  	v3 =	vld [tilespmem:$0x14190];
	_ =	sdelay $0x4  }
0x48: {  	v59 =	vshll.u32 v3, $0x2  }
0x49: {  	v3 =	vand.u32 $0x7, v3;
	v4 =	vand.u32 $0xFFFFFFE0, v59  }
0x4a: {  	v3 =	vor.u32 v3, v4  }
0x4b: {  	v60 =	vld [tilespmem:$0x14210];
	v61 =	vperm.xlane v3, v0;
	_ =	sdelay $0x1  }
0x4c: {  	v5 =	vadd.s32 v1, v61;
	_ =	sdelay $0x1  }
0x4d: {  	v3 =	vperm.xlane v3, v2  }
0x4e: {  	v62 =	vshll.u32 v60, $0x2  }
0x4f: {  	s14 =	simm.s32 $0x2000;
	v6 =	vand.u32 $0xFFFFFFE0, v62;
	v4 =	vand.u32 $0x7, v60;
	v3 =	vadd.s32 v1, v3  }
0x50: {  	v4 =	vor.u32 v4, v6;
	[tilespmem:s14], [sflag:$0x2] =	stream.indirect_vreg.gather [hbm4b:s3+s1], $0x80, v5, vm0, $0xb8;
	[tilespmem:$0x14280] =	vst v63  }
0x51: {  	s15 =	simm.s32 $0x2800;
	v6 =	vperm.xlane v4, v0  }
0x52: {  	[tilespmem:s15], [sflag:$0x2] =	stream.indirect_vreg.gather [hbm4b:s9+s1], $0x80, v5, vm0, $0xb8;
	[tilespmem:$0x14280] =	vst v63  }
0x53: {  	s29 =	simm.s32 $0x3000;
	v63 =	vadd.s32 v1, v6  }
0x54: {  	[tilespmem:s29], [sflag:$0x2] =	stream.indirect_vreg.gather [hbm4b:s3+s1], $0x80, v3, vm0, $0xb8;
	[tilespmem:$0x14280] =	vst v63  }
0x55: {  	s30 =	simm.s32 $0x3800;
	v4 =	vperm.xlane v4, v2  }
0x56: {  	[tilespmem:s30], [sflag:$0x2] =	stream.indirect_vreg.gather [hbm4b:s9+s1], $0x80, v3, vm0, $0xb8;
	[tilespmem:$0x14280] =	vst v63  }
0x57: {  	s12 =	simm.s32 $0x6000;
	v3 =	vadd.s32 v1, v4  }
0x58: {  	[tilespmem:s12], [sflag:$0x4] =	stream.indirect_vreg.gather [hbm4b:s3+s1], $0x80, v63, vm0, $0xb8;
	[tilespmem:$0x14280] =	vst v63  }
0x59: {  	s13 =	simm.s32 $0x6800  }
0x5a: {  	[tilespmem:s13], [sflag:$0x4] =	stream.indirect_vreg.gather [hbm4b:s9+s1], $0x80, v63, vm0, $0xb8;
	[tilespmem:$0x14280] =	vst v63  }
0x5b: {  	s14 =	simm.s32 $0x7000  }
0x5c: {  	[tilespmem:s14], [sflag:$0x4] =	stream.indirect_vreg.gather [hbm4b:s3+s1], $0x80, v3, vm0, $0xb8;
	[tilespmem:$0x14280] =	vst v63  }
0x5d: {  	s15 =	simm.s32 $0x7800  }
0x5e: {  	[tilespmem:s15], [sflag:$0x4] =	stream.indirect_vreg.gather [hbm4b:s9+s1], $0x80, v3, vm0, $0xb8;
	[tilespmem:$0x14280] =	vst v63  }
0x5f: {  	s29 =	rddreg [dreg:$0x8];
	s30 =	simm.s32 $0xC000  }
0x60: {  	[tilespmem:s30], [sflag:$0x6] =	stream.linear.gather [hbm4b:s29+s1], $0x4000, $0x38;
	[tilespmem:$0x14280] =	vst v63  }
0x61: {  	_ =	swait.ge [sflag:s31], $0x2000  }
0x62: {  	[sflag:s31] =	ssyncset.done $0x0  }
0x63: {  	[sflag:s31] =	ssyncadd.s32 $0xFFFFE000  }
0x64: {  	_ =	swait.ge [sflag:s0], $0x2000  }
0x65: {  	[sflag:s0] =	ssyncset.done $0x0  }
0x66: {  	[sflag:s0] =	ssyncadd.s32 $0xFFFFE000  }
0x67: {  	_ =	swait.ge [sflag:s7], $0x4000  }
0x68: {  	[sflag:s7] =	ssyncset.done $0x0  }
0x69: {  	s5 =	simm.s32 $0x0;
	s12 =	simm.s32 $0x0;
	[sflag:s7] =	ssyncadd.s32 $0xFFFFC000  }
.LBB2_2:
0x6a: {  	v5 =	vmov s5;
	_ =	sdelay $0x2  }
0x6b: {  	s13 =	sshrl.u32 s5, $0x3;
	s14 =	sshll.u32 s12, $0x9  }
0x6c: {  	s15 =	sshll.u32 s13, $0xE;
	s14 =	sand.u32 $0xE00, s14  }
0x6d: {  	s13 =	sshll.u32 s13, $0xF;
	s15 =	sor.u32 s14, s15;
	v3 =	vld.idx.msk [tilespmem:v5+s22+$0x0], $0xffff  }
0x6e: {  	s13 =	sor.u32 s14, s13;
	s15 =	sshrl.u32 s15, $0x2;
	v4 =	vld.idx.msk [tilespmem:v5+s23+$0x0], $0xffff  }
0x6f: {  	s13 =	sshrl.u32 s13, $0x2;
	s14 =	sadd.s32 $0x4040, s15;
	v5 =	vld.idx.msk [tilespmem:v5+s24+$0x0], $0xffff  }
0x70: {  	s29 =	sadd.s32 $0x9000, s13;
	v6 =	vld [tilespmem:s14+$0xFFFFFFE0]  }
0x71: {  	v7 =	vld [tilespmem:s29+$0x0]  }
0x72: {  	v10 =	vld [tilespmem:s29+$0xFFFFF050]  }
0x73: {  	s15 =	sor.u32 $0x40, s15;
	v11 =	vld [tilespmem:s29+$0xFFFFF060]  }
0x74: {  	v18 =	vld [tilespmem:s15+$0x10]  }
0x75: {  	v12 =	vld [tilespmem:s29+$0xFFFFF000]  }
0x76: {  	v15 =	vld [tilespmem:s29+$0x60]  }
0x77: {  	v20 =	vld [tilespmem:s29+$0x20]  }
0x78: {  	v22 =	vld [tilespmem:s15+$0x30]  }
0x79: {  	v23 =	vld [tilespmem:s14+$0x30]  }
0x7a: {  	v24 =	vld [tilespmem:s29+$0x40]  }
0x7b: {  	v25 =	vld [tilespmem:s29+$0x30]  }
0x7c: {  	v28 =	vld [tilespmem:s14+$0xFFFFFFC0]  }
0x7d: {  	v30 =	vld [tilespmem:s14+$0x20]  }
0x7e: {  	v26 =	vld [tilespmem:s15+$0x0]  }
0x7f: {  	v34 =	vld [tilespmem:s15+$0xFFFFFFF0]  }
0x80: {  	v39 =	vld [tilespmem:s15+$0xFFFFFFD0];
	v8 =	vshll.u32 v6, $0x10;
	v14 =	vmul.f32 v12, v5;
	v19 =	vmul.f32 v15, v5  }
0x81: {  	v43 =	vld [tilespmem:s29+$0xFFFFF020];
	v6 =	vand.u32 $0xFFFF0000, v6;
	v16 =	vmul.f32 v11, v5;
	v7 =	vmul.f32 v7, v5  }
0x82: {  	v40 =	vld [tilespmem:s14+$0x0];
	v11 =	vshll.u32 v23, $0x10;
	v15 =	vshll.u32 v22, $0x10;
	v12 =	vmul.f32 v20, v5  }
0x83: {  	v9 =	vld [tilespmem:s29+$0x70];
	v20 =	vmul.f32 v24, v5;
	v25 =	vmul.f32 v25, v5;
	v31 =	vshll.u32 v28, $0x10  }
0x84: {  	v33 =	vld [tilespmem:s15+$0x20];
	v35 =	vshll.u32 v18, $0x10;
	v37 =	vand.u32 $0xFFFF0000, v18;
	v58 =	vshll.u32 v30, $0x10  }
0x85: {  	v10 =	vmul.f32 v10, v5;
	v30 =	vand.u32 $0xFFFF0000, v30;
	v42 =	vand.u32 $0xFFFF0000, v34  }
0x86: {  	v13 =	vld [tilespmem:s29+$0xFFFFF010];
	v36 =	vand.u32 $0xFFFF0000, v26;
	v59 =	vshll.u32 v39, $0x10;
	v43 =	vmul.f32 v43, v5  }
0x87: {  	v27 =	vld [tilespmem:s15+$0xFFFFFFE0];
	v60 =	vshll.u32 v40, $0x10;
	v29 =	vmul.f32 v8, v4;
	v8 =	vmul.f32 v6, v4  }
0x88: {  	v21 =	vld [tilespmem:s15+$0xFFFFFFC0];
	v40 =	vand.u32 $0xFFFF0000, v40;
	v6 =	vmul.f32 v9, v5;
	v11 =	vmul.f32 v11, v4  }
0x89: {  	v62 =	vand.u32 $0xFFFF0000, v33;
	v15 =	vmul.f32 v15, v3;
	v31 =	vmul.f32 v31, v4  }
0x8a: {  	v17 =	vld [tilespmem:s29+$0x50];
	v9 =	vand.u32 $0xFFFF0000, v22;
	v46 =	vmul.f32 v30, v4;
	v61 =	vmul.f32 v42, v3  }
0x8b: {  	v41 =	vld [tilespmem:s29+$0x10];
	v22 =	vand.u32 $0xFFFF0000, v23;
	v50 =	vmul.f32 v62, v3;
	v42 =	vmul.f32 v40, v4  }
0x8c: {  	v24 =	vld [tilespmem:s14+$0xFFFFFFF0];
	v48 =	vand.u32 $0xFFFF0000, v27;
	v23 =	vmul.f32 v9, v3;
	v32 =	vmul.f32 v22, v4  }
0x8d: {  	v18 =	vld [tilespmem:s14+$0xFFFFFFD0];
	v9 =	vshll.u32 v21, $0x10;
	v22 =	vand.u32 $0xFFFF0000, v28;
	v28 =	vmul.f32 v13, v5  }
0x8e: {  	v47 =	vld [tilespmem:s14+$0x10];
	v49 =	vshll.u32 v33, $0x10;
	v38 =	vmul.f32 v9, v3;
	v9 =	vmul.f32 v35, v3  }
0x8f: {  	v13 =	vadd.f32 v32, v23;
	v23 =	vmul.f32 v17, v5;
	v17 =	vshll.u32 v27, $0x10  }
0x90: {  	v35 =	vmul.f32 v58, v4;
	v46 =	vadd.f32 v46, v50;
	v30 =	vmul.f32 v17, v3  }
0x91: {  	v32 =	vmul.f32 v37, v3;
	v27 =	vshll.u32 v34, $0x10;
	v34 =	vmul.f32 v60, v4  }
0x92: {  	v44 =	vand.u32 $0xFFFF0000, v24;
	v45 =	vshll.u32 v18, $0x10;
	v29 =	vadd.f32 v29, v30  }
0x93: {  	v17 =	vmul.f32 v41, v5;
	v38 =	vadd.f32 v31, v38;
	v31 =	vshll.u32 v47, $0x10  }
0x94: {  	v40 =	vld [tilespmem:s29+$0xFFFFF040];
	v44 =	vmul.f32 v44, v4;
	v33 =	vmul.f32 v45, v4;
	v63 =	vadd.f32 v29, v43  }
0x95: {  	s13 =	simm.s32 $0x0;
	v37 =	vld [tilespmem:s29+$0xFFFFF070];
	v45 =	vmul.f32 v49, v3;
	v30 =	vand.u32 $0xFFFF0000, v39;
	v43 =	vmul.f32 v59, v3  }
0x96: {  	s30 =	sadd.s32 $0x400, s15;
	s15 =	sadd.s32 $0x400, s29;
	s14 =	sadd.s32 $0x400, s14;
	v39 =	vmul.f32 v48, v3;
	v41 =	vadd.f32 v44, v61;
	v44 =	vand.u32 $0xFFFF0000, v47;
	v29 =	vld [tilespmem:s29+$0xFFFFF030];
	[tilespmem:s29+$0xFFFFF020] =	vst v63  }
.LBB2_3:
0x97: {  	v47 =	vld [tilespmem:s14+$0xFFFFFFE0];
	s13 =	sadd.s32 $0x8, s13;
	v43 =	vadd.f32 v33, v43;
	v36 =	vmul.f32 v36, v3;
	v44 =	vmul.f32 v44, v4  }
0x98: {  	v21 =	vand.u32 $0xFFFF0000, v21;
	v48 =	vld [tilespmem:s15+$0x0];
	p0 =	slt.u32 s13, $0x18;
	v35 =	vadd.f32 v35, v45;
	v19 =	vadd.f32 v19, v46  }
0x99: {  	v25 =	vadd.f32 v25, v41;
	v26 =	vshll.u32 v26, $0x10;
	v33 =	vld [tilespmem:s15+$0x50];
	v36 =	vadd.f32 v42, v36  }
0x9a: {  	v14 =	vadd.f32 v38, v14;
	v26 =	vmul.f32 v26, v3;
	v41 =	vld [tilespmem:s15+$0xFFFFF050];
	v16 =	vadd.f32 v35, v16;
	[tilespmem:s29+$0x60] =	vst v19  }
0x9b: {  	v24 =	vshll.u32 v24, $0x10;
	v19 =	vadd.f32 v43, v28;
	v35 =	vld [tilespmem:s15+$0x70];
	[tilespmem:s29+$0x30] =	vst v25;
	v25 =	vmul.f32 v40, v5  }
0x9c: {  	v26 =	vadd.f32 v34, v26;
	v20 =	vadd.f32 v20, v36;
	v28 =	vshll.u32 v47, $0x10;
	v38 =	vld [tilespmem:s15+$0xFFFFF060];
	[tilespmem:s29+$0xFFFFF060] =	vst v16  }
0x9d: {  	v8 =	vadd.f32 v8, v39;
	v16 =	vmul.f32 v21, v3;
	v21 =	vmul.f32 v22, v4;
	v36 =	vld [tilespmem:s15+$0xFFFFF010];
	[tilespmem:s29+$0xFFFFF010] =	vst v19  }
0x9e: {  	v34 =	vmul.f32 v28, v4;
	v19 =	vadd.f32 v26, v25;
	v22 =	vld [tilespmem:s30+$0x10];
	[tilespmem:s29+$0x40] =	vst v20;
	v20 =	vadd.f32 v44, v32  }
0x9f: {  	v11 =	vadd.f32 v11, v15;
	v12 =	vadd.f32 v12, v8;
	v25 =	vld [tilespmem:s15+$0xFFFFF000];
	[tilespmem:s29+$0xFFFFF000] =	vst v14;
	v14 =	vmul.f32 v37, v5  }
0xa0: {  	v8 =	vand.u32 $0xFFFF0000, v47;
	v16 =	vadd.f32 v21, v16;
	v15 =	vld [tilespmem:s15+$0x60];
	[tilespmem:s29+$0xFFFFF040] =	vst v19;
	v20 =	vadd.f32 v23, v20  }
0xa1: {  	v18 =	vand.u32 $0xFFFF0000, v18;
	v8 =	vmul.f32 v8, v4;
	v23 =	vld [tilespmem:s15+$0x20];
	v11 =	vadd.f32 v11, v14  }
0xa2: {  	v7 =	vadd.f32 v7, v16;
	v14 =	vmul.f32 v31, v4;
	v26 =	vld [tilespmem:s30+$0x30];
	[tilespmem:s29+$0x20] =	vst v12;
	v12 =	vmul.f32 v27, v3  }
0xa3: {  	v6 =	vadd.f32 v6, v13;
	v21 =	vmul.f32 v30, v3;
	v16 =	vmul.f32 v24, v4;
	v27 =	vld [tilespmem:s14+$0x30];
	[tilespmem:s29+$0xFFFFF070] =	vst v11  }
0xa4: {  	v13 =	vmul.f32 v29, v5;
	v11 =	vmul.f32 v18, v4;
	v30 =	vld [tilespmem:s30+$0xFFFFFFE0];
	[tilespmem:s29+$0x0] =	vst v7;
	v7 =	vadd.f32 v14, v9  }
0xa5: {  	v14 =	vmul.f32 v25, v5;
	v12 =	vadd.f32 v16, v12;
	v9 =	vld [tilespmem:s15+$0x40];
	v19 =	vmul.f32 v15, v5;
	[tilespmem:s29+$0x50] =	vst v20  }
0xa6: {  	v16 =	vmul.f32 v38, v5;
	v15 =	vld [tilespmem:s15+$0x30];
	v10 =	vadd.f32 v7, v10;
	[tilespmem:s29+$0x70] =	vst v6  }
0xa7: {  	v20 =	vadd.f32 v11, v21;
	v7 =	vmul.f32 v48, v5;
	v12 =	vadd.f32 v12, v13;
	v18 =	vld [tilespmem:s14+$0xFFFFFFC0]  }
0xa8: {  	v6 =	vmul.f32 v35, v5;
	v13 =	vshll.u32 v26, $0x10;
	v21 =	vld [tilespmem:s30+$0xFFFFFFC0];
	v11 =	vshll.u32 v27, $0x10  }
0xa9: {  	v24 =	vand.u32 $0xFFFF0000, v26;
	v17 =	vadd.f32 v17, v20;
	v29 =	vld [tilespmem:s30+$0x20];
	v11 =	vmul.f32 v11, v4;
	[tilespmem:s29+$0xFFFFF030] =	vst v12  }
0xaa: {  	v12 =	vmul.f32 v23, v5;
	v20 =	vmul.f32 v9, v5;
	v23 =	vld [tilespmem:s14+$0x20];
	v9 =	vand.u32 $0xFFFF0000, v27;
	[tilespmem:s29+$0xFFFFF050] =	vst v10  }
0xab: {  	v25 =	vmul.f32 v15, v5;
	v26 =	vld [tilespmem:s30+$0x0];
	v15 =	vmul.f32 v13, v3;
	[tilespmem:s29+$0x10] =	vst v17;
	s29 =	smov.u32 s15  }
0xac: {  	v10 =	vmul.f32 v24, v3;
	v13 =	vmul.f32 v9, v4;
	v17 =	vshll.u32 v18, $0x10;
	v27 =	vld [tilespmem:s30+$0xFFFFFFF0]  }
0xad: {  	v28 =	vshll.u32 v22, $0x10;
	v31 =	vand.u32 $0xFFFF0000, v22;
	v9 =	vshll.u32 v21, $0x10;
	v24 =	vld [tilespmem:s14+$0xFFFFFFF0]  }
0xae: {  	v22 =	vand.u32 $0xFFFF0000, v18;
	v37 =	vmul.f32 v9, v3;
	v18 =	vld [tilespmem:s14+$0xFFFFFFD0];
	v9 =	vmul.f32 v28, v3  }
0xaf: {  	v13 =	vadd.f32 v13, v10;
	v28 =	vmul.f32 v36, v5;
	v39 =	vld [tilespmem:s30+$0xFFFFFFD0];
	v32 =	vshll.u32 v23, $0x10  }
0xb0: {  	v10 =	vmul.f32 v41, v5;
	v40 =	vand.u32 $0xFFFF0000, v23;
	v38 =	vld [tilespmem:s14+$0x0];
	v35 =	vmul.f32 v32, v4  }
0xb1: {  	v23 =	vmul.f32 v33, v5;
	v36 =	vand.u32 $0xFFFF0000, v26;
	v41 =	vld [tilespmem:s15+$0x10];
	v42 =	vand.u32 $0xFFFF0000, v27  }
0xb2: {  	v33 =	vmul.f32 v17, v4;
	v46 =	vmul.f32 v40, v4;
	v43 =	vld [tilespmem:s15+$0xFFFFF020];
	v44 =	vand.u32 $0xFFFF0000, v24  }
0xb3: {  	v17 =	vshll.u32 v30, $0x10;
	v32 =	vmul.f32 v31, v3;
	v40 =	vshll.u32 v18, $0x10;
	v45 =	vld [tilespmem:s14+$0x10]  }
0xb4: {  	v48 =	vand.u32 $0xFFFF0000, v30;
	v27 =	vshll.u32 v27, $0x10;
	v47 =	vshll.u32 v39, $0x10  }
0xb5: {  	v30 =	vmul.f32 v17, v3;
	v31 =	vshll.u32 v38, $0x10;
	v49 =	vand.u32 $0xFFFF0000, v38  }
0xb6: {  	v17 =	vmul.f32 v41, v5;
	v41 =	vmul.f32 v42, v3;
	v42 =	vand.u32 $0xFFFF0000, v29  }
0xb7: {  	v50 =	vadd.f32 v34, v30;
	v44 =	vmul.f32 v44, v4;
	v43 =	vmul.f32 v43, v5  }
.Ltmp0:
0xb8: {  	v38 =	vadd.f32 v33, v37;
	v34 =	vmul.f32 v31, v4;
	v31 =	vshll.u32 v45, $0x10;
	(pc) =	sbr.rel @p0 .LBB2_3-.Ltmp0, $4  }
0xb9: {  	v30 =	vand.u32 $0xFFFF0000, v39;
	v37 =	vadd.f32 v50, v43;
	v50 =	vshll.u32 v29, $0x10  }
0xba: {  	v33 =	vmul.f32 v40, v4;
	v51 =	vmul.f32 v42, v3;
	v41 =	vadd.f32 v44, v41;
	v29 =	vld [tilespmem:s15+$0xFFFFF030]  }
0xbb: {  	v42 =	vmul.f32 v49, v4;
	v44 =	vand.u32 $0xFFFF0000, v45;
	v43 =	vmul.f32 v47, v3;
	[tilespmem:s15+$0xFFFFF020] =	vst v37;
	v37 =	vld [tilespmem:s15+$0xFFFFF070]  }
0xbc: {  	s30 =	sadd.s32 $0x400, s30;
	s14 =	sadd.s32 $0x400, s14;
	v39 =	vmul.f32 v48, v3;
	v46 =	vadd.f32 v46, v51;
	v45 =	vmul.f32 v50, v3;
	s15 =	sadd.s32 $0x400, s15;
	v40 =	vld [tilespmem:s29+$0xFFFFF040]  }
0xbd: {  	v33 =	vadd.f32 v33, v43;
	v36 =	vmul.f32 v36, v3;
	v63 =	vmul.f32 v44, v4  }
0xbe: {  	v25 =	vadd.f32 v25, v41;
	v26 =	vshll.u32 v26, $0x10;
	v14 =	vadd.f32 v38, v14  }
0xbf: {  	v21 =	vand.u32 $0xFFFF0000, v21;
	v24 =	vshll.u32 v24, $0x10;
	v48 =	vmul.f32 v22, v4  }
0xc0: {  	v11 =	vadd.f32 v11, v15;
	v54 =	vand.u32 $0xFFFF0000, v18;
	v6 =	vadd.f32 v6, v13;
	[tilespmem:s29+$0x30] =	vst v25  }
0xc1: {  	v55 =	vmul.f32 v27, v3;
	v35 =	vadd.f32 v35, v45;
	v19 =	vadd.f32 v19, v46;
	[tilespmem:s29+$0xFFFFF000] =	vst v14  }
0xc2: {  	v57 =	vmul.f32 v31, v4;
	v8 =	vadd.f32 v8, v39;
	v45 =	vadd.f32 v33, v28;
	[tilespmem:s29+$0x70] =	vst v6  }
0xc3: {  	v26 =	vmul.f32 v26, v3;
	v36 =	vadd.f32 v42, v36;
	v16 =	vadd.f32 v35, v16;
	[tilespmem:s29+$0x60] =	vst v19  }
0xc4: {  	v47 =	vmul.f32 v21, v3;
	v50 =	vadd.f32 v63, v32;
	v8 =	vadd.f32 v12, v8;
	[tilespmem:s29+$0xFFFFF010] =	vst v45  }
0xc5: {  	v56 =	vmul.f32 v24, v4;
	v61 =	vadd.f32 v57, v9;
	v20 =	vadd.f32 v20, v36;
	[tilespmem:s29+$0xFFFFF060] =	vst v16  }
0xc6: {  	v3 =	vmul.f32 v30, v3;
	v51 =	vmul.f32 v37, v5;
	v53 =	vadd.f32 v23, v50;
	[tilespmem:s29+$0x20] =	vst v8  }
0xc7: {  	v58 =	vmul.f32 v54, v4;
	v52 =	vadd.f32 v48, v47;
	v63 =	vadd.f32 v61, v10;
	[tilespmem:s29+$0x40] =	vst v20  }
0xc8: {  	s5 =	sadd.s32 $0x1, s5;
	v59 =	vmul.f32 v29, v5;
	v60 =	vadd.f32 v56, v55;
	v11 =	vadd.f32 v11, v51;
	[tilespmem:s29+$0x50] =	vst v53  }
0xc9: {  	p0 =	sne.s32 s5, $0x10;
	v3 =	vadd.f32 v58, v3;
	v7 =	vadd.f32 v7, v52;
	[tilespmem:s29+$0xFFFFF050] =	vst v63  }
.Ltmp1:
0xca: {  	v26 =	vadd.f32 v34, v26;
	v46 =	vmul.f32 v40, v5;
	v62 =	vadd.f32 v60, v59;
	[tilespmem:s29+$0xFFFFF070] =	vst v11;
	(pc) =	sbr.rel @p0 .LBB2_2-.Ltmp1, $4  }
0xcb: {  	v3 =	vadd.f32 v17, v3;
	[tilespmem:s29+$0x0] =	vst v7  }
0xcc: {  	v49 =	vadd.f32 v26, v46;
	[tilespmem:s29+$0xFFFFF030] =	vst v62  }
0xcd: {  	[tilespmem:s29+$0x10] =	vst v3  }
0xce: {  	s12 =	sadd.s32 $0x1, s12;
	[tilespmem:s29+$0xFFFFF040] =	vst v49  }
0xcf: {  	s12 =	simm.s32 $0x0;
	s5 =	rddreg [dreg:$0x9]  }
0xd0: {  	[hbm4b:s5+s12] =	stream.linear.scatter [tilespmem:s2], [sflag:$0x8], $0x4000, $0x38;
	[tilespmem:$0x14280] =	vst v63  }
0xd1: {  	v3 =	vld [tilespmem:$0x141A0];
	_ =	sdelay $0x4  }
0xd2: {  	v4 =	vshll.u32 v3, $0x2  }
0xd3: {  	v3 =	vand.u32 $0x7, v3;
	v4 =	vand.u32 $0xFFFFFFE0, v4  }
0xd4: {  	v3 =	vor.u32 v3, v4  }
0xd5: {  	v62 =	vld [tilespmem:$0x14220];
	v5 =	vperm.xlane v3, v0;
	_ =	sdelay $0x1  }
0xd6: {  	v5 =	vadd.s32 v1, v5;
	_ =	sdelay $0x1  }
0xd7: {  	v3 =	vperm.xlane v3, v2  }
0xd8: {  	v6 =	vshll.u32 v62, $0x2  }
0xd9: {  	v6 =	vand.u32 $0xFFFFFFE0, v6;
	v4 =	vand.u32 $0x7, v62;
	v3 =	vadd.s32 v1, v3  }
0xda: {  	v4 =	vor.u32 v4, v6;
	[tilespmem:s12], [sflag:$0x1] =	stream.indirect_vreg.gather [hbm4b:s3+s12], $0x80, v5, vm0, $0xb8;
	[tilespmem:$0x14280] =	vst v63  }
0xdb: {  	s15 =	simm.s32 $0x800;
	v6 =	vperm.xlane v4, v0  }
0xdc: {  	[tilespmem:s15], [sflag:$0x1] =	stream.indirect_vreg.gather [hbm4b:s9+s12], $0x80, v5, vm0, $0xb8;
	[tilespmem:$0x14280] =	vst v63  }
0xdd: {  	s29 =	simm.s32 $0x1000;
	v63 =	vadd.s32 v1, v6  }
0xde: {  	[tilespmem:s29], [sflag:$0x1] =	stream.indirect_vreg.gather [hbm4b:s3+s12], $0x80, v3, vm0, $0xb8;
	[tilespmem:$0x14280] =	vst v63  }
0xdf: {  	s30 =	simm.s32 $0x1800;
	v4 =	vperm.xlane v4, v2  }
0xe0: {  	[tilespmem:s30], [sflag:$0x1] =	stream.indirect_vreg.gather [hbm4b:s9+s12], $0x80, v3, vm0, $0xb8;
	[tilespmem:$0x14280] =	vst v63  }
0xe1: {  	s13 =	simm.s32 $0x4000;
	v3 =	vadd.s32 v1, v4  }
0xe2: {  	[tilespmem:s13], [sflag:$0x3] =	stream.indirect_vreg.gather [hbm4b:s3+s12], $0x80, v63, vm0, $0xb8;
	[tilespmem:$0x14280] =	vst v63  }
0xe3: {  	s14 =	simm.s32 $0x4800  }
0xe4: {  	[tilespmem:s14], [sflag:$0x3] =	stream.indirect_vreg.gather [hbm4b:s9+s12], $0x80, v63, vm0, $0xb8;
	[tilespmem:$0x14280] =	vst v63  }
0xe5: {  	s15 =	simm.s32 $0x5000  }
0xe6: {  	[tilespmem:s15], [sflag:$0x3] =	stream.indirect_vreg.gather [hbm4b:s3+s12], $0x80, v3, vm0, $0xb8;
	[tilespmem:$0x14280] =	vst v63  }
0xe7: {  	s29 =	simm.s32 $0x5800  }
0xe8: {  	[tilespmem:s29], [sflag:$0x3] =	stream.indirect_vreg.gather [hbm4b:s9+s12], $0x80, v3, vm0, $0xb8;
	[tilespmem:$0x14280] =	vst v63  }
0xe9: {  	s30 =	rddreg [dreg:$0xa]  }
0xea: {  	[tilespmem:s8], [sflag:$0x7] =	stream.linear.gather [hbm4b:s30+s12], $0x4000, $0x38;
	[tilespmem:$0x14280] =	vst v63  }
0xeb: {  	_ =	swait.ge [sflag:s19], $0x2000  }
0xec: {  	[sflag:s19] =	ssyncset.done $0x0  }
0xed: {  	[sflag:s19] =	ssyncadd.s32 $0xFFFFE000  }
0xee: {  	_ =	swait.ge [sflag:s21], $0x2000  }
0xef: {  	[sflag:s21] =	ssyncset.done $0x0  }
0xf0: {  	[sflag:s21] =	ssyncadd.s32 $0xFFFFE000  }
0xf1: {  	_ =	swait.ge [sflag:s25], $0x4000  }
0xf2: {  	[sflag:s25] =	ssyncset.done $0x0  }
0xf3: {  	s5 =	simm.s32 $0x0;
	[sflag:s25] =	ssyncadd.s32 $0xFFFFC000  }
.LBB2_6:
0xf4: {  	s13 =	sor.u32 $0x10, s5  }
0xf5: {  	v5 =	vmov s13;
	_ =	sdelay $0x2  }
0xf6: {  	s14 =	sshll.u32 s12, $0x9;
	s13 =	sshrl.u32 s5, $0x3  }
0xf7: {  	s14 =	sand.u32 $0xE00, s14;
	s15 =	sshll.u32 s13, $0xE  }
0xf8: {  	s13 =	sshll.u32 s13, $0xF;
	s15 =	sor.u32 s14, s15;
	v3 =	vld.idx.msk [tilespmem:v5+s22+$0x0], $0xffff  }
0xf9: {  	s13 =	sor.u32 s14, s13;
	s15 =	sshrl.u32 s15, $0x2;
	v4 =	vld.idx.msk [tilespmem:v5+s23+$0x0], $0xffff  }
0xfa: {  	s13 =	sshrl.u32 s13, $0x2;
	s14 =	sadd.s32 $0x6040, s15;
	v5 =	vld.idx.msk [tilespmem:v5+s24+$0x0], $0xffff  }
0xfb: {  	s29 =	sadd.s32 $0xD000, s13;
	v6 =	vld [tilespmem:s14+$0xFFFFFFE0]  }
0xfc: {  	v7 =	vld [tilespmem:s29+$0x0]  }
0xfd: {  	v10 =	vld [tilespmem:s29+$0xFFFFF050]  }
0xfe: {  	s15 =	sadd.s32 $0x2040, s15;
	v11 =	vld [tilespmem:s29+$0xFFFFF060]  }
0xff: {  	v18 =	vld [tilespmem:s15+$0x10]  }
0x100: {  	v12 =	vld [tilespmem:s29+$0xFFFFF000]  }
0x101: {  	v15 =	vld [tilespmem:s29+$0x60]  }
0x102: {  	v20 =	vld [tilespmem:s29+$0x20]  }
0x103: {  	v22 =	vld [tilespmem:s15+$0x30]  }
0x104: {  	v23 =	vld [tilespmem:s14+$0x30]  }
0x105: {  	v24 =	vld [tilespmem:s29+$0x40]  }
0x106: {  	v25 =	vld [tilespmem:s29+$0x30]  }
0x107: {  	v28 =	vld [tilespmem:s14+$0xFFFFFFC0]  }
0x108: {  	v30 =	vld [tilespmem:s14+$0x20]  }
0x109: {  	v26 =	vld [tilespmem:s15+$0x0]  }
0x10a: {  	v34 =	vld [tilespmem:s15+$0xFFFFFFF0]  }
0x10b: {  	v39 =	vld [tilespmem:s15+$0xFFFFFFD0];
	v8 =	vshll.u32 v6, $0x10;
	v14 =	vmul.f32 v12, v5;
	v19 =	vmul.f32 v15, v5  }
0x10c: {  	v43 =	vld [tilespmem:s29+$0xFFFFF020];
	v6 =	vand.u32 $0xFFFF0000, v6;
	v16 =	vmul.f32 v11, v5;
	v7 =	vmul.f32 v7, v5  }
0x10d: {  	v40 =	vld [tilespmem:s14+$0x0];
	v11 =	vshll.u32 v23, $0x10;
	v15 =	vshll.u32 v22, $0x10;
	v12 =	vmul.f32 v20, v5  }
0x10e: {  	v9 =	vld [tilespmem:s29+$0x70];
	v20 =	vmul.f32 v24, v5;
	v25 =	vmul.f32 v25, v5;
	v31 =	vshll.u32 v28, $0x10  }
0x10f: {  	v33 =	vld [tilespmem:s15+$0x20];
	v35 =	vshll.u32 v18, $0x10;
	v37 =	vand.u32 $0xFFFF0000, v18;
	v58 =	vshll.u32 v30, $0x10  }
0x110: {  	v10 =	vmul.f32 v10, v5;
	v30 =	vand.u32 $0xFFFF0000, v30;
	v42 =	vand.u32 $0xFFFF0000, v34  }
0x111: {  	v13 =	vld [tilespmem:s29+$0xFFFFF010];
	v36 =	vand.u32 $0xFFFF0000, v26;
	v59 =	vshll.u32 v39, $0x10;
	v43 =	vmul.f32 v43, v5  }
0x112: {  	v27 =	vld [tilespmem:s15+$0xFFFFFFE0];
	v60 =	vshll.u32 v40, $0x10;
	v29 =	vmul.f32 v8, v4;
	v8 =	vmul.f32 v6, v4  }
0x113: {  	v21 =	vld [tilespmem:s15+$0xFFFFFFC0];
	v40 =	vand.u32 $0xFFFF0000, v40;
	v6 =	vmul.f32 v9, v5;
	v11 =	vmul.f32 v11, v4  }
0x114: {  	v62 =	vand.u32 $0xFFFF0000, v33;
	v15 =	vmul.f32 v15, v3;
	v31 =	vmul.f32 v31, v4  }
0x115: {  	v17 =	vld [tilespmem:s29+$0x50];
	v9 =	vand.u32 $0xFFFF0000, v22;
	v46 =	vmul.f32 v30, v4;
	v61 =	vmul.f32 v42, v3  }
0x116: {  	v41 =	vld [tilespmem:s29+$0x10];
	v22 =	vand.u32 $0xFFFF0000, v23;
	v50 =	vmul.f32 v62, v3;
	v42 =	vmul.f32 v40, v4  }
0x117: {  	v24 =	vld [tilespmem:s14+$0xFFFFFFF0];
	v48 =	vand.u32 $0xFFFF0000, v27;
	v23 =	vmul.f32 v9, v3;
	v32 =	vmul.f32 v22, v4  }
0x118: {  	v18 =	vld [tilespmem:s14+$0xFFFFFFD0];
	v9 =	vshll.u32 v21, $0x10;
	v22 =	vand.u32 $0xFFFF0000, v28;
	v28 =	vmul.f32 v13, v5  }
0x119: {  	v47 =	vld [tilespmem:s14+$0x10];
	v49 =	vshll.u32 v33, $0x10;
	v38 =	vmul.f32 v9, v3;
	v9 =	vmul.f32 v35, v3  }
0x11a: {  	v13 =	vadd.f32 v32, v23;
	v23 =	vmul.f32 v17, v5;
	v17 =	vshll.u32 v27, $0x10  }
0x11b: {  	v35 =	vmul.f32 v58, v4;
	v46 =	vadd.f32 v46, v50;
	v30 =	vmul.f32 v17, v3  }
0x11c: {  	v32 =	vmul.f32 v37, v3;
	v27 =	vshll.u32 v34, $0x10;
	v34 =	vmul.f32 v60, v4  }
0x11d: {  	v44 =	vand.u32 $0xFFFF0000, v24;
	v45 =	vshll.u32 v18, $0x10;
	v29 =	vadd.f32 v29, v30  }
0x11e: {  	v17 =	vmul.f32 v41, v5;
	v38 =	vadd.f32 v31, v38;
	v31 =	vshll.u32 v47, $0x10  }
0x11f: {  	v40 =	vld [tilespmem:s29+$0xFFFFF040];
	v44 =	vmul.f32 v44, v4;
	v33 =	vmul.f32 v45, v4;
	v63 =	vadd.f32 v29, v43  }
0x120: {  	s13 =	simm.s32 $0x0;
	v37 =	vld [tilespmem:s29+$0xFFFFF070];
	v45 =	vmul.f32 v49, v3;
	v30 =	vand.u32 $0xFFFF0000, v39;
	v43 =	vmul.f32 v59, v3  }
0x121: {  	s30 =	sadd.s32 $0x400, s15;
	s15 =	sadd.s32 $0x400, s29;
	s14 =	sadd.s32 $0x400, s14;
	v39 =	vmul.f32 v48, v3;
	v41 =	vadd.f32 v44, v61;
	v44 =	vand.u32 $0xFFFF0000, v47;
	v29 =	vld [tilespmem:s29+$0xFFFFF030];
	[tilespmem:s29+$0xFFFFF020] =	vst v63  }
.LBB2_7:
0x122: {  	v47 =	vld [tilespmem:s14+$0xFFFFFFE0];
	s13 =	sadd.s32 $0x8, s13;
	v43 =	vadd.f32 v33, v43;
	v36 =	vmul.f32 v36, v3;
	v44 =	vmul.f32 v44, v4  }
0x123: {  	v21 =	vand.u32 $0xFFFF0000, v21;
	v48 =	vld [tilespmem:s15+$0x0];
	p0 =	slt.u32 s13, $0x18;
	v35 =	vadd.f32 v35, v45;
	v19 =	vadd.f32 v19, v46  }
0x124: {  	v25 =	vadd.f32 v25, v41;
	v26 =	vshll.u32 v26, $0x10;
	v33 =	vld [tilespmem:s15+$0x50];
	v36 =	vadd.f32 v42, v36  }
0x125: {  	v14 =	vadd.f32 v38, v14;
	v26 =	vmul.f32 v26, v3;
	v41 =	vld [tilespmem:s15+$0xFFFFF050];
	v16 =	vadd.f32 v35, v16;
	[tilespmem:s29+$0x60] =	vst v19  }
0x126: {  	v24 =	vshll.u32 v24, $0x10;
	v19 =	vadd.f32 v43, v28;
	v35 =	vld [tilespmem:s15+$0x70];
	[tilespmem:s29+$0x30] =	vst v25;
	v25 =	vmul.f32 v40, v5  }
0x127: {  	v26 =	vadd.f32 v34, v26;
	v20 =	vadd.f32 v20, v36;
	v28 =	vshll.u32 v47, $0x10;
	v38 =	vld [tilespmem:s15+$0xFFFFF060];
	[tilespmem:s29+$0xFFFFF060] =	vst v16  }
0x128: {  	v8 =	vadd.f32 v8, v39;
	v16 =	vmul.f32 v21, v3;
	v21 =	vmul.f32 v22, v4;
	v36 =	vld [tilespmem:s15+$0xFFFFF010];
	[tilespmem:s29+$0xFFFFF010] =	vst v19  }
0x129: {  	v34 =	vmul.f32 v28, v4;
	v19 =	vadd.f32 v26, v25;
	v22 =	vld [tilespmem:s30+$0x10];
	[tilespmem:s29+$0x40] =	vst v20;
	v20 =	vadd.f32 v44, v32  }
0x12a: {  	v11 =	vadd.f32 v11, v15;
	v12 =	vadd.f32 v12, v8;
	v25 =	vld [tilespmem:s15+$0xFFFFF000];
	[tilespmem:s29+$0xFFFFF000] =	vst v14;
	v14 =	vmul.f32 v37, v5  }
0x12b: {  	v8 =	vand.u32 $0xFFFF0000, v47;
	v16 =	vadd.f32 v21, v16;
	v15 =	vld [tilespmem:s15+$0x60];
	[tilespmem:s29+$0xFFFFF040] =	vst v19;
	v20 =	vadd.f32 v23, v20  }
0x12c: {  	v18 =	vand.u32 $0xFFFF0000, v18;
	v8 =	vmul.f32 v8, v4;
	v23 =	vld [tilespmem:s15+$0x20];
	v11 =	vadd.f32 v11, v14  }
0x12d: {  	v7 =	vadd.f32 v7, v16;
	v14 =	vmul.f32 v31, v4;
	v26 =	vld [tilespmem:s30+$0x30];
	[tilespmem:s29+$0x20] =	vst v12;
	v12 =	vmul.f32 v27, v3  }
0x12e: {  	v6 =	vadd.f32 v6, v13;
	v21 =	vmul.f32 v30, v3;
	v16 =	vmul.f32 v24, v4;
	v27 =	vld [tilespmem:s14+$0x30];
	[tilespmem:s29+$0xFFFFF070] =	vst v11  }
0x12f: {  	v13 =	vmul.f32 v29, v5;
	v11 =	vmul.f32 v18, v4;
	v30 =	vld [tilespmem:s30+$0xFFFFFFE0];
	[tilespmem:s29+$0x0] =	vst v7;
	v7 =	vadd.f32 v14, v9  }
0x130: {  	v14 =	vmul.f32 v25, v5;
	v12 =	vadd.f32 v16, v12;
	v9 =	vld [tilespmem:s15+$0x40];
	v19 =	vmul.f32 v15, v5;
	[tilespmem:s29+$0x50] =	vst v20  }
0x131: {  	v16 =	vmul.f32 v38, v5;
	v15 =	vld [tilespmem:s15+$0x30];
	v10 =	vadd.f32 v7, v10;
	[tilespmem:s29+$0x70] =	vst v6  }
0x132: {  	v20 =	vadd.f32 v11, v21;
	v7 =	vmul.f32 v48, v5;
	v12 =	vadd.f32 v12, v13;
	v18 =	vld [tilespmem:s14+$0xFFFFFFC0]  }
0x133: {  	v6 =	vmul.f32 v35, v5;
	v13 =	vshll.u32 v26, $0x10;
	v21 =	vld [tilespmem:s30+$0xFFFFFFC0];
	v11 =	vshll.u32 v27, $0x10  }
0x134: {  	v24 =	vand.u32 $0xFFFF0000, v26;
	v17 =	vadd.f32 v17, v20;
	v29 =	vld [tilespmem:s30+$0x20];
	v11 =	vmul.f32 v11, v4;
	[tilespmem:s29+$0xFFFFF030] =	vst v12  }
0x135: {  	v12 =	vmul.f32 v23, v5;
	v20 =	vmul.f32 v9, v5;
	v23 =	vld [tilespmem:s14+$0x20];
	v9 =	vand.u32 $0xFFFF0000, v27;
	[tilespmem:s29+$0xFFFFF050] =	vst v10  }
0x136: {  	v25 =	vmul.f32 v15, v5;
	v26 =	vld [tilespmem:s30+$0x0];
	v15 =	vmul.f32 v13, v3;
	[tilespmem:s29+$0x10] =	vst v17;
	s29 =	smov.u32 s15  }
0x137: {  	v10 =	vmul.f32 v24, v3;
	v13 =	vmul.f32 v9, v4;
	v17 =	vshll.u32 v18, $0x10;
	v27 =	vld [tilespmem:s30+$0xFFFFFFF0]  }
0x138: {  	v28 =	vshll.u32 v22, $0x10;
	v31 =	vand.u32 $0xFFFF0000, v22;
	v9 =	vshll.u32 v21, $0x10;
	v24 =	vld [tilespmem:s14+$0xFFFFFFF0]  }
0x139: {  	v22 =	vand.u32 $0xFFFF0000, v18;
	v37 =	vmul.f32 v9, v3;
	v18 =	vld [tilespmem:s14+$0xFFFFFFD0];
	v9 =	vmul.f32 v28, v3  }
0x13a: {  	v13 =	vadd.f32 v13, v10;
	v28 =	vmul.f32 v36, v5;
	v39 =	vld [tilespmem:s30+$0xFFFFFFD0];
	v32 =	vshll.u32 v23, $0x10  }
0x13b: {  	v10 =	vmul.f32 v41, v5;
	v40 =	vand.u32 $0xFFFF0000, v23;
	v38 =	vld [tilespmem:s14+$0x0];
	v35 =	vmul.f32 v32, v4  }
0x13c: {  	v23 =	vmul.f32 v33, v5;
	v36 =	vand.u32 $0xFFFF0000, v26;
	v41 =	vld [tilespmem:s15+$0x10];
	v42 =	vand.u32 $0xFFFF0000, v27  }
0x13d: {  	v33 =	vmul.f32 v17, v4;
	v46 =	vmul.f32 v40, v4;
	v43 =	vld [tilespmem:s15+$0xFFFFF020];
	v44 =	vand.u32 $0xFFFF0000, v24  }
0x13e: {  	v17 =	vshll.u32 v30, $0x10;
	v32 =	vmul.f32 v31, v3;
	v40 =	vshll.u32 v18, $0x10;
	v45 =	vld [tilespmem:s14+$0x10]  }
0x13f: {  	v48 =	vand.u32 $0xFFFF0000, v30;
	v27 =	vshll.u32 v27, $0x10;
	v47 =	vshll.u32 v39, $0x10  }
0x140: {  	v30 =	vmul.f32 v17, v3;
	v31 =	vshll.u32 v38, $0x10;
	v49 =	vand.u32 $0xFFFF0000, v38  }
0x141: {  	v17 =	vmul.f32 v41, v5;
	v41 =	vmul.f32 v42, v3;
	v42 =	vand.u32 $0xFFFF0000, v29  }
0x142: {  	v50 =	vadd.f32 v34, v30;
	v44 =	vmul.f32 v44, v4;
	v43 =	vmul.f32 v43, v5  }
.Ltmp2:
0x143: {  	v38 =	vadd.f32 v33, v37;
	v34 =	vmul.f32 v31, v4;
	v31 =	vshll.u32 v45, $0x10;
	(pc) =	sbr.rel @p0 .LBB2_7-.Ltmp2, $4  }
0x144: {  	v30 =	vand.u32 $0xFFFF0000, v39;
	v37 =	vadd.f32 v50, v43;
	v50 =	vshll.u32 v29, $0x10  }
0x145: {  	v33 =	vmul.f32 v40, v4;
	v51 =	vmul.f32 v42, v3;
	v41 =	vadd.f32 v44, v41;
	v29 =	vld [tilespmem:s15+$0xFFFFF030]  }
0x146: {  	v42 =	vmul.f32 v49, v4;
	v44 =	vand.u32 $0xFFFF0000, v45;
	v43 =	vmul.f32 v47, v3;
	[tilespmem:s15+$0xFFFFF020] =	vst v37;
	v37 =	vld [tilespmem:s15+$0xFFFFF070]  }
0x147: {  	s30 =	sadd.s32 $0x400, s30;
	s14 =	sadd.s32 $0x400, s14;
	v39 =	vmul.f32 v48, v3;
	v46 =	vadd.f32 v46, v51;
	v45 =	vmul.f32 v50, v3;
	s15 =	sadd.s32 $0x400, s15;
	v40 =	vld [tilespmem:s29+$0xFFFFF040]  }
0x148: {  	v33 =	vadd.f32 v33, v43;
	v36 =	vmul.f32 v36, v3;
	v63 =	vmul.f32 v44, v4  }
0x149: {  	v25 =	vadd.f32 v25, v41;
	v26 =	vshll.u32 v26, $0x10;
	v14 =	vadd.f32 v38, v14  }
0x14a: {  	v21 =	vand.u32 $0xFFFF0000, v21;
	v24 =	vshll.u32 v24, $0x10;
	v48 =	vmul.f32 v22, v4  }
0x14b: {  	v11 =	vadd.f32 v11, v15;
	v54 =	vand.u32 $0xFFFF0000, v18;
	v6 =	vadd.f32 v6, v13;
	[tilespmem:s29+$0x30] =	vst v25  }
0x14c: {  	v55 =	vmul.f32 v27, v3;
	v35 =	vadd.f32 v35, v45;
	v19 =	vadd.f32 v19, v46;
	[tilespmem:s29+$0xFFFFF000] =	vst v14  }
0x14d: {  	v57 =	vmul.f32 v31, v4;
	v8 =	vadd.f32 v8, v39;
	v45 =	vadd.f32 v33, v28;
	[tilespmem:s29+$0x70] =	vst v6  }
0x14e: {  	v26 =	vmul.f32 v26, v3;
	v36 =	vadd.f32 v42, v36;
	v16 =	vadd.f32 v35, v16;
	[tilespmem:s29+$0x60] =	vst v19  }
0x14f: {  	v47 =	vmul.f32 v21, v3;
	v50 =	vadd.f32 v63, v32;
	v8 =	vadd.f32 v12, v8;
	[tilespmem:s29+$0xFFFFF010] =	vst v45  }
0x150: {  	v56 =	vmul.f32 v24, v4;
	v61 =	vadd.f32 v57, v9;
	v20 =	vadd.f32 v20, v36;
	[tilespmem:s29+$0xFFFFF060] =	vst v16  }
0x151: {  	v3 =	vmul.f32 v30, v3;
	v51 =	vmul.f32 v37, v5;
	v53 =	vadd.f32 v23, v50;
	[tilespmem:s29+$0x20] =	vst v8  }
0x152: {  	v58 =	vmul.f32 v54, v4;
	v52 =	vadd.f32 v48, v47;
	v63 =	vadd.f32 v61, v10;
	[tilespmem:s29+$0x40] =	vst v20  }
0x153: {  	s5 =	sadd.s32 $0x1, s5;
	v59 =	vmul.f32 v29, v5;
	v60 =	vadd.f32 v56, v55;
	v11 =	vadd.f32 v11, v51;
	[tilespmem:s29+$0x50] =	vst v53  }
0x154: {  	p0 =	sne.s32 s5, $0x10;
	v3 =	vadd.f32 v58, v3;
	v7 =	vadd.f32 v7, v52;
	[tilespmem:s29+$0xFFFFF050] =	vst v63  }
.Ltmp3:
0x155: {  	v26 =	vadd.f32 v34, v26;
	v46 =	vmul.f32 v40, v5;
	v62 =	vadd.f32 v60, v59;
	[tilespmem:s29+$0xFFFFF070] =	vst v11;
	(pc) =	sbr.rel @p0 .LBB2_6-.Ltmp3, $4  }
0x156: {  	v3 =	vadd.f32 v17, v3;
	[tilespmem:s29+$0x0] =	vst v7  }
0x157: {  	v49 =	vadd.f32 v26, v46;
	[tilespmem:s29+$0xFFFFF030] =	vst v62  }
0x158: {  	[tilespmem:s29+$0x10] =	vst v3  }
0x159: {  	s12 =	sadd.s32 $0x1, s12;
	[tilespmem:s29+$0xFFFFF040] =	vst v49  }
0x15a: {  	s12 =	simm.s32 $0x0;
	s5 =	rddreg [dreg:$0xb];
	s13 =	simm.s32 $0xC000  }
0x15b: {  	[hbm4b:s5+s12] =	stream.linear.scatter [tilespmem:s13], [sflag:$0x9], $0x4000, $0x38;
	[tilespmem:$0x14280] =	vst v63  }
0x15c: {  	_ =	swait.ge [sflag:s10], $0x4000  }
0x15d: {  	[sflag:s10] =	ssyncset.done $0x0  }
0x15e: {  	[sflag:s10] =	ssyncadd.s32 $0xFFFFC000  }
0x15f: {  	v3 =	vld [tilespmem:$0x141B0];
	_ =	sdelay $0x4  }
0x160: {  	v4 =	vshll.u32 v3, $0x2  }
0x161: {  	v3 =	vand.u32 $0x7, v3;
	v4 =	vand.u32 $0xFFFFFFE0, v4  }
0x162: {  	v3 =	vor.u32 v3, v4  }
0x163: {  	v62 =	vld [tilespmem:$0x14230];
	v5 =	vperm.xlane v3, v0;
	_ =	sdelay $0x1  }
0x164: {  	v5 =	vadd.s32 v1, v5;
	_ =	sdelay $0x1  }
0x165: {  	v3 =	vperm.xlane v3, v2  }
0x166: {  	v6 =	vshll.u32 v62, $0x2  }
0x167: {  	s14 =	simm.s32 $0x2000;
	v6 =	vand.u32 $0xFFFFFFE0, v6;
	v4 =	vand.u32 $0x7, v62;
	v3 =	vadd.s32 v1, v3  }
0x168: {  	v4 =	vor.u32 v4, v6;
	[tilespmem:s14], [sflag:$0x2] =	stream.indirect_vreg.gather [hbm4b:s3+s12], $0x80, v5, vm0, $0xb8;
	[tilespmem:$0x14280] =	vst v63  }
0x169: {  	s15 =	simm.s32 $0x2800;
	v6 =	vperm.xlane v4, v0  }
0x16a: {  	[tilespmem:s15], [sflag:$0x2] =	stream.indirect_vreg.gather [hbm4b:s9+s12], $0x80, v5, vm0, $0xb8;
	[tilespmem:$0x14280] =	vst v63  }
0x16b: {  	s29 =	simm.s32 $0x3000;
	v63 =	vadd.s32 v1, v6  }
0x16c: {  	[tilespmem:s29], [sflag:$0x2] =	stream.indirect_vreg.gather [hbm4b:s3+s12], $0x80, v3, vm0, $0xb8;
	[tilespmem:$0x14280] =	vst v63  }
0x16d: {  	s30 =	simm.s32 $0x3800;
	v4 =	vperm.xlane v4, v2  }
0x16e: {  	[tilespmem:s30], [sflag:$0x2] =	stream.indirect_vreg.gather [hbm4b:s9+s12], $0x80, v3, vm0, $0xb8;
	[tilespmem:$0x14280] =	vst v63  }
0x16f: {  	s13 =	simm.s32 $0x6000;
	v3 =	vadd.s32 v1, v4  }
0x170: {  	[tilespmem:s13], [sflag:$0x4] =	stream.indirect_vreg.gather [hbm4b:s3+s12], $0x80, v63, vm0, $0xb8;
	[tilespmem:$0x14280] =	vst v63  }
0x171: {  	s14 =	simm.s32 $0x6800  }
0x172: {  	[tilespmem:s14], [sflag:$0x4] =	stream.indirect_vreg.gather [hbm4b:s9+s12], $0x80, v63, vm0, $0xb8;
	[tilespmem:$0x14280] =	vst v63  }
0x173: {  	s15 =	simm.s32 $0x7000  }
0x174: {  	[tilespmem:s15], [sflag:$0x4] =	stream.indirect_vreg.gather [hbm4b:s3+s12], $0x80, v3, vm0, $0xb8;
	[tilespmem:$0x14280] =	vst v63  }
0x175: {  	s29 =	simm.s32 $0x7800  }
0x176: {  	[tilespmem:s29], [sflag:$0x4] =	stream.indirect_vreg.gather [hbm4b:s9+s12], $0x80, v3, vm0, $0xb8;
	[tilespmem:$0x14280] =	vst v63  }
0x177: {  	s30 =	rddreg [dreg:$0xc]  }
0x178: {  	[tilespmem:s2], [sflag:$0x5] =	stream.linear.gather [hbm4b:s30+s12], $0x4000, $0x38;
	[tilespmem:$0x14280] =	vst v63  }
0x179: {  	_ =	swait.ge [sflag:s31], $0x2000  }
0x17a: {  	[sflag:s31] =	ssyncset.done $0x0  }
0x17b: {  	[sflag:s31] =	ssyncadd.s32 $0xFFFFE000  }
0x17c: {  	_ =	swait.ge [sflag:s0], $0x2000  }
0x17d: {  	[sflag:s0] =	ssyncset.done $0x0  }
0x17e: {  	[sflag:s0] =	ssyncadd.s32 $0xFFFFE000  }
0x17f: {  	_ =	swait.ge [sflag:s26], $0x4000  }
0x180: {  	[sflag:s26] =	ssyncset.done $0x0  }
0x181: {  	s5 =	simm.s32 $0x0;
	[sflag:s26] =	ssyncadd.s32 $0xFFFFC000  }
.LBB2_10:
0x182: {  	s13 =	sor.u32 $0x20, s5  }
0x183: {  	v5 =	vmov s13;
	_ =	sdelay $0x2  }
0x184: {  	s14 =	sshll.u32 s12, $0x9;
	s13 =	sshrl.u32 s5, $0x3  }
0x185: {  	s14 =	sand.u32 $0xE00, s14;
	s15 =	sshll.u32 s13, $0xE  }
0x186: {  	s13 =	sshll.u32 s13, $0xF;
	s15 =	sor.u32 s14, s15;
	v3 =	vld.idx.msk [tilespmem:v5+s22+$0x0], $0xffff  }
0x187: {  	s13 =	sor.u32 s14, s13;
	s15 =	sshrl.u32 s15, $0x2;
	v4 =	vld.idx.msk [tilespmem:v5+s23+$0x0], $0xffff  }
0x188: {  	s13 =	sshrl.u32 s13, $0x2;
	s14 =	sadd.s32 $0x4040, s15;
	v5 =	vld.idx.msk [tilespmem:v5+s24+$0x0], $0xffff  }
0x189: {  	s29 =	sadd.s32 $0x11000, s13;
	v6 =	vld [tilespmem:s14+$0xFFFFFFE0]  }
0x18a: {  	v7 =	vld [tilespmem:s29+$0x0]  }
0x18b: {  	v10 =	vld [tilespmem:s29+$0xFFFFF050]  }
0x18c: {  	s15 =	sor.u32 $0x40, s15;
	v11 =	vld [tilespmem:s29+$0xFFFFF060]  }
0x18d: {  	v18 =	vld [tilespmem:s15+$0x10]  }
0x18e: {  	v12 =	vld [tilespmem:s29+$0xFFFFF000]  }
0x18f: {  	v15 =	vld [tilespmem:s29+$0x60]  }
0x190: {  	v20 =	vld [tilespmem:s29+$0x20]  }
0x191: {  	v22 =	vld [tilespmem:s15+$0x30]  }
0x192: {  	v23 =	vld [tilespmem:s14+$0x30]  }
0x193: {  	v24 =	vld [tilespmem:s29+$0x40]  }
0x194: {  	v25 =	vld [tilespmem:s29+$0x30]  }
0x195: {  	v28 =	vld [tilespmem:s14+$0xFFFFFFC0]  }
0x196: {  	v30 =	vld [tilespmem:s14+$0x20]  }
0x197: {  	v26 =	vld [tilespmem:s15+$0x0]  }
0x198: {  	v34 =	vld [tilespmem:s15+$0xFFFFFFF0]  }
0x199: {  	v39 =	vld [tilespmem:s15+$0xFFFFFFD0];
	v8 =	vshll.u32 v6, $0x10;
	v14 =	vmul.f32 v12, v5;
	v19 =	vmul.f32 v15, v5  }
0x19a: {  	v43 =	vld [tilespmem:s29+$0xFFFFF020];
	v6 =	vand.u32 $0xFFFF0000, v6;
	v16 =	vmul.f32 v11, v5;
	v7 =	vmul.f32 v7, v5  }
0x19b: {  	v40 =	vld [tilespmem:s14+$0x0];
	v11 =	vshll.u32 v23, $0x10;
	v15 =	vshll.u32 v22, $0x10;
	v12 =	vmul.f32 v20, v5  }
0x19c: {  	v9 =	vld [tilespmem:s29+$0x70];
	v20 =	vmul.f32 v24, v5;
	v25 =	vmul.f32 v25, v5;
	v31 =	vshll.u32 v28, $0x10  }
0x19d: {  	v33 =	vld [tilespmem:s15+$0x20];
	v35 =	vshll.u32 v18, $0x10;
	v37 =	vand.u32 $0xFFFF0000, v18;
	v58 =	vshll.u32 v30, $0x10  }
0x19e: {  	v10 =	vmul.f32 v10, v5;
	v30 =	vand.u32 $0xFFFF0000, v30;
	v42 =	vand.u32 $0xFFFF0000, v34  }
0x19f: {  	v13 =	vld [tilespmem:s29+$0xFFFFF010];
	v36 =	vand.u32 $0xFFFF0000, v26;
	v59 =	vshll.u32 v39, $0x10;
	v43 =	vmul.f32 v43, v5  }
0x1a0: {  	v27 =	vld [tilespmem:s15+$0xFFFFFFE0];
	v60 =	vshll.u32 v40, $0x10;
	v29 =	vmul.f32 v8, v4;
	v8 =	vmul.f32 v6, v4  }
0x1a1: {  	v21 =	vld [tilespmem:s15+$0xFFFFFFC0];
	v40 =	vand.u32 $0xFFFF0000, v40;
	v6 =	vmul.f32 v9, v5;
	v11 =	vmul.f32 v11, v4  }
0x1a2: {  	v62 =	vand.u32 $0xFFFF0000, v33;
	v15 =	vmul.f32 v15, v3;
	v31 =	vmul.f32 v31, v4  }
0x1a3: {  	v17 =	vld [tilespmem:s29+$0x50];
	v9 =	vand.u32 $0xFFFF0000, v22;
	v46 =	vmul.f32 v30, v4;
	v61 =	vmul.f32 v42, v3  }
0x1a4: {  	v41 =	vld [tilespmem:s29+$0x10];
	v22 =	vand.u32 $0xFFFF0000, v23;
	v50 =	vmul.f32 v62, v3;
	v42 =	vmul.f32 v40, v4  }
0x1a5: {  	v24 =	vld [tilespmem:s14+$0xFFFFFFF0];
	v48 =	vand.u32 $0xFFFF0000, v27;
	v23 =	vmul.f32 v9, v3;
	v32 =	vmul.f32 v22, v4  }
0x1a6: {  	v18 =	vld [tilespmem:s14+$0xFFFFFFD0];
	v9 =	vshll.u32 v21, $0x10;
	v22 =	vand.u32 $0xFFFF0000, v28;
	v28 =	vmul.f32 v13, v5  }
0x1a7: {  	v47 =	vld [tilespmem:s14+$0x10];
	v49 =	vshll.u32 v33, $0x10;
	v38 =	vmul.f32 v9, v3;
	v9 =	vmul.f32 v35, v3  }
0x1a8: {  	v13 =	vadd.f32 v32, v23;
	v23 =	vmul.f32 v17, v5;
	v17 =	vshll.u32 v27, $0x10  }
0x1a9: {  	v35 =	vmul.f32 v58, v4;
	v46 =	vadd.f32 v46, v50;
	v30 =	vmul.f32 v17, v3  }
0x1aa: {  	v32 =	vmul.f32 v37, v3;
	v27 =	vshll.u32 v34, $0x10;
	v34 =	vmul.f32 v60, v4  }
0x1ab: {  	v44 =	vand.u32 $0xFFFF0000, v24;
	v45 =	vshll.u32 v18, $0x10;
	v29 =	vadd.f32 v29, v30  }
0x1ac: {  	v17 =	vmul.f32 v41, v5;
	v38 =	vadd.f32 v31, v38;
	v31 =	vshll.u32 v47, $0x10  }
0x1ad: {  	v40 =	vld [tilespmem:s29+$0xFFFFF040];
	v44 =	vmul.f32 v44, v4;
	v33 =	vmul.f32 v45, v4;
	v63 =	vadd.f32 v29, v43  }
0x1ae: {  	s13 =	simm.s32 $0x0;
	v37 =	vld [tilespmem:s29+$0xFFFFF070];
	v45 =	vmul.f32 v49, v3;
	v30 =	vand.u32 $0xFFFF0000, v39;
	v43 =	vmul.f32 v59, v3  }
0x1af: {  	s30 =	sadd.s32 $0x400, s15;
	s15 =	sadd.s32 $0x400, s29;
	s14 =	sadd.s32 $0x400, s14;
	v39 =	vmul.f32 v48, v3;
	v41 =	vadd.f32 v44, v61;
	v44 =	vand.u32 $0xFFFF0000, v47;
	v29 =	vld [tilespmem:s29+$0xFFFFF030];
	[tilespmem:s29+$0xFFFFF020] =	vst v63  }
.LBB2_11:
0x1b0: {  	v47 =	vld [tilespmem:s14+$0xFFFFFFE0];
	s13 =	sadd.s32 $0x8, s13;
	v43 =	vadd.f32 v33, v43;
	v36 =	vmul.f32 v36, v3;
	v44 =	vmul.f32 v44, v4  }
0x1b1: {  	v21 =	vand.u32 $0xFFFF0000, v21;
	v48 =	vld [tilespmem:s15+$0x0];
	p0 =	slt.u32 s13, $0x18;
	v35 =	vadd.f32 v35, v45;
	v19 =	vadd.f32 v19, v46  }
0x1b2: {  	v25 =	vadd.f32 v25, v41;
	v26 =	vshll.u32 v26, $0x10;
	v33 =	vld [tilespmem:s15+$0x50];
	v36 =	vadd.f32 v42, v36  }
0x1b3: {  	v14 =	vadd.f32 v38, v14;
	v26 =	vmul.f32 v26, v3;
	v41 =	vld [tilespmem:s15+$0xFFFFF050];
	v16 =	vadd.f32 v35, v16;
	[tilespmem:s29+$0x60] =	vst v19  }
0x1b4: {  	v24 =	vshll.u32 v24, $0x10;
	v19 =	vadd.f32 v43, v28;
	v35 =	vld [tilespmem:s15+$0x70];
	[tilespmem:s29+$0x30] =	vst v25;
	v25 =	vmul.f32 v40, v5  }
0x1b5: {  	v26 =	vadd.f32 v34, v26;
	v20 =	vadd.f32 v20, v36;
	v28 =	vshll.u32 v47, $0x10;
	v38 =	vld [tilespmem:s15+$0xFFFFF060];
	[tilespmem:s29+$0xFFFFF060] =	vst v16  }
0x1b6: {  	v8 =	vadd.f32 v8, v39;
	v16 =	vmul.f32 v21, v3;
	v21 =	vmul.f32 v22, v4;
	v36 =	vld [tilespmem:s15+$0xFFFFF010];
	[tilespmem:s29+$0xFFFFF010] =	vst v19  }
0x1b7: {  	v34 =	vmul.f32 v28, v4;
	v19 =	vadd.f32 v26, v25;
	v22 =	vld [tilespmem:s30+$0x10];
	[tilespmem:s29+$0x40] =	vst v20;
	v20 =	vadd.f32 v44, v32  }
0x1b8: {  	v11 =	vadd.f32 v11, v15;
	v12 =	vadd.f32 v12, v8;
	v25 =	vld [tilespmem:s15+$0xFFFFF000];
	[tilespmem:s29+$0xFFFFF000] =	vst v14;
	v14 =	vmul.f32 v37, v5  }
0x1b9: {  	v8 =	vand.u32 $0xFFFF0000, v47;
	v16 =	vadd.f32 v21, v16;
	v15 =	vld [tilespmem:s15+$0x60];
	[tilespmem:s29+$0xFFFFF040] =	vst v19;
	v20 =	vadd.f32 v23, v20  }
0x1ba: {  	v18 =	vand.u32 $0xFFFF0000, v18;
	v8 =	vmul.f32 v8, v4;
	v23 =	vld [tilespmem:s15+$0x20];
	v11 =	vadd.f32 v11, v14  }
0x1bb: {  	v7 =	vadd.f32 v7, v16;
	v14 =	vmul.f32 v31, v4;
	v26 =	vld [tilespmem:s30+$0x30];
	[tilespmem:s29+$0x20] =	vst v12;
	v12 =	vmul.f32 v27, v3  }
0x1bc: {  	v6 =	vadd.f32 v6, v13;
	v21 =	vmul.f32 v30, v3;
	v16 =	vmul.f32 v24, v4;
	v27 =	vld [tilespmem:s14+$0x30];
	[tilespmem:s29+$0xFFFFF070] =	vst v11  }
0x1bd: {  	v13 =	vmul.f32 v29, v5;
	v11 =	vmul.f32 v18, v4;
	v30 =	vld [tilespmem:s30+$0xFFFFFFE0];
	[tilespmem:s29+$0x0] =	vst v7;
	v7 =	vadd.f32 v14, v9  }
0x1be: {  	v14 =	vmul.f32 v25, v5;
	v12 =	vadd.f32 v16, v12;
	v9 =	vld [tilespmem:s15+$0x40];
	v19 =	vmul.f32 v15, v5;
	[tilespmem:s29+$0x50] =	vst v20  }
0x1bf: {  	v16 =	vmul.f32 v38, v5;
	v15 =	vld [tilespmem:s15+$0x30];
	v10 =	vadd.f32 v7, v10;
	[tilespmem:s29+$0x70] =	vst v6  }
0x1c0: {  	v20 =	vadd.f32 v11, v21;
	v7 =	vmul.f32 v48, v5;
	v12 =	vadd.f32 v12, v13;
	v18 =	vld [tilespmem:s14+$0xFFFFFFC0]  }
0x1c1: {  	v6 =	vmul.f32 v35, v5;
	v13 =	vshll.u32 v26, $0x10;
	v21 =	vld [tilespmem:s30+$0xFFFFFFC0];
	v11 =	vshll.u32 v27, $0x10  }
0x1c2: {  	v24 =	vand.u32 $0xFFFF0000, v26;
	v17 =	vadd.f32 v17, v20;
	v29 =	vld [tilespmem:s30+$0x20];
	v11 =	vmul.f32 v11, v4;
	[tilespmem:s29+$0xFFFFF030] =	vst v12  }
0x1c3: {  	v12 =	vmul.f32 v23, v5;
	v20 =	vmul.f32 v9, v5;
	v23 =	vld [tilespmem:s14+$0x20];
	v9 =	vand.u32 $0xFFFF0000, v27;
	[tilespmem:s29+$0xFFFFF050] =	vst v10  }
0x1c4: {  	v25 =	vmul.f32 v15, v5;
	v26 =	vld [tilespmem:s30+$0x0];
	v15 =	vmul.f32 v13, v3;
	[tilespmem:s29+$0x10] =	vst v17;
	s29 =	smov.u32 s15  }
0x1c5: {  	v10 =	vmul.f32 v24, v3;
	v13 =	vmul.f32 v9, v4;
	v17 =	vshll.u32 v18, $0x10;
	v27 =	vld [tilespmem:s30+$0xFFFFFFF0]  }
0x1c6: {  	v28 =	vshll.u32 v22, $0x10;
	v31 =	vand.u32 $0xFFFF0000, v22;
	v9 =	vshll.u32 v21, $0x10;
	v24 =	vld [tilespmem:s14+$0xFFFFFFF0]  }
0x1c7: {  	v22 =	vand.u32 $0xFFFF0000, v18;
	v37 =	vmul.f32 v9, v3;
	v18 =	vld [tilespmem:s14+$0xFFFFFFD0];
	v9 =	vmul.f32 v28, v3  }
0x1c8: {  	v13 =	vadd.f32 v13, v10;
	v28 =	vmul.f32 v36, v5;
	v39 =	vld [tilespmem:s30+$0xFFFFFFD0];
	v32 =	vshll.u32 v23, $0x10  }
0x1c9: {  	v10 =	vmul.f32 v41, v5;
	v40 =	vand.u32 $0xFFFF0000, v23;
	v38 =	vld [tilespmem:s14+$0x0];
	v35 =	vmul.f32 v32, v4  }
0x1ca: {  	v23 =	vmul.f32 v33, v5;
	v36 =	vand.u32 $0xFFFF0000, v26;
	v41 =	vld [tilespmem:s15+$0x10];
	v42 =	vand.u32 $0xFFFF0000, v27  }
0x1cb: {  	v33 =	vmul.f32 v17, v4;
	v46 =	vmul.f32 v40, v4;
	v43 =	vld [tilespmem:s15+$0xFFFFF020];
	v44 =	vand.u32 $0xFFFF0000, v24  }
0x1cc: {  	v17 =	vshll.u32 v30, $0x10;
	v32 =	vmul.f32 v31, v3;
	v40 =	vshll.u32 v18, $0x10;
	v45 =	vld [tilespmem:s14+$0x10]  }
0x1cd: {  	v48 =	vand.u32 $0xFFFF0000, v30;
	v27 =	vshll.u32 v27, $0x10;
	v47 =	vshll.u32 v39, $0x10  }
0x1ce: {  	v30 =	vmul.f32 v17, v3;
	v31 =	vshll.u32 v38, $0x10;
	v49 =	vand.u32 $0xFFFF0000, v38  }
0x1cf: {  	v17 =	vmul.f32 v41, v5;
	v41 =	vmul.f32 v42, v3;
	v42 =	vand.u32 $0xFFFF0000, v29  }
0x1d0: {  	v50 =	vadd.f32 v34, v30;
	v44 =	vmul.f32 v44, v4;
	v43 =	vmul.f32 v43, v5  }
.Ltmp4:
0x1d1: {  	v38 =	vadd.f32 v33, v37;
	v34 =	vmul.f32 v31, v4;
	v31 =	vshll.u32 v45, $0x10;
	(pc) =	sbr.rel @p0 .LBB2_11-.Ltmp4, $4  }
0x1d2: {  	v30 =	vand.u32 $0xFFFF0000, v39;
	v37 =	vadd.f32 v50, v43;
	v50 =	vshll.u32 v29, $0x10  }
0x1d3: {  	v33 =	vmul.f32 v40, v4;
	v51 =	vmul.f32 v42, v3;
	v41 =	vadd.f32 v44, v41;
	v29 =	vld [tilespmem:s15+$0xFFFFF030]  }
0x1d4: {  	v42 =	vmul.f32 v49, v4;
	v44 =	vand.u32 $0xFFFF0000, v45;
	v43 =	vmul.f32 v47, v3;
	[tilespmem:s15+$0xFFFFF020] =	vst v37;
	v37 =	vld [tilespmem:s15+$0xFFFFF070]  }
0x1d5: {  	s30 =	sadd.s32 $0x400, s30;
	s14 =	sadd.s32 $0x400, s14;
	v39 =	vmul.f32 v48, v3;
	v46 =	vadd.f32 v46, v51;
	v45 =	vmul.f32 v50, v3;
	s15 =	sadd.s32 $0x400, s15;
	v40 =	vld [tilespmem:s29+$0xFFFFF040]  }
0x1d6: {  	v33 =	vadd.f32 v33, v43;
	v36 =	vmul.f32 v36, v3;
	v63 =	vmul.f32 v44, v4  }
0x1d7: {  	v25 =	vadd.f32 v25, v41;
	v26 =	vshll.u32 v26, $0x10;
	v14 =	vadd.f32 v38, v14  }
0x1d8: {  	v21 =	vand.u32 $0xFFFF0000, v21;
	v24 =	vshll.u32 v24, $0x10;
	v48 =	vmul.f32 v22, v4  }
0x1d9: {  	v11 =	vadd.f32 v11, v15;
	v54 =	vand.u32 $0xFFFF0000, v18;
	v6 =	vadd.f32 v6, v13;
	[tilespmem:s29+$0x30] =	vst v25  }
0x1da: {  	v55 =	vmul.f32 v27, v3;
	v35 =	vadd.f32 v35, v45;
	v19 =	vadd.f32 v19, v46;
	[tilespmem:s29+$0xFFFFF000] =	vst v14  }
0x1db: {  	v57 =	vmul.f32 v31, v4;
	v8 =	vadd.f32 v8, v39;
	v45 =	vadd.f32 v33, v28;
	[tilespmem:s29+$0x70] =	vst v6  }
0x1dc: {  	v26 =	vmul.f32 v26, v3;
	v36 =	vadd.f32 v42, v36;
	v16 =	vadd.f32 v35, v16;
	[tilespmem:s29+$0x60] =	vst v19  }
0x1dd: {  	v47 =	vmul.f32 v21, v3;
	v50 =	vadd.f32 v63, v32;
	v8 =	vadd.f32 v12, v8;
	[tilespmem:s29+$0xFFFFF010] =	vst v45  }
0x1de: {  	v56 =	vmul.f32 v24, v4;
	v61 =	vadd.f32 v57, v9;
	v20 =	vadd.f32 v20, v36;
	[tilespmem:s29+$0xFFFFF060] =	vst v16  }
0x1df: {  	v3 =	vmul.f32 v30, v3;
	v51 =	vmul.f32 v37, v5;
	v53 =	vadd.f32 v23, v50;
	[tilespmem:s29+$0x20] =	vst v8  }
0x1e0: {  	v58 =	vmul.f32 v54, v4;
	v52 =	vadd.f32 v48, v47;
	v63 =	vadd.f32 v61, v10;
	[tilespmem:s29+$0x40] =	vst v20  }
0x1e1: {  	s5 =	sadd.s32 $0x1, s5;
	v59 =	vmul.f32 v29, v5;
	v60 =	vadd.f32 v56, v55;
	v11 =	vadd.f32 v11, v51;
	[tilespmem:s29+$0x50] =	vst v53  }
0x1e2: {  	p0 =	sne.s32 s5, $0x10;
	v3 =	vadd.f32 v58, v3;
	v7 =	vadd.f32 v7, v52;
	[tilespmem:s29+$0xFFFFF050] =	vst v63  }
.Ltmp5:
0x1e3: {  	v26 =	vadd.f32 v34, v26;
	v46 =	vmul.f32 v40, v5;
	v62 =	vadd.f32 v60, v59;
	[tilespmem:s29+$0xFFFFF070] =	vst v11;
	(pc) =	sbr.rel @p0 .LBB2_10-.Ltmp5, $4  }
0x1e4: {  	v3 =	vadd.f32 v17, v3;
	[tilespmem:s29+$0x0] =	vst v7  }
0x1e5: {  	v49 =	vadd.f32 v26, v46;
	[tilespmem:s29+$0xFFFFF030] =	vst v62  }
0x1e6: {  	[tilespmem:s29+$0x10] =	vst v3  }
0x1e7: {  	s12 =	sadd.s32 $0x1, s12;
	[tilespmem:s29+$0xFFFFF040] =	vst v49  }
0x1e8: {  	s12 =	simm.s32 $0x0  }
0x1e9: {  	[hbm4b:s16+s12] =	stream.linear.scatter [tilespmem:s8], [sflag:$0xA], $0x4000, $0x38;
	[tilespmem:$0x14280] =	vst v63  }
0x1ea: {  	_ =	swait.ge [sflag:s19], $0x2000  }
0x1eb: {  	[sflag:s19] =	ssyncset.done $0x0  }
0x1ec: {  	[sflag:s19] =	ssyncadd.s32 $0xFFFFE000  }
0x1ed: {  	_ =	swait.ge [sflag:s21], $0x2000  }
0x1ee: {  	[sflag:s21] =	ssyncset.done $0x0  }
0x1ef: {  	[sflag:s21] =	ssyncadd.s32 $0xFFFFE000  }
0x1f0: {  	_ =	swait.ge [sflag:s7], $0x4000  }
0x1f1: {  	[sflag:s7] =	ssyncset.done $0x0  }
0x1f2: {  	s5 =	simm.s32 $0x0;
	[sflag:s7] =	ssyncadd.s32 $0xFFFFC000  }
.LBB2_14:
0x1f3: {  	s13 =	sor.u32 $0x30, s5  }
0x1f4: {  	v5 =	vmov s13;
	_ =	sdelay $0x2  }
0x1f5: {  	s14 =	sshll.u32 s12, $0x9;
	s13 =	sshrl.u32 s5, $0x3  }
0x1f6: {  	s14 =	sand.u32 $0xE00, s14;
	s15 =	sshll.u32 s13, $0xE  }
0x1f7: {  	s13 =	sshll.u32 s13, $0xF;
	s15 =	sor.u32 s14, s15;
	v3 =	vld.idx.msk [tilespmem:v5+s22+$0x0], $0xffff  }
0x1f8: {  	s13 =	sor.u32 s14, s13;
	s15 =	sshrl.u32 s15, $0x2;
	v4 =	vld.idx.msk [tilespmem:v5+s23+$0x0], $0xffff  }
0x1f9: {  	s13 =	sshrl.u32 s13, $0x2;
	s14 =	sadd.s32 $0x6040, s15;
	v5 =	vld.idx.msk [tilespmem:v5+s24+$0x0], $0xffff  }
0x1fa: {  	s29 =	sadd.s32 $0x9000, s13;
	v6 =	vld [tilespmem:s14+$0xFFFFFFE0]  }
0x1fb: {  	v7 =	vld [tilespmem:s29+$0x0]  }
0x1fc: {  	v10 =	vld [tilespmem:s29+$0xFFFFF050]  }
0x1fd: {  	s15 =	sadd.s32 $0x2040, s15;
	v11 =	vld [tilespmem:s29+$0xFFFFF060]  }
0x1fe: {  	v18 =	vld [tilespmem:s15+$0x10]  }
0x1ff: {  	v12 =	vld [tilespmem:s29+$0xFFFFF000]  }
0x200: {  	v15 =	vld [tilespmem:s29+$0x60]  }
0x201: {  	v20 =	vld [tilespmem:s29+$0x20]  }
0x202: {  	v22 =	vld [tilespmem:s15+$0x30]  }
0x203: {  	v23 =	vld [tilespmem:s14+$0x30]  }
0x204: {  	v24 =	vld [tilespmem:s29+$0x40]  }
0x205: {  	v25 =	vld [tilespmem:s29+$0x30]  }
0x206: {  	v28 =	vld [tilespmem:s14+$0xFFFFFFC0]  }
0x207: {  	v30 =	vld [tilespmem:s14+$0x20]  }
0x208: {  	v26 =	vld [tilespmem:s15+$0x0]  }
0x209: {  	v34 =	vld [tilespmem:s15+$0xFFFFFFF0]  }
0x20a: {  	v39 =	vld [tilespmem:s15+$0xFFFFFFD0];
	v8 =	vshll.u32 v6, $0x10;
	v14 =	vmul.f32 v12, v5;
	v19 =	vmul.f32 v15, v5  }
0x20b: {  	v43 =	vld [tilespmem:s29+$0xFFFFF020];
	v6 =	vand.u32 $0xFFFF0000, v6;
	v16 =	vmul.f32 v11, v5;
	v7 =	vmul.f32 v7, v5  }
0x20c: {  	v40 =	vld [tilespmem:s14+$0x0];
	v11 =	vshll.u32 v23, $0x10;
	v15 =	vshll.u32 v22, $0x10;
	v12 =	vmul.f32 v20, v5  }
0x20d: {  	v9 =	vld [tilespmem:s29+$0x70];
	v20 =	vmul.f32 v24, v5;
	v25 =	vmul.f32 v25, v5;
	v31 =	vshll.u32 v28, $0x10  }
0x20e: {  	v33 =	vld [tilespmem:s15+$0x20];
	v35 =	vshll.u32 v18, $0x10;
	v37 =	vand.u32 $0xFFFF0000, v18;
	v58 =	vshll.u32 v30, $0x10  }
0x20f: {  	v10 =	vmul.f32 v10, v5;
	v30 =	vand.u32 $0xFFFF0000, v30;
	v42 =	vand.u32 $0xFFFF0000, v34  }
0x210: {  	v13 =	vld [tilespmem:s29+$0xFFFFF010];
	v36 =	vand.u32 $0xFFFF0000, v26;
	v59 =	vshll.u32 v39, $0x10;
	v43 =	vmul.f32 v43, v5  }
0x211: {  	v27 =	vld [tilespmem:s15+$0xFFFFFFE0];
	v60 =	vshll.u32 v40, $0x10;
	v29 =	vmul.f32 v8, v4;
	v8 =	vmul.f32 v6, v4  }
0x212: {  	v21 =	vld [tilespmem:s15+$0xFFFFFFC0];
	v40 =	vand.u32 $0xFFFF0000, v40;
	v6 =	vmul.f32 v9, v5;
	v11 =	vmul.f32 v11, v4  }
0x213: {  	v62 =	vand.u32 $0xFFFF0000, v33;
	v15 =	vmul.f32 v15, v3;
	v31 =	vmul.f32 v31, v4  }
0x214: {  	v17 =	vld [tilespmem:s29+$0x50];
	v9 =	vand.u32 $0xFFFF0000, v22;
	v46 =	vmul.f32 v30, v4;
	v61 =	vmul.f32 v42, v3  }
0x215: {  	v41 =	vld [tilespmem:s29+$0x10];
	v22 =	vand.u32 $0xFFFF0000, v23;
	v50 =	vmul.f32 v62, v3;
	v42 =	vmul.f32 v40, v4  }
0x216: {  	v24 =	vld [tilespmem:s14+$0xFFFFFFF0];
	v48 =	vand.u32 $0xFFFF0000, v27;
	v23 =	vmul.f32 v9, v3;
	v32 =	vmul.f32 v22, v4  }
0x217: {  	v18 =	vld [tilespmem:s14+$0xFFFFFFD0];
	v9 =	vshll.u32 v21, $0x10;
	v22 =	vand.u32 $0xFFFF0000, v28;
	v28 =	vmul.f32 v13, v5  }
0x218: {  	v47 =	vld [tilespmem:s14+$0x10];
	v49 =	vshll.u32 v33, $0x10;
	v38 =	vmul.f32 v9, v3;
	v9 =	vmul.f32 v35, v3  }
0x219: {  	v13 =	vadd.f32 v32, v23;
	v23 =	vmul.f32 v17, v5;
	v17 =	vshll.u32 v27, $0x10  }
0x21a: {  	v35 =	vmul.f32 v58, v4;
	v46 =	vadd.f32 v46, v50;
	v30 =	vmul.f32 v17, v3  }
0x21b: {  	v32 =	vmul.f32 v37, v3;
	v27 =	vshll.u32 v34, $0x10;
	v34 =	vmul.f32 v60, v4  }
0x21c: {  	v44 =	vand.u32 $0xFFFF0000, v24;
	v45 =	vshll.u32 v18, $0x10;
	v29 =	vadd.f32 v29, v30  }
0x21d: {  	v17 =	vmul.f32 v41, v5;
	v38 =	vadd.f32 v31, v38;
	v31 =	vshll.u32 v47, $0x10  }
0x21e: {  	v40 =	vld [tilespmem:s29+$0xFFFFF040];
	v44 =	vmul.f32 v44, v4;
	v33 =	vmul.f32 v45, v4;
	v63 =	vadd.f32 v29, v43  }
0x21f: {  	s13 =	simm.s32 $0x0;
	v37 =	vld [tilespmem:s29+$0xFFFFF070];
	v45 =	vmul.f32 v49, v3;
	v30 =	vand.u32 $0xFFFF0000, v39;
	v43 =	vmul.f32 v59, v3  }
0x220: {  	s30 =	sadd.s32 $0x400, s15;
	s15 =	sadd.s32 $0x400, s29;
	s14 =	sadd.s32 $0x400, s14;
	v39 =	vmul.f32 v48, v3;
	v41 =	vadd.f32 v44, v61;
	v44 =	vand.u32 $0xFFFF0000, v47;
	v29 =	vld [tilespmem:s29+$0xFFFFF030];
	[tilespmem:s29+$0xFFFFF020] =	vst v63  }
.LBB2_15:
0x221: {  	v47 =	vld [tilespmem:s14+$0xFFFFFFE0];
	s13 =	sadd.s32 $0x8, s13;
	v43 =	vadd.f32 v33, v43;
	v36 =	vmul.f32 v36, v3;
	v44 =	vmul.f32 v44, v4  }
0x222: {  	v21 =	vand.u32 $0xFFFF0000, v21;
	v48 =	vld [tilespmem:s15+$0x0];
	p0 =	slt.u32 s13, $0x18;
	v35 =	vadd.f32 v35, v45;
	v19 =	vadd.f32 v19, v46  }
0x223: {  	v25 =	vadd.f32 v25, v41;
	v26 =	vshll.u32 v26, $0x10;
	v33 =	vld [tilespmem:s15+$0x50];
	v36 =	vadd.f32 v42, v36  }
0x224: {  	v14 =	vadd.f32 v38, v14;
	v26 =	vmul.f32 v26, v3;
	v41 =	vld [tilespmem:s15+$0xFFFFF050];
	v16 =	vadd.f32 v35, v16;
	[tilespmem:s29+$0x60] =	vst v19  }
0x225: {  	v24 =	vshll.u32 v24, $0x10;
	v19 =	vadd.f32 v43, v28;
	v35 =	vld [tilespmem:s15+$0x70];
	[tilespmem:s29+$0x30] =	vst v25;
	v25 =	vmul.f32 v40, v5  }
0x226: {  	v26 =	vadd.f32 v34, v26;
	v20 =	vadd.f32 v20, v36;
	v28 =	vshll.u32 v47, $0x10;
	v38 =	vld [tilespmem:s15+$0xFFFFF060];
	[tilespmem:s29+$0xFFFFF060] =	vst v16  }
0x227: {  	v8 =	vadd.f32 v8, v39;
	v16 =	vmul.f32 v21, v3;
	v21 =	vmul.f32 v22, v4;
	v36 =	vld [tilespmem:s15+$0xFFFFF010];
	[tilespmem:s29+$0xFFFFF010] =	vst v19  }
0x228: {  	v34 =	vmul.f32 v28, v4;
	v19 =	vadd.f32 v26, v25;
	v22 =	vld [tilespmem:s30+$0x10];
	[tilespmem:s29+$0x40] =	vst v20;
	v20 =	vadd.f32 v44, v32  }
0x229: {  	v11 =	vadd.f32 v11, v15;
	v12 =	vadd.f32 v12, v8;
	v25 =	vld [tilespmem:s15+$0xFFFFF000];
	[tilespmem:s29+$0xFFFFF000] =	vst v14;
	v14 =	vmul.f32 v37, v5  }
0x22a: {  	v8 =	vand.u32 $0xFFFF0000, v47;
	v16 =	vadd.f32 v21, v16;
	v15 =	vld [tilespmem:s15+$0x60];
	[tilespmem:s29+$0xFFFFF040] =	vst v19;
	v20 =	vadd.f32 v23, v20  }
0x22b: {  	v18 =	vand.u32 $0xFFFF0000, v18;
	v8 =	vmul.f32 v8, v4;
	v23 =	vld [tilespmem:s15+$0x20];
	v11 =	vadd.f32 v11, v14  }
0x22c: {  	v7 =	vadd.f32 v7, v16;
	v14 =	vmul.f32 v31, v4;
	v26 =	vld [tilespmem:s30+$0x30];
	[tilespmem:s29+$0x20] =	vst v12;
	v12 =	vmul.f32 v27, v3  }
0x22d: {  	v6 =	vadd.f32 v6, v13;
	v21 =	vmul.f32 v30, v3;
	v16 =	vmul.f32 v24, v4;
	v27 =	vld [tilespmem:s14+$0x30];
	[tilespmem:s29+$0xFFFFF070] =	vst v11  }
0x22e: {  	v13 =	vmul.f32 v29, v5;
	v11 =	vmul.f32 v18, v4;
	v30 =	vld [tilespmem:s30+$0xFFFFFFE0];
	[tilespmem:s29+$0x0] =	vst v7;
	v7 =	vadd.f32 v14, v9  }
0x22f: {  	v14 =	vmul.f32 v25, v5;
	v12 =	vadd.f32 v16, v12;
	v9 =	vld [tilespmem:s15+$0x40];
	v19 =	vmul.f32 v15, v5;
	[tilespmem:s29+$0x50] =	vst v20  }
0x230: {  	v16 =	vmul.f32 v38, v5;
	v15 =	vld [tilespmem:s15+$0x30];
	v10 =	vadd.f32 v7, v10;
	[tilespmem:s29+$0x70] =	vst v6  }
0x231: {  	v20 =	vadd.f32 v11, v21;
	v7 =	vmul.f32 v48, v5;
	v12 =	vadd.f32 v12, v13;
	v18 =	vld [tilespmem:s14+$0xFFFFFFC0]  }
0x232: {  	v6 =	vmul.f32 v35, v5;
	v13 =	vshll.u32 v26, $0x10;
	v21 =	vld [tilespmem:s30+$0xFFFFFFC0];
	v11 =	vshll.u32 v27, $0x10  }
0x233: {  	v24 =	vand.u32 $0xFFFF0000, v26;
	v17 =	vadd.f32 v17, v20;
	v29 =	vld [tilespmem:s30+$0x20];
	v11 =	vmul.f32 v11, v4;
	[tilespmem:s29+$0xFFFFF030] =	vst v12  }
0x234: {  	v12 =	vmul.f32 v23, v5;
	v20 =	vmul.f32 v9, v5;
	v23 =	vld [tilespmem:s14+$0x20];
	v9 =	vand.u32 $0xFFFF0000, v27;
	[tilespmem:s29+$0xFFFFF050] =	vst v10  }
0x235: {  	v25 =	vmul.f32 v15, v5;
	v26 =	vld [tilespmem:s30+$0x0];
	v15 =	vmul.f32 v13, v3;
	[tilespmem:s29+$0x10] =	vst v17;
	s29 =	smov.u32 s15  }
0x236: {  	v10 =	vmul.f32 v24, v3;
	v13 =	vmul.f32 v9, v4;
	v17 =	vshll.u32 v18, $0x10;
	v27 =	vld [tilespmem:s30+$0xFFFFFFF0]  }
0x237: {  	v28 =	vshll.u32 v22, $0x10;
	v31 =	vand.u32 $0xFFFF0000, v22;
	v9 =	vshll.u32 v21, $0x10;
	v24 =	vld [tilespmem:s14+$0xFFFFFFF0]  }
0x238: {  	v22 =	vand.u32 $0xFFFF0000, v18;
	v37 =	vmul.f32 v9, v3;
	v18 =	vld [tilespmem:s14+$0xFFFFFFD0];
	v9 =	vmul.f32 v28, v3  }
0x239: {  	v13 =	vadd.f32 v13, v10;
	v28 =	vmul.f32 v36, v5;
	v39 =	vld [tilespmem:s30+$0xFFFFFFD0];
	v32 =	vshll.u32 v23, $0x10  }
0x23a: {  	v10 =	vmul.f32 v41, v5;
	v40 =	vand.u32 $0xFFFF0000, v23;
	v38 =	vld [tilespmem:s14+$0x0];
	v35 =	vmul.f32 v32, v4  }
0x23b: {  	v23 =	vmul.f32 v33, v5;
	v36 =	vand.u32 $0xFFFF0000, v26;
	v41 =	vld [tilespmem:s15+$0x10];
	v42 =	vand.u32 $0xFFFF0000, v27  }
0x23c: {  	v33 =	vmul.f32 v17, v4;
	v46 =	vmul.f32 v40, v4;
	v43 =	vld [tilespmem:s15+$0xFFFFF020];
	v44 =	vand.u32 $0xFFFF0000, v24  }
0x23d: {  	v17 =	vshll.u32 v30, $0x10;
	v32 =	vmul.f32 v31, v3;
	v40 =	vshll.u32 v18, $0x10;
	v45 =	vld [tilespmem:s14+$0x10]  }
0x23e: {  	v48 =	vand.u32 $0xFFFF0000, v30;
	v27 =	vshll.u32 v27, $0x10;
	v47 =	vshll.u32 v39, $0x10  }
0x23f: {  	v30 =	vmul.f32 v17, v3;
	v31 =	vshll.u32 v38, $0x10;
	v49 =	vand.u32 $0xFFFF0000, v38  }
0x240: {  	v17 =	vmul.f32 v41, v5;
	v41 =	vmul.f32 v42, v3;
	v42 =	vand.u32 $0xFFFF0000, v29  }
0x241: {  	v50 =	vadd.f32 v34, v30;
	v44 =	vmul.f32 v44, v4;
	v43 =	vmul.f32 v43, v5  }
.Ltmp6:
0x242: {  	v38 =	vadd.f32 v33, v37;
	v34 =	vmul.f32 v31, v4;
	v31 =	vshll.u32 v45, $0x10;
	(pc) =	sbr.rel @p0 .LBB2_15-.Ltmp6, $4  }
0x243: {  	v30 =	vand.u32 $0xFFFF0000, v39;
	v37 =	vadd.f32 v50, v43;
	v50 =	vshll.u32 v29, $0x10  }
0x244: {  	v33 =	vmul.f32 v40, v4;
	v51 =	vmul.f32 v42, v3;
	v41 =	vadd.f32 v44, v41;
	v29 =	vld [tilespmem:s15+$0xFFFFF030]  }
0x245: {  	v42 =	vmul.f32 v49, v4;
	v44 =	vand.u32 $0xFFFF0000, v45;
	v43 =	vmul.f32 v47, v3;
	[tilespmem:s15+$0xFFFFF020] =	vst v37;
	v37 =	vld [tilespmem:s15+$0xFFFFF070]  }
0x246: {  	s30 =	sadd.s32 $0x400, s30;
	s14 =	sadd.s32 $0x400, s14;
	v39 =	vmul.f32 v48, v3;
	v46 =	vadd.f32 v46, v51;
	v45 =	vmul.f32 v50, v3;
	s15 =	sadd.s32 $0x400, s15;
	v40 =	vld [tilespmem:s29+$0xFFFFF040]  }
0x247: {  	v33 =	vadd.f32 v33, v43;
	v36 =	vmul.f32 v36, v3;
	v63 =	vmul.f32 v44, v4  }
0x248: {  	v25 =	vadd.f32 v25, v41;
	v26 =	vshll.u32 v26, $0x10;
	v14 =	vadd.f32 v38, v14  }
0x249: {  	v21 =	vand.u32 $0xFFFF0000, v21;
	v24 =	vshll.u32 v24, $0x10;
	v48 =	vmul.f32 v22, v4  }
0x24a: {  	v11 =	vadd.f32 v11, v15;
	v54 =	vand.u32 $0xFFFF0000, v18;
	v6 =	vadd.f32 v6, v13;
	[tilespmem:s29+$0x30] =	vst v25  }
0x24b: {  	v55 =	vmul.f32 v27, v3;
	v35 =	vadd.f32 v35, v45;
	v19 =	vadd.f32 v19, v46;
	[tilespmem:s29+$0xFFFFF000] =	vst v14  }
0x24c: {  	v57 =	vmul.f32 v31, v4;
	v8 =	vadd.f32 v8, v39;
	v45 =	vadd.f32 v33, v28;
	[tilespmem:s29+$0x70] =	vst v6  }
0x24d: {  	v26 =	vmul.f32 v26, v3;
	v36 =	vadd.f32 v42, v36;
	v16 =	vadd.f32 v35, v16;
	[tilespmem:s29+$0x60] =	vst v19  }
0x24e: {  	v47 =	vmul.f32 v21, v3;
	v50 =	vadd.f32 v63, v32;
	v8 =	vadd.f32 v12, v8;
	[tilespmem:s29+$0xFFFFF010] =	vst v45  }
0x24f: {  	v56 =	vmul.f32 v24, v4;
	v61 =	vadd.f32 v57, v9;
	v20 =	vadd.f32 v20, v36;
	[tilespmem:s29+$0xFFFFF060] =	vst v16  }
0x250: {  	v3 =	vmul.f32 v30, v3;
	v51 =	vmul.f32 v37, v5;
	v53 =	vadd.f32 v23, v50;
	[tilespmem:s29+$0x20] =	vst v8  }
0x251: {  	v58 =	vmul.f32 v54, v4;
	v52 =	vadd.f32 v48, v47;
	v63 =	vadd.f32 v61, v10;
	[tilespmem:s29+$0x40] =	vst v20  }
0x252: {  	s5 =	sadd.s32 $0x1, s5;
	v59 =	vmul.f32 v29, v5;
	v60 =	vadd.f32 v56, v55;
	v11 =	vadd.f32 v11, v51;
	[tilespmem:s29+$0x50] =	vst v53  }
0x253: {  	p0 =	sne.s32 s5, $0x10;
	v3 =	vadd.f32 v58, v3;
	v7 =	vadd.f32 v7, v52;
	[tilespmem:s29+$0xFFFFF050] =	vst v63  }
.Ltmp7:
0x254: {  	v26 =	vadd.f32 v34, v26;
	v46 =	vmul.f32 v40, v5;
	v62 =	vadd.f32 v60, v59;
	[tilespmem:s29+$0xFFFFF070] =	vst v11;
	(pc) =	sbr.rel @p0 .LBB2_14-.Ltmp7, $4  }
0x255: {  	v3 =	vadd.f32 v17, v3;
	[tilespmem:s29+$0x0] =	vst v7  }
0x256: {  	v49 =	vadd.f32 v26, v46;
	[tilespmem:s29+$0xFFFFF030] =	vst v62  }
0x257: {  	[tilespmem:s29+$0x10] =	vst v3  }
0x258: {  	s12 =	sadd.s32 $0x1, s12;
	[tilespmem:s29+$0xFFFFF040] =	vst v49  }
0x259: {  	[hbm4b:s17+s1] =	stream.linear.scatter [tilespmem:s2], [sflag:$0x8], $0x4000, $0x38;
	[tilespmem:$0x14280] =	vst v63  }
0x25a: {  	_ =	swait.ge [sflag:s4], $0x4000  }
0x25b: {  	[sflag:s4] =	ssyncset.done $0x0  }
0x25c: {  	s28 =	sadd.s32 $0x1, s28;
	[sflag:s4] =	ssyncadd.s32 $0xFFFFC000  }
0x25d: {  	p0 =	sne.s32 s28, s18;
	_ =	swait.ge [sflag:s11], $0x4000  }
.Ltmp8:
0x25e: {  	[sflag:s11] =	ssyncset.done $0x0;
	(pc) =	sbr.rel @p0 .LBB2_1-.Ltmp8, $4  }
0x25f: {  	[sflag:s11] =	ssyncadd.s32 $0xFFFFC000  }
0x260: {  	_ =	swait.ge [sflag:s10], $0x4000  }
0x261: {  	[sflag:s10] =	ssyncset.done $0x0  }
0x262: {  	[sflag:s10] =	ssyncadd.s32 $0xFFFFC000  }
0x263: {  	_ =	sfence.sel $0x180000  }
0x264: {  	[bflag:$0x0] =	sbarrier.arrive $0xFFFF  }
0x265: {  	_ =	strace $0x9000004A  }
0x266: {  	s0 =	stileid.u32;
	[bflag:$0x2] =	sbarrier.arrive $0xFFFF  }
0x267: {  	p0 =	sne.s32 s0, $0x0;
	s0 =	rddreg [dreg:$0x2]  }
0x268: {  	s0 =	sadd.s32 @!p0 $0x100000, s0  }
0x269: {  	[sflag:s0] =	ssyncadd.tile.s32 @!p0 $0x1;
	_ =	shalt  }
.Lfunc_end2:
_tile_overlayer_lowered:
.L_overlay_start_2:
0x26a: {  	(tag) =	ssettag $0x2  }
0x26b: {  	s0 =	rddreg [dreg:$0x0];
	s2 =	stileid.u32  }
0x26c: {  	s1 =	rddreg [dreg:$0x1];
	p0 =	sne.s32 s2, $0x0  }
0x26d: {  	s3 =	rddreg [dreg:$0x2];
	[bflag:$0x3] =	sbarrier.arrive $0xFFFF;
	s2 =	simm.s32 @!p0 $0x1C0B  }
0x26e: {  	[timem:s3], [sflag:s2] =	dma.local @!p0 [hbm:s0], s1  }
0x26f: {  	s0 =	simm.s32 @!p0 $0xB  }
0x270: {  	_ =	swait.ge @!p0 [sflag:s0], s1  }
0x271: {  	s1 =	ssub.s32 @!p0 $0x0, s1;
	[sflag:s0] =	ssyncset.done @!p0 $0x0  }
0x272: {  	[sflag:s0] =	ssyncadd.s32 @!p0 s1  }
0x273: {  	[bflag:$0x3] =	sbarrier.arrive $0xFFFF  }
0x274: {  	_ =	shalt  }

// kernel: kernel.7.cloned.1.call-start
scs
__scs_entry_jumppad:
0x0: {  	(pc) =	sbr.rel $0x88, $3  }
0x1: {  	(tag) =	ssettag $0x0;
	lr =	simm.s32 $0x1  }
0x2: {  	[smem:$0x3F9A] =	sst lr;
	_ =	strace $0xD0000000  }
0x3: {  	_ = 	snop  }
0x4: {  	_ = 	snop  }
0x5: {  	_ = 	snop  }
0x6: {  	_ = 	snop  }
0x7: {  	_ = 	snop  }
__scs_overlays_trampoline_lowered:
0x8: {  	[smem:$0x3FA9] =	sst s0  }
0x9: {  	[smem:$0x3FAA] =	sst s1  }
0xa: {  	[smem:$0x3FAB] =	sst s2  }
0xb: {  	[smem:$0x3FAC] =	sst s3  }
0xc: {  	[smem:$0x3FAD] =	sst s4  }
0xd: {  	[smem:$0x3FAE] =	sst s5  }
0xe: {  	[smem:$0x3FAF] =	sst s6  }
0xf: {  	[smem:$0x3FB0] =	sst s7  }
0x10: {  	[smem:$0x3FB1] =	sst s8  }
0x11: {  	[smem:$0x3FB2] =	sst s9;
	s0 =	simm.s32 @!p0 $0x0  }
0x12: {  	s1 =	sld [smem:$0x3F98];
	s0 =	simm.s32 @p0 $0x1  }
0x13: {  	[smem:$0x3FB3] =	sst s0;
	s0 =	simm.s32 @!p1 $0x0  }
0x14: {  	s2 =	sld [smem:$0x3F97];
	s0 =	simm.s32 @p1 $0x1  }
0x15: {  	[smem:$0x3FB4] =	sst s0;
	s0 =	simm.s32 @!p2 $0x0  }
0x16: {  	s3 =	sld [smem:$0x3FDB];
	s0 =	simm.s32 @p2 $0x1  }
0x17: {  	s4 =	simm.s32 $0x1BF5;
	[smem:$0x3FB6] =	sst s0  }
0x18: {  	s0 =	sld [smem:$0x3F99];
	_ =	swait.ge [sflag:s4], $0x0  }
0x19: {  	s7 =	sld [smem:$0x3F9A]  }
0x1a: {  	s8 =	sadd.s32 $0xFFFFE003, lr  }
0x1b: {  	s9 =	sadd.s32 $0xFFFFFEF7, lr;
	s5 =	simm.s32 $0xFFFFFFFF;
	p2 =	slt.u32 s8, $0xFFFFF086  }
0x1c: {  	p1 =	slt.u32 s9, $0xF7A;
	s5 =	simm.s32 @!p2 $0x0  }
0x1d: {  	s5 =	simm.s32 @p1 $0x1;
	p0 =	seq.s32 s7, s2  }
0x1e: {  	s7 =	smul.u32 @!p0 $0xF7A, s2;
	p2 =	seq.s32 @!p0 s5, $0x0  }
0x1f: {  	s9 =	smul.u32 $0xF7A, s1;
	s8 =	simm.s32 @!p0 $0x1BF5;
	p2 =	por !p2, p0  }
0x20: {  	[sflag:s8] =	ssyncset.s32 @!p0 $0xFFFFF086;
	s6 =	sadd.s32 @!p0 s3, s7;
	s7 =	simm.s32 @!p0 $0x108  }
0x21: {  	s3 =	sadd.s32 s3, s9;
	s6 =	sadd.s32 @!p0 $0x88, s6;
	s7 =	simm.s32 @p2 $0x1082  }
0x22: {  	[simem:s7], [sflag:s8] =	dma.local @!p0 [hbm:s6], $0xF7A  }
0x23: {  	s9 =	sor.u32 $0xD0000000, s2;
	s6 =	simm.s32 $0x108;
	_ =	swait.ge @!p0 [sflag:s8], $0x0  }
0x24: {  	s3 =	sadd.s32 $0x88, s3;
	s6 =	simm.s32 @!p1 $0x1082;
	[sflag:s4] =	ssyncset.s32 $0xFFFFF086  }
0x25: {  	[simem:s6], [sflag:s4] =	dma.local [hbm:s3], $0xF7A  }
0x26: {  	[smem:$0x3F9A] =	sst s1;
	(tag) =	ssettag s2;
	_ =	strace s9  }
0x27: {  	s1 =	sld [smem:$0x3FAA]  }
0x28: {  	s2 =	sld [smem:$0x3FAB]  }
0x29: {  	s4 =	sld [smem:$0x3FAD]  }
0x2a: {  	p0 =	seq.s32 s5, $0x0;
	s5 =	sld [smem:$0x3FAE]  }
0x2b: {  	s6 =	sld [smem:$0x3FAF]  }
0x2c: {  	s7 =	sld [smem:$0x3FB0]  }
0x2d: {  	s3 =	simm.s32 $0x108;
	s8 =	sld [smem:$0x3FB1]  }
0x2e: {  	s3 =	simm.s32 @!p0 $0x1082;
	s9 =	sld [smem:$0x3FB2]  }
0x2f: {  	lr =	sadd.s32 s0, s3;
	s0 =	sld [smem:$0x3FA9]  }
0x30: {  	s3 =	sld [smem:$0x3FAC]  }
0x31: {  	[smem:$0x3FB5] =	sst s10  }
0x32: {  	s10 =	sld [smem:$0x3FB3];
	_ =	sdelay $0x3  }
0x33: {  	p0 =	seq.s32 s10, $0x1;
	s10 =	sld [smem:$0x3FB5];
	_ =	sdelay $0x3  }
0x34: {  	[smem:$0x3FB5] =	sst s10  }
0x35: {  	s10 =	sld [smem:$0x3FB4];
	_ =	sdelay $0x3  }
0x36: {  	p1 =	seq.s32 s10, $0x1;
	s10 =	sld [smem:$0x3FB5];
	_ =	sdelay $0x3  }
0x37: {  	[smem:$0x3FB5] =	sst s10  }
0x38: {  	s10 =	sld [smem:$0x3FB6]  }
0x39: {  	_ = 	snop;
	(pc) =	sbr.ind lr, $3  }
0x3a: {  	_ = 	snop  }
0x3b: {  	_ = 	snop  }
0x3c: {  	p2 =	seq.s32 s10, $0x1;
	s10 =	sld [smem:$0x3FB5]  }
0x3d: {  	_ =	shalt  }
0x3e: {  	_ =	shalt  }
0x3f: {  	_ =	shalt  }
0x40: {  	_ =	shalt  }
0x41: {  	_ =	shalt  }
0x42: {  	_ =	shalt  }
0x43: {  	_ =	shalt  }
0x44: {  	_ =	shalt  }
0x45: {  	_ =	shalt  }
0x46: {  	_ =	shalt  }
0x47: {  	_ =	shalt  }
0x48: {  	_ =	shalt  }
0x49: {  	_ =	shalt  }
0x4a: {  	_ =	shalt  }
0x4b: {  	_ =	shalt  }
0x4c: {  	_ =	shalt  }
0x4d: {  	_ =	shalt  }
0x4e: {  	_ =	shalt  }
0x4f: {  	_ =	shalt  }
0x50: {  	_ =	shalt  }
0x51: {  	_ =	shalt  }
0x52: {  	_ =	shalt  }
0x53: {  	_ =	shalt  }
0x54: {  	_ =	shalt  }
0x55: {  	_ =	shalt  }
0x56: {  	_ =	shalt  }
0x57: {  	_ =	shalt  }
0x58: {  	_ =	shalt  }
0x59: {  	_ =	shalt  }
0x5a: {  	_ =	shalt  }
0x5b: {  	_ =	shalt  }
0x5c: {  	_ =	shalt  }
0x5d: {  	_ =	shalt  }
0x5e: {  	_ =	shalt  }
0x5f: {  	_ =	shalt  }
0x60: {  	_ =	shalt  }
0x61: {  	_ =	shalt  }
0x62: {  	_ =	shalt  }
0x63: {  	_ =	shalt  }
0x64: {  	_ =	shalt  }
0x65: {  	_ =	shalt  }
0x66: {  	_ =	shalt  }
0x67: {  	_ =	shalt  }
0x68: {  	_ =	shalt  }
0x69: {  	_ =	shalt  }
0x6a: {  	_ =	shalt  }
0x6b: {  	_ =	shalt  }
0x6c: {  	_ =	shalt  }
0x6d: {  	_ =	shalt  }
0x6e: {  	_ =	shalt  }
0x6f: {  	_ =	shalt  }
0x70: {  	_ =	shalt  }
0x71: {  	_ =	shalt  }
0x72: {  	_ =	shalt  }
0x73: {  	_ =	shalt  }
0x74: {  	_ =	shalt  }
0x75: {  	_ =	shalt  }
0x76: {  	_ =	shalt  }
0x77: {  	_ =	shalt  }
0x78: {  	_ =	shalt  }
0x79: {  	_ =	shalt  }
0x7a: {  	_ =	shalt  }
0x7b: {  	_ =	shalt  }
0x7c: {  	_ =	shalt  }
0x7d: {  	_ =	shalt  }
0x7e: {  	_ =	shalt  }
0x7f: {  	_ =	shalt  }
0x80: {  	_ =	shalt  }
0x81: {  	_ =	shalt  }
0x82: {  	_ =	shalt  }
0x83: {  	_ =	shalt  }
0x84: {  	_ =	shalt  }
0x85: {  	_ =	shalt  }
0x86: {  	_ =	shalt  }
0x87: {  	_ =	shalt  }
.Lfunc_end0:
.L_simem_size_0:
called_computation_lowered:
.L_overlay_start_0:
0x88: {  	s2 =	sld [smem:$0x3FD9]  }
0x89: {  	s3 =	sld [smem:$0x3FFE];
	_ =	sdelay $0x1  }
0x8a: {  	s1 =	srdreg.scid  }
0x8b: {  	s0 =	sand.u32 $0x1, s1  }
0x8c: {  	s17 =	sshll.u32 s0, $0xA;
	s2 =	sadd.s32 s3, s2  }
0x8d: {  	s2 =	sadd.s32 s2, s17  }
0x8e: {  	[smem:$0x3FC1] =	sst s2  }
0x8f: {  	_ = 	snop  }
0x90: {  	s2 =	sld [smem:$0x3FC9];
	(tm) =	ssettm $0x1  }
0x91: {  	s18 =	sld [smem:$0x3FFB];
	_ =	sdelay $0x3  }
0x92: {  	_ =	strace s18  }
0x93: {  	s3 =	sld [smem:$0x3FFC];
	_ =	sdelay $0x3  }
0x94: {  	_ =	strace s3  }
0x95: {  	s3 =	sld [smem:$0x3FFD];
	_ =	sdelay $0x3  }
0x96: {  	_ =	strace s3  }
0x97: {  	_ =	strace $0x8FFFFFFF  }
0x98: {  	s19 =	sld [smem:$0x3FDB];
	_ =	sdelay $0x1  }
0x99: {  	s4 =	simm.s32 $_scs_section_size  }
0x9a: {  	s5 =	simm.s32 $_size__tile_overlayer_lowered;
	s6 =	simm.s32 $_tile_overlayer_lowered  }
0x9b: {  	s22 =	simm.s32 $0x1BFF;
	s21 =	sshll.u32 s6, $0x1;
	s3 =	sadd.s32 s4, s19  }
0x9c: {  	s7 =	simm.s32 $0x0;
	s20 =	sshll.u32 s5, $0x1;
	s5 =	sadd.s32 s21, s3  }
0x9d: {  	[timem:s7], [sflag:s22] =	dma.local [hbm:s5], s20  }
0x9e: {  	_ =	swait.ge [sflag:s22], s20  }
0x9f: {  	s4 =	ssub.s32 $0x0, s20;
	[sflag:s22] =	ssyncset.done $0x0  }
0xa0: {  	[sflag:s22] =	ssyncadd.s32 s4;
	_ =	sdelay $0x1  }
0xa1: {  	s23 =	simm.s32 $0x1B8B  }
0xa2: {  	_ =	swait.ge [sflag:s23], $0x1  }
0xa3: {  	[sflag:s23] =	ssyncset.done $0x0  }
0xa4: {  	s25 =	simm.s32 $0x1B8E;
	s24 =	sld [smem:$0x3FFE];
	[sflag:s23] =	ssyncadd.s32 $0xFFFFFFFF  }
0xa5: {  	s26 =	simm.s32 $execute0_lowered;
	[smem:$0x3FD2] =	sst s25  }
0xa6: {  	s5 =	sshll.u32 s26, $0x1;
	_ =	strace $0x80000046;
	[dreg:$0x1] =	wrdreg $0xFFFFFFFF  }
0xa7: {  	s28 =	simm.s32 $_size_execute0_lowered;
	s3 =	sadd.s32 s3, s5;
	[dreg:$0x0] =	wrdreg $0x0  }
0xa8: {  	s5 =	sshll.u32 s28, $0x1;
	[dreg:$0x2] =	wrdreg s3  }
0xa9: {  	[dreg:$0x3] =	wrdreg s5  }
0xaa: {  	[dreg:$0x4] =	wrdreg $0xC0  }
0xab: {  	_ =	task [dreg:s7], $0x5FFFF  }
0xac: {  	[dreg:$0x1] =	wrdreg $0xFFFFFFFF  }
0xad: {  	[dreg:$0x0] =	wrdreg $0x60  }
0xae: {  	[dreg:$0x2] =	wrdreg s2  }
0xaf: {  	[dreg:$0x3] =	wrdreg s24  }
0xb0: {  	[dreg:$0x4] =	wrdreg $0x9  }
0xb1: {  	_ =	task.clear_ibuf [dreg:s7], $0x5FFFF;
	_ =	strace $0x90000046  }
0xb2: {  	s29 =	simm.s32 $0x9;
	_ =	strace $0x80000048  }
0xb3: {  	_ =	swait.ge [sflag:s29], $0x1  }
0xb4: {  	[sflag:s29] =	ssyncadd.s32 $0xFFFFFFFF  }
0xb5: {  	_ =	strace $0x90000048  }
0xb6: {  	_ =	sfence  }
0xb7: {  	s30 =	sld [smem:$0x0];
	_ =	sdelay $0x2  }
0xb8: {  	s31 =	sshll.u32 s1, $0xD;
	s1 =	sshrl.u32 s1, $0x2  }
0xb9: {  	s3 =	sand.u32 $0x4000, s31;
	s1 =	sadd.s32 s1, s30  }
0xba: {  	s0 =	sor.u32 s3, s0;
	s1 =	sshll.u32 s1, $0x11  }
0xbb: {  	s0 =	sor.u32 s1, s0  }
0xbc: {  	s0 =	sadd.s32 $0x8F2B, s0  }
0xbd: {  	[sflag:s0] =	ssyncadd.remote.s32 $0x1  }
0xbe: {  	_ =	sfence.sel $0xFFFF  }
0xbf: {  	[dreg:$0x0] =	wrdreg $0xFFFFFFFF;
	(pc) =	sbr.abs _section_cstart, $3  }
0xc0: {  	[dreg:$0x1] =	wrdreg $0xFFFFFFFF  }
0xc1: {  	_ =	task.clear_ibuf [dreg:s7], $0x2FFFF;
	_ =	strace $0x9FFFFFFF  }
0xc2: {  	(tm) =	ssettm $0x7FFFFFFF  }
0xc3: {  	_ =	shalt  }
tec
execute0_lowered:
.L_overlay_start_1:
0x0: {  	(tag) =	ssettag $0x1  }
0x1: {  	s0 =	rddreg [dreg:$0x0]  }
0x2: {  	s1 =	rddreg [dreg:$0x1]  }
0x3: {  	s2 =	srdreg.scid;
	s6 =	stileid.u32  }
0x4: {  	s25 =	simm.s32 $0x10000;
	s26 =	simm.s32 $0x10080;
	s8 =	simm.s32 $0x3  }
0x5: {  	s28 =	simm.s32 $0x5000;
	s29 =	simm.s32 $0x5800;
	s30 =	simm.s32 $0x6000  }
0x6: {  	s31 =	simm.s32 $0x6800;
	s9 =	simm.s32 $0x8000;
	s10 =	simm.s32 $0x8800  }
0x7: {  	s11 =	simm.s32 $0x9000;
	s12 =	simm.s32 $0x9800;
	s13 =	simm.s32 $0xA000  }
0x8: {  	s14 =	simm.s32 $0xA800;
	s15 =	simm.s32 $0xB000;
	s16 =	simm.s32 $0xB800  }
0x9: {  	s17 =	simm.s32 $0xC000;
	s3 =	sand.u32 $0x1, s2;
	s2 =	simm.s32 $0x0  }
0xa: {  	s5 =	sshll.u32 s6, $0x7;
	s6 =	sshll.u32 s6, $0xE;
	s4 =	sshll.u32 s3, $0x3  }
0xb: {  	s7 =	sshll.u32 s3, $0xD;
	[smem:$0x7FF] =	sst s2;
	s20 =	ssub.s32 $0x2, s3  }
0xc: {  	s3 =	sadd.s32 $0x2A00, s1;
	s4 =	sor.u32 s4, s5;
	s19 =	sor.u32 s7, s6  }
0xd: {  	_ =	strace $0x80000047;
	s22 =	sshrl.u32 s20, $0x1;
	[dreg:$0x6] =	wrdreg s25  }
0xe: {  	s5 =	sadd.s32 $0x2C00, s1;
	s6 =	sadd.s32 $0x2D00, s1;
	[dreg:$0x7] =	wrdreg s26  }
0xf: {  	s25 =	simm.s32 $0x4000;
	s26 =	simm.s32 $0x4800;
	s4 =	sadd.s32 s4, s1  }
0x10: {  	s0 =	sadd.s32 s0, s19;
	s24 =	ssub.s32 s20, s22;
	s20 =	simm.s32 $0x1800  }
0x11: {  	s22 =	simm.s32 $0x2800;
	[dreg:$0x3] =	wrdreg s0;
	s21 =	sadd.s32 $0x1A00, s4  }
0x12: {  	v2 =	vlaneseq.u32;
	s23 =	sadd.s32 $0x1A10, s4;
	s4 =	sadd.s32 $0x2B00, s1;
	s7 =	smax.u32 s24, $0x1  }
0x13: {  	vm0 =	vmmov $0xffff;
	v1 =	vshrl.u32 v2, $0x3;
	s24 =	simm.s32 $0x3800;
	s1 =	simm.s32 $0x7800;
	[dreg:$0x4] =	wrdreg s21  }
0x14: {  	v0 =	vand.u32 $0x7, v2;
	v2 =	vor.u32 $0x8, v2;
	v1 =	vmul.u32 $0x8, v1;
	[dreg:$0x5] =	wrdreg s23;
	s21 =	simm.s32 $0x2000;
	s23 =	simm.s32 $0x3000  }
.LBB2_1:
0x15: {  	s18 =	rddreg [dreg:$0x3]  }
0x16: {  	[tilespmem:s2], [sflag:$0x3] =	stream.linear.gather [hbm4b:s18+s2], $0x10000, $0x38;
	[tilespmem:$0x10100] =	vst v63  }
0x17: {  	_ =	swait.ge [sflag:s8], $0x10000  }
0x18: {  	s0 =	rddreg [dreg:$0x4];
	[sflag:s8] =	ssyncset.done $0x0  }
0x19: {  	s19 =	rddreg [dreg:$0x6];
	[sflag:s8] =	ssyncadd.s32 $0xFFFF0000  }
0x1a: {  	[tilespmem:s19], [sflag:$0x3] =	stream.linear.gather [hbm4b:s0+s2], $0x40, $0x38;
	[tilespmem:$0x10100] =	vst v63  }
0x1b: {  	_ =	swait.ge [sflag:s8], $0x40  }
0x1c: {  	s19 =	rddreg [dreg:$0x5];
	[sflag:s8] =	ssyncset.done $0x0  }
0x1d: {  	s0 =	rddreg [dreg:$0x7];
	[sflag:s8] =	ssyncadd.s32 $0xFFFFFFC0  }
0x1e: {  	[tilespmem:s0], [sflag:$0x3] =	stream.linear.gather [hbm4b:s19+s2], $0x40, $0x38;
	[tilespmem:$0x10100] =	vst v63  }
0x1f: {  	_ =	swait.ge [sflag:s8], $0x40  }
0x20: {  	[sflag:s8] =	ssyncset.done $0x0  }
0x21: {  	[sflag:s8] =	ssyncadd.s32 $0xFFFFFFC0  }
0x22: {  	v3 =	vld [tilespmem:$0x10000];
	_ =	sdelay $0x4  }
0x23: {  	v4 =	vshll.u32 v3, $0x3  }
0x24: {  	v3 =	vand.u32 $0x7, v3;
	v4 =	vand.u32 $0xFFFFFFC0, v4  }
0x25: {  	v3 =	vor.u32 v3, v4  }
0x26: {  	v4 =	vperm.xlane v3, v0;
	_ =	sdelay $0x1  }
0x27: {  	v4 =	vadd.s32 v1, v4;
	_ =	sdelay $0x4  }
0x28: {  	[hbm4b:s3+s2] =	stream.indirect_vreg.scatter [tilespmem:s2], [sflag:$0x1], $0x80, v4, vm0, $0xb8;
	[tilespmem:$0x10100] =	vst v63  }
0x29: {  	s18 =	simm.s32 $0x800;
	v3 =	vperm.xlane v3, v2  }
0x2a: {  	[hbm4b:s4+s2] =	stream.indirect_vreg.scatter [tilespmem:s18], [sflag:$0x1], $0x80, v4, vm0, $0xb8;
	[tilespmem:$0x10100] =	vst v63  }
0x2b: {  	s19 =	simm.s32 $0x1000;
	v3 =	vadd.s32 v1, v3  }
0x2c: {  	[hbm4b:s5+s2] =	stream.indirect_vreg.scatter [tilespmem:s19], [sflag:$0x1], $0x80, v4, vm0, $0xb8;
	[tilespmem:$0x10100] =	vst v63  }
0x2d: {  	_ = 	snop  }
0x2e: {  	[hbm4b:s6+s2] =	stream.indirect_vreg.scatter [tilespmem:s20], [sflag:$0x1], $0x80, v4, vm0, $0xb8;
	[tilespmem:$0x10100] =	vst v63  }
0x2f: {  	_ = 	snop  }
0x30: {  	[hbm4b:s3+s2] =	stream.indirect_vreg.scatter [tilespmem:s21], [sflag:$0x1], $0x80, v3, vm0, $0xb8;
	[tilespmem:$0x10100] =	vst v63  }
0x31: {  	_ = 	snop  }
0x32: {  	[hbm4b:s4+s2] =	stream.indirect_vreg.scatter [tilespmem:s22], [sflag:$0x1], $0x80, v3, vm0, $0xb8;
	[tilespmem:$0x10100] =	vst v63  }
0x33: {  	_ = 	snop  }
0x34: {  	[hbm4b:s5+s2] =	stream.indirect_vreg.scatter [tilespmem:s23], [sflag:$0x1], $0x80, v3, vm0, $0xb8;
	[tilespmem:$0x10100] =	vst v63  }
0x35: {  	_ = 	snop  }
0x36: {  	[hbm4b:s6+s2] =	stream.indirect_vreg.scatter [tilespmem:s24], [sflag:$0x1], $0x80, v3, vm0, $0xb8;
	[tilespmem:$0x10100] =	vst v63  }
0x37: {  	v3 =	vld [tilespmem:$0x10010];
	_ =	sdelay $0x4  }
0x38: {  	v57 =	vshll.u32 v3, $0x3  }
0x39: {  	v3 =	vand.u32 $0x7, v3;
	v4 =	vand.u32 $0xFFFFFFC0, v57  }
0x3a: {  	v3 =	vor.u32 v3, v4  }
0x3b: {  	v4 =	vperm.xlane v3, v0;
	_ =	sdelay $0x1  }
0x3c: {  	v4 =	vadd.s32 v1, v4;
	_ =	sdelay $0x4  }
0x3d: {  	[hbm4b:s3+s2] =	stream.indirect_vreg.scatter [tilespmem:s25], [sflag:$0x1], $0x80, v4, vm0, $0xb8;
	[tilespmem:$0x10100] =	vst v63  }
0x3e: {  	v3 =	vperm.xlane v3, v2  }
0x3f: {  	[hbm4b:s4+s2] =	stream.indirect_vreg.scatter [tilespmem:s26], [sflag:$0x1], $0x80, v4, vm0, $0xb8;
	[tilespmem:$0x10100] =	vst v63  }
0x40: {  	v3 =	vadd.s32 v1, v3  }
0x41: {  	[hbm4b:s5+s2] =	stream.indirect_vreg.scatter [tilespmem:s28], [sflag:$0x1], $0x80, v4, vm0, $0xb8;
	[tilespmem:$0x10100] =	vst v63  }
0x42: {  	_ = 	snop  }
0x43: {  	[hbm4b:s6+s2] =	stream.indirect_vreg.scatter [tilespmem:s29], [sflag:$0x1], $0x80, v4, vm0, $0xb8;
	[tilespmem:$0x10100] =	vst v63  }
0x44: {  	_ = 	snop  }
0x45: {  	[hbm4b:s3+s2] =	stream.indirect_vreg.scatter [tilespmem:s30], [sflag:$0x1], $0x80, v3, vm0, $0xb8;
	[tilespmem:$0x10100] =	vst v63  }
0x46: {  	_ = 	snop  }
0x47: {  	[hbm4b:s4+s2] =	stream.indirect_vreg.scatter [tilespmem:s31], [sflag:$0x1], $0x80, v3, vm0, $0xb8;
	[tilespmem:$0x10100] =	vst v63  }
0x48: {  	s0 =	simm.s32 $0x7000  }
0x49: {  	[hbm4b:s5+s2] =	stream.indirect_vreg.scatter [tilespmem:s0], [sflag:$0x1], $0x80, v3, vm0, $0xb8;
	[tilespmem:$0x10100] =	vst v63  }
0x4a: {  	_ = 	snop  }
0x4b: {  	[hbm4b:s6+s2] =	stream.indirect_vreg.scatter [tilespmem:s1], [sflag:$0x1], $0x80, v3, vm0, $0xb8;
	[tilespmem:$0x10100] =	vst v63  }
0x4c: {  	v3 =	vld [tilespmem:$0x10020];
	_ =	sdelay $0x4  }
0x4d: {  	v58 =	vshll.u32 v3, $0x3  }
0x4e: {  	v3 =	vand.u32 $0x7, v3;
	v4 =	vand.u32 $0xFFFFFFC0, v58  }
0x4f: {  	v3 =	vor.u32 v3, v4  }
0x50: {  	v4 =	vperm.xlane v3, v0;
	_ =	sdelay $0x1  }
0x51: {  	v4 =	vadd.s32 v1, v4;
	_ =	sdelay $0x4  }
0x52: {  	[hbm4b:s3+s2] =	stream.indirect_vreg.scatter [tilespmem:s9], [sflag:$0x1], $0x80, v4, vm0, $0xb8;
	[tilespmem:$0x10100] =	vst v63  }
0x53: {  	v3 =	vperm.xlane v3, v2  }
0x54: {  	[hbm4b:s4+s2] =	stream.indirect_vreg.scatter [tilespmem:s10], [sflag:$0x1], $0x80, v4, vm0, $0xb8;
	[tilespmem:$0x10100] =	vst v63  }
0x55: {  	v3 =	vadd.s32 v1, v3  }
0x56: {  	[hbm4b:s5+s2] =	stream.indirect_vreg.scatter [tilespmem:s11], [sflag:$0x1], $0x80, v4, vm0, $0xb8;
	[tilespmem:$0x10100] =	vst v63  }
0x57: {  	_ = 	snop  }
0x58: {  	[hbm4b:s6+s2] =	stream.indirect_vreg.scatter [tilespmem:s12], [sflag:$0x1], $0x80, v4, vm0, $0xb8;
	[tilespmem:$0x10100] =	vst v63  }
0x59: {  	_ = 	snop  }
0x5a: {  	[hbm4b:s3+s2] =	stream.indirect_vreg.scatter [tilespmem:s13], [sflag:$0x1], $0x80, v3, vm0, $0xb8;
	[tilespmem:$0x10100] =	vst v63  }
0x5b: {  	_ = 	snop  }
0x5c: {  	[hbm4b:s4+s2] =	stream.indirect_vreg.scatter [tilespmem:s14], [sflag:$0x1], $0x80, v3, vm0, $0xb8;
	[tilespmem:$0x10100] =	vst v63  }
0x5d: {  	_ = 	snop  }
0x5e: {  	[hbm4b:s5+s2] =	stream.indirect_vreg.scatter [tilespmem:s15], [sflag:$0x1], $0x80, v3, vm0, $0xb8;
	[tilespmem:$0x10100] =	vst v63  }
0x5f: {  	_ = 	snop  }
0x60: {  	[hbm4b:s6+s2] =	stream.indirect_vreg.scatter [tilespmem:s16], [sflag:$0x1], $0x80, v3, vm0, $0xb8;
	[tilespmem:$0x10100] =	vst v63  }
0x61: {  	v3 =	vld [tilespmem:$0x10030];
	_ =	sdelay $0x4  }
0x62: {  	v59 =	vshll.u32 v3, $0x3  }
0x63: {  	v3 =	vand.u32 $0x7, v3;
	v4 =	vand.u32 $0xFFFFFFC0, v59  }
0x64: {  	v3 =	vor.u32 v3, v4  }
0x65: {  	v4 =	vperm.xlane v3, v0;
	_ =	sdelay $0x1  }
0x66: {  	v4 =	vadd.s32 v1, v4;
	_ =	sdelay $0x4  }
0x67: {  	[hbm4b:s3+s2] =	stream.indirect_vreg.scatter [tilespmem:s17], [sflag:$0x1], $0x80, v4, vm0, $0xb8;
	[tilespmem:$0x10100] =	vst v63  }
0x68: {  	s0 =	simm.s32 $0xC800;
	v3 =	vperm.xlane v3, v2  }
0x69: {  	[hbm4b:s4+s2] =	stream.indirect_vreg.scatter [tilespmem:s0], [sflag:$0x1], $0x80, v4, vm0, $0xb8;
	[tilespmem:$0x10100] =	vst v63  }
0x6a: {  	v3 =	vadd.s32 v1, v3;
	s0 =	simm.s32 $0xD000  }
0x6b: {  	[hbm4b:s5+s2] =	stream.indirect_vreg.scatter [tilespmem:s0], [sflag:$0x1], $0x80, v4, vm0, $0xb8;
	[tilespmem:$0x10100] =	vst v63  }
0x6c: {  	s0 =	simm.s32 $0xD800  }
0x6d: {  	[hbm4b:s6+s2] =	stream.indirect_vreg.scatter [tilespmem:s0], [sflag:$0x1], $0x80, v4, vm0, $0xb8;
	[tilespmem:$0x10100] =	vst v63  }
0x6e: {  	s0 =	simm.s32 $0xE000  }
0x6f: {  	[hbm4b:s3+s2] =	stream.indirect_vreg.scatter [tilespmem:s0], [sflag:$0x1], $0x80, v3, vm0, $0xb8;
	[tilespmem:$0x10100] =	vst v63  }
0x70: {  	s0 =	simm.s32 $0xE800  }
0x71: {  	[hbm4b:s4+s2] =	stream.indirect_vreg.scatter [tilespmem:s0], [sflag:$0x1], $0x80, v3, vm0, $0xb8;
	[tilespmem:$0x10100] =	vst v63  }
0x72: {  	s0 =	simm.s32 $0xF000  }
0x73: {  	[hbm4b:s5+s2] =	stream.indirect_vreg.scatter [tilespmem:s0], [sflag:$0x1], $0x80, v3, vm0, $0xb8;
	[tilespmem:$0x10100] =	vst v63  }
0x74: {  	s0 =	simm.s32 $0xF800  }
0x75: {  	[hbm4b:s6+s2] =	stream.indirect_vreg.scatter [tilespmem:s0], [sflag:$0x1], $0x80, v3, vm0, $0xb8;
	[tilespmem:$0x10100] =	vst v63  }
0x76: {  	v3 =	vld [tilespmem:$0x10080];
	_ =	sdelay $0x4  }
0x77: {  	v60 =	vshll.u32 v3, $0x3  }
0x78: {  	v3 =	vand.u32 $0x7, v3;
	v4 =	vand.u32 $0xFFFFFFC0, v60  }
0x79: {  	v3 =	vor.u32 v3, v4  }
0x7a: {  	v4 =	vperm.xlane v3, v0;
	_ =	sdelay $0x1  }
0x7b: {  	v4 =	vadd.s32 v1, v4;
	_ =	sdelay $0x4  }
0x7c: {  	[hbm4b:s3+s2] =	stream.indirect_vreg.scatter [tilespmem:s2], [sflag:$0x2], $0x80, v4, vm0, $0xb8;
	[tilespmem:$0x10100] =	vst v63  }
0x7d: {  	v3 =	vperm.xlane v3, v2  }
0x7e: {  	[hbm4b:s4+s2] =	stream.indirect_vreg.scatter [tilespmem:s18], [sflag:$0x2], $0x80, v4, vm0, $0xb8;
	[tilespmem:$0x10100] =	vst v63  }
0x7f: {  	v3 =	vadd.s32 v1, v3  }
0x80: {  	[hbm4b:s5+s2] =	stream.indirect_vreg.scatter [tilespmem:s19], [sflag:$0x2], $0x80, v4, vm0, $0xb8;
	[tilespmem:$0x10100] =	vst v63  }
0x81: {  	_ = 	snop  }
0x82: {  	[hbm4b:s6+s2] =	stream.indirect_vreg.scatter [tilespmem:s20], [sflag:$0x2], $0x80, v4, vm0, $0xb8;
	[tilespmem:$0x10100] =	vst v63  }
0x83: {  	_ = 	snop  }
0x84: {  	[hbm4b:s3+s2] =	stream.indirect_vreg.scatter [tilespmem:s21], [sflag:$0x2], $0x80, v3, vm0, $0xb8;
	[tilespmem:$0x10100] =	vst v63  }
0x85: {  	_ = 	snop  }
0x86: {  	[hbm4b:s4+s2] =	stream.indirect_vreg.scatter [tilespmem:s22], [sflag:$0x2], $0x80, v3, vm0, $0xb8;
	[tilespmem:$0x10100] =	vst v63  }
0x87: {  	_ = 	snop  }
0x88: {  	[hbm4b:s5+s2] =	stream.indirect_vreg.scatter [tilespmem:s23], [sflag:$0x2], $0x80, v3, vm0, $0xb8;
	[tilespmem:$0x10100] =	vst v63  }
0x89: {  	_ = 	snop  }
0x8a: {  	[hbm4b:s6+s2] =	stream.indirect_vreg.scatter [tilespmem:s24], [sflag:$0x2], $0x80, v3, vm0, $0xb8;
	[tilespmem:$0x10100] =	vst v63  }
0x8b: {  	v3 =	vld [tilespmem:$0x10090];
	_ =	sdelay $0x4  }
0x8c: {  	v61 =	vshll.u32 v3, $0x3  }
0x8d: {  	v3 =	vand.u32 $0x7, v3;
	v4 =	vand.u32 $0xFFFFFFC0, v61  }
0x8e: {  	v3 =	vor.u32 v3, v4  }
0x8f: {  	v4 =	vperm.xlane v3, v0;
	_ =	sdelay $0x1  }
0x90: {  	v4 =	vadd.s32 v1, v4;
	_ =	sdelay $0x4  }
0x91: {  	[hbm4b:s3+s2] =	stream.indirect_vreg.scatter [tilespmem:s25], [sflag:$0x2], $0x80, v4, vm0, $0xb8;
	[tilespmem:$0x10100] =	vst v63  }
0x92: {  	v3 =	vperm.xlane v3, v2  }
0x93: {  	[hbm4b:s4+s2] =	stream.indirect_vreg.scatter [tilespmem:s26], [sflag:$0x2], $0x80, v4, vm0, $0xb8;
	[tilespmem:$0x10100] =	vst v63  }
0x94: {  	v3 =	vadd.s32 v1, v3  }
0x95: {  	[hbm4b:s5+s2] =	stream.indirect_vreg.scatter [tilespmem:s28], [sflag:$0x2], $0x80, v4, vm0, $0xb8;
	[tilespmem:$0x10100] =	vst v63  }
0x96: {  	_ = 	snop  }
0x97: {  	[hbm4b:s6+s2] =	stream.indirect_vreg.scatter [tilespmem:s29], [sflag:$0x2], $0x80, v4, vm0, $0xb8;
	[tilespmem:$0x10100] =	vst v63  }
0x98: {  	_ = 	snop  }
0x99: {  	[hbm4b:s3+s2] =	stream.indirect_vreg.scatter [tilespmem:s30], [sflag:$0x2], $0x80, v3, vm0, $0xb8;
	[tilespmem:$0x10100] =	vst v63  }
0x9a: {  	_ = 	snop  }
0x9b: {  	[hbm4b:s4+s2] =	stream.indirect_vreg.scatter [tilespmem:s31], [sflag:$0x2], $0x80, v3, vm0, $0xb8;
	[tilespmem:$0x10100] =	vst v63  }
0x9c: {  	s18 =	simm.s32 $0x7000  }
0x9d: {  	[hbm4b:s5+s2] =	stream.indirect_vreg.scatter [tilespmem:s18], [sflag:$0x2], $0x80, v3, vm0, $0xb8;
	[tilespmem:$0x10100] =	vst v63  }
0x9e: {  	_ = 	snop  }
0x9f: {  	[hbm4b:s6+s2] =	stream.indirect_vreg.scatter [tilespmem:s1], [sflag:$0x2], $0x80, v3, vm0, $0xb8;
	[tilespmem:$0x10100] =	vst v63  }
0xa0: {  	v3 =	vld [tilespmem:$0x100A0];
	_ =	sdelay $0x4  }
0xa1: {  	v62 =	vshll.u32 v3, $0x3  }
0xa2: {  	v3 =	vand.u32 $0x7, v3;
	v4 =	vand.u32 $0xFFFFFFC0, v62  }
0xa3: {  	v3 =	vor.u32 v3, v4  }
0xa4: {  	v4 =	vperm.xlane v3, v0;
	_ =	sdelay $0x1  }
0xa5: {  	v4 =	vadd.s32 v1, v4;
	_ =	sdelay $0x4  }
0xa6: {  	[hbm4b:s3+s2] =	stream.indirect_vreg.scatter [tilespmem:s9], [sflag:$0x2], $0x80, v4, vm0, $0xb8;
	[tilespmem:$0x10100] =	vst v63  }
0xa7: {  	v3 =	vperm.xlane v3, v2  }
0xa8: {  	[hbm4b:s4+s2] =	stream.indirect_vreg.scatter [tilespmem:s10], [sflag:$0x2], $0x80, v4, vm0, $0xb8;
	[tilespmem:$0x10100] =	vst v63  }
0xa9: {  	v3 =	vadd.s32 v1, v3  }
0xaa: {  	[hbm4b:s5+s2] =	stream.indirect_vreg.scatter [tilespmem:s11], [sflag:$0x2], $0x80, v4, vm0, $0xb8;
	[tilespmem:$0x10100] =	vst v63  }
0xab: {  	_ = 	snop  }
0xac: {  	[hbm4b:s6+s2] =	stream.indirect_vreg.scatter [tilespmem:s12], [sflag:$0x2], $0x80, v4, vm0, $0xb8;
	[tilespmem:$0x10100] =	vst v63  }
0xad: {  	_ = 	snop  }
0xae: {  	[hbm4b:s3+s2] =	stream.indirect_vreg.scatter [tilespmem:s13], [sflag:$0x2], $0x80, v3, vm0, $0xb8;
	[tilespmem:$0x10100] =	vst v63  }
0xaf: {  	_ = 	snop  }
0xb0: {  	[hbm4b:s4+s2] =	stream.indirect_vreg.scatter [tilespmem:s14], [sflag:$0x2], $0x80, v3, vm0, $0xb8;
	[tilespmem:$0x10100] =	vst v63  }
0xb1: {  	_ = 	snop  }
0xb2: {  	[hbm4b:s5+s2] =	stream.indirect_vreg.scatter [tilespmem:s15], [sflag:$0x2], $0x80, v3, vm0, $0xb8;
	[tilespmem:$0x10100] =	vst v63  }
0xb3: {  	_ = 	snop  }
0xb4: {  	[hbm4b:s6+s2] =	stream.indirect_vreg.scatter [tilespmem:s16], [sflag:$0x2], $0x80, v3, vm0, $0xb8;
	[tilespmem:$0x10100] =	vst v63  }
0xb5: {  	v3 =	vld [tilespmem:$0x100B0];
	_ =	sdelay $0x4  }
0xb6: {  	v63 =	vshll.u32 v3, $0x3  }
0xb7: {  	v3 =	vand.u32 $0x7, v3;
	v4 =	vand.u32 $0xFFFFFFC0, v63  }
0xb8: {  	v3 =	vor.u32 v3, v4  }
0xb9: {  	v4 =	vperm.xlane v3, v0;
	_ =	sdelay $0x1  }
0xba: {  	v4 =	vadd.s32 v1, v4;
	_ =	sdelay $0x4  }
0xbb: {  	[hbm4b:s3+s2] =	stream.indirect_vreg.scatter [tilespmem:s17], [sflag:$0x2], $0x80, v4, vm0, $0xb8;
	[tilespmem:$0x10100] =	vst v63  }
0xbc: {  	s19 =	simm.s32 $0xC800;
	v3 =	vperm.xlane v3, v2  }
0xbd: {  	[hbm4b:s4+s2] =	stream.indirect_vreg.scatter [tilespmem:s19], [sflag:$0x2], $0x80, v4, vm0, $0xb8;
	[tilespmem:$0x10100] =	vst v63  }
0xbe: {  	s18 =	simm.s32 $0xD000;
	v3 =	vadd.s32 v1, v3  }
0xbf: {  	[hbm4b:s5+s2] =	stream.indirect_vreg.scatter [tilespmem:s18], [sflag:$0x2], $0x80, v4, vm0, $0xb8;
	[tilespmem:$0x10100] =	vst v63  }
0xc0: {  	s19 =	simm.s32 $0xD800  }
0xc1: {  	[hbm4b:s6+s2] =	stream.indirect_vreg.scatter [tilespmem:s19], [sflag:$0x2], $0x80, v4, vm0, $0xb8;
	[tilespmem:$0x10100] =	vst v63  }
0xc2: {  	s18 =	simm.s32 $0xE000  }
0xc3: {  	[hbm4b:s3+s2] =	stream.indirect_vreg.scatter [tilespmem:s18], [sflag:$0x2], $0x80, v3, vm0, $0xb8;
	[tilespmem:$0x10100] =	vst v63  }
0xc4: {  	s19 =	simm.s32 $0xE800  }
0xc5: {  	[hbm4b:s4+s2] =	stream.indirect_vreg.scatter [tilespmem:s19], [sflag:$0x2], $0x80, v3, vm0, $0xb8;
	[tilespmem:$0x10100] =	vst v63  }
0xc6: {  	s18 =	simm.s32 $0xF000  }
0xc7: {  	[hbm4b:s5+s2] =	stream.indirect_vreg.scatter [tilespmem:s18], [sflag:$0x2], $0x80, v3, vm0, $0xb8;
	[tilespmem:$0x10100] =	vst v63  }
0xc8: {  	s19 =	simm.s32 $0xF800;
	s18 =	simm.s32 $0x1  }
0xc9: {  	[hbm4b:s6+s2] =	stream.indirect_vreg.scatter [tilespmem:s19], [sflag:$0x2], $0x80, v3, vm0, $0xb8;
	[tilespmem:$0x10100] =	vst v63  }
0xca: {  	p0 =	sne.s32 s7, $0x1;
	_ =	swait.ge [sflag:s18], $0x10000  }
.Ltmp0:
0xcb: {  	[sflag:s18] =	ssyncset.done $0x0;
	(pc) =	sbr.rel @p0 .LBB2_1-.Ltmp0, $4  }
0xcc: {  	s19 =	simm.s32 $0x2;
	[sflag:s18] =	ssyncadd.s32 $0xFFFF0000  }
0xcd: {  	_ =	swait.ge [sflag:s19], $0x10000  }
0xce: {  	[sflag:s19] =	ssyncset.done $0x0  }
0xcf: {  	s7 =	sadd.s32 $0xFFFFFFFF, s7;
	[sflag:s19] =	ssyncadd.s32 $0xFFFF0000  }
0xd0: {  	_ =	sfence.sel $0x180000  }
0xd1: {  	[bflag:$0x0] =	sbarrier.arrive $0xFFFF  }
0xd2: {  	_ =	strace $0x90000047  }
0xd3: {  	s0 =	stileid.u32;
	[bflag:$0x2] =	sbarrier.arrive $0xFFFF  }
0xd4: {  	p0 =	sne.s32 s0, $0x0;
	s0 =	rddreg [dreg:$0x2]  }
0xd5: {  	s0 =	sadd.s32 @!p0 $0x100000, s0  }
0xd6: {  	[sflag:s0] =	ssyncadd.tile.s32 @!p0 $0x1;
	_ =	shalt  }
.Lfunc_end2:
_tile_overlayer_lowered:
.L_overlay_start_2:
0xd7: {  	(tag) =	ssettag $0x2  }
0xd8: {  	s0 =	rddreg [dreg:$0x0];
	s2 =	stileid.u32  }
0xd9: {  	s1 =	rddreg [dreg:$0x1];
	p0 =	sne.s32 s2, $0x0  }
0xda: {  	s3 =	rddreg [dreg:$0x2];
	[bflag:$0x3] =	sbarrier.arrive $0xFFFF;
	s2 =	simm.s32 @!p0 $0x1C03  }
0xdb: {  	[timem:s3], [sflag:s2] =	dma.local @!p0 [hbm:s0], s1  }
0xdc: {  	s0 =	simm.s32 @!p0 $0x3  }
0xdd: {  	_ =	swait.ge @!p0 [sflag:s0], s1  }
0xde: {  	s1 =	ssub.s32 @!p0 $0x0, s1;
	[sflag:s0] =	ssyncset.done @!p0 $0x0  }
0xdf: {  	[sflag:s0] =	ssyncadd.s32 @!p0 s1  }
0xe0: {  	[bflag:$0x3] =	sbarrier.arrive $0xFFFF  }
0xe1: {  	_ =	shalt  }

</sc_bundles>
